<compile_context>
chip_gen: v7x
topology: tpu7x:2x2x1
jax: 0.10.2.dev20260603
libtpu: 0.0.44.dev20260713+nightly
codegen_flags: <defaults>
</compile_context>

<pallas_src>
import functools

import jax
import jax.numpy as jnp
from jax import lax
from jax.experimental import pallas as pl
from jax.experimental.pallas import tpu as pltpu
from jax.experimental.pallas import tpu_sc as plsc

_PB = 512
_DCG = 32
_NW = 32
_PCH = 1024


def _sc_encode(xt, lvl, pos, d0, dn):
    p_total, batch = xt.shape
    levels = lvl.shape[0]
    nhalf = dn // (_NW * _DCG)
    mesh = plsc.VectorSubcoreMesh(core_axis_name="c", subcore_axis_name="s")

    @functools.partial(
        pl.kernel,
        out_type=jax.ShapeDtypeStruct((batch, dn), jnp.float32),
        mesh=mesh,
        compiler_params=pltpu.CompilerParams(use_tc_tiling_on_sc=False),
        scratch_types=[
            pltpu.VMEM((p_total, 16), jnp.float32),
            pltpu.VMEM((_PCH, _DCG), jnp.float32),
            pltpu.VMEM((levels, _DCG), jnp.float32),
            pltpu.VMEM((batch, _DCG), jnp.float32),
        ],
    )
    def k(xt_hbm, lvl_hbm, pos_hbm, out_hbm, idx_v, pos_v, lvl_v, out_v):
        wid = lax.axis_index("s") * 2 + lax.axis_index("c")

        pltpu.sync_copy(xt_hbm, idx_v)

        def _quant(p, carry):
            v = idx_v[p, :] * float(levels - 1)
            ri = lax.convert_element_type(v, jnp.int32)
            r = lax.convert_element_type(ri, jnp.float32)
            f = v - r
            odd = lax.convert_element_type(
                lax.bitwise_and(ri, jnp.int32(1)), jnp.float32)
            up = jnp.where((f > 0.5) | ((f == 0.5) & (odd > 0.5)), 1.0, 0.0)
            idx_v[p, :] = jnp.clip(r + up, 0.0, float(levels - 1))
            return carry

        lax.fori_loop(0, p_total, _quant, 0)

        zeros16 = jnp.zeros((16,), jnp.float32)
        for h in range(nhalf):
            c0 = d0 + wid * _DCG + h * (_NW * _DCG)
            pltpu.sync_copy(lvl_hbm.at[:, pl.ds(c0, _DCG)], lvl_v)
            base0 = lvl_v[0, 0:16]
            base1 = lvl_v[0, 16:32]

            def _trow(l, carry):
                t0, t1 = carry
                t0 = t0 + jnp.where(lvl_v[l, 0:16] == base0, 1.0, 0.0)
                t1 = t1 + jnp.where(lvl_v[l, 16:32] == base1, 1.0, 0.0)
                return (t0, t1)

            t0, t1 = lax.fori_loop(0, levels, _trow, (zeros16, zeros16))

            acc = tuple(zeros16 for _ in range(2 * batch))
            for pc in range(p_total // _PCH):
                pltpu.sync_copy(
                    pos_hbm.at[pl.ds(pc * _PCH, _PCH), pl.ds(c0, _DCG)],
                    pos_v)
                poff = pc * _PCH

                def _body(p, a):
                    al = list(a)
                    pv0 = pos_v[p, 0:16]
                    pv1 = pos_v[p, 16:32]
                    n0 = -pv0
                    n1 = -pv1
                    iv = idx_v[poff + p, :]
                    for b in range(batch):
                        sb = jnp.full((16,), iv[b], jnp.float32)
                        al[2 * b] = al[2 * b] + jnp.where(sb >= t0, n0, pv0)
                        al[2 * b + 1] = al[2 * b + 1] + jnp.where(
                            sb >= t1, n1, pv1)
                    return tuple(al)

                acc = lax.fori_loop(0, _PCH, _body, acc)

            for b in range(batch):
                out_v[b, 0:16] = jnp.where(acc[2 * b] * base0 > 0, 1.0, -1.0)
                out_v[b, 16:32] = jnp.where(
                    acc[2 * b + 1] * base1 > 0, 1.0, -1.0)
            pltpu.sync_copy(out_v, out_hbm.at[:, pl.ds(c0 - d0, _DCG)])

    return k(xt, lvl, pos)


def _enc_kernel(x_ref, lvl_ref, pos_ref, out_ref, acc_ref):
    j = pl.program_id(0)
    nsteps = pl.num_programs(0)

    lvl = lvl_ref[...]
    base = lvl[0:1, :]
    t = jnp.sum((lvl == base).astype(jnp.float32), axis=0, keepdims=True)
    t16 = t.astype(jnp.bfloat16)

    levels = lvl_ref.shape[0]
    idx = jnp.clip(jnp.round(x_ref[...] * (levels - 1)), 0.0, levels - 1.0)
    idx16 = idx.astype(jnp.bfloat16)

    @pl.when(j == 0)
    def _init():
        acc_ref[...] = jnp.zeros_like(acc_ref)

    pos16 = pos_ref[...].astype(jnp.bfloat16)
    pb = pos_ref.shape[0]
    ones = jnp.ones((1, pb), dtype=jnp.bfloat16)
    zero = jnp.zeros((), dtype=jnp.bfloat16)
    s0blk = jax.lax.dot_general(
        ones, pos16, (((1,), (0,)), ((), ())),
        preferred_element_type=jnp.float32,
    )
    batch = x_ref.shape[0]
    for b in range(batch):
        m = idx16[b, :][:, None] >= t16
        masked = jnp.where(m, pos16, zero)
        g = jax.lax.dot_general(
            ones, masked, (((1,), (0,)), ((), ())),
            preferred_element_type=jnp.float32,
        )
        acc_ref[b : b + 1, :] += s0blk - 2.0 * g

    @pl.when(j == nsteps - 1)
    def _finish():
        out_ref[...] = jnp.where(acc_ref[...] * base > 0, 1.0, -1.0)


def kernel(x, pos_weight, level_weight):
    batch = x.shape[0]
    p_total = pos_weight.shape[0]
    levels, dim = level_weight.shape
    xf = x.reshape(batch, p_total)
    return _sc_encode(xf.T, level_weight, pos_weight, 0, dim)

    return pl.pallas_call(
        _enc_kernel,
        grid=(p_total // _PB,),
        in_specs=[
            pl.BlockSpec((batch, _PB), lambda j: (0, j)),
            pl.BlockSpec((levels, dim), lambda j: (0, 0)),
            pl.BlockSpec((_PB, dim), lambda j: (j, 0)),
        ],
        out_specs=pl.BlockSpec((batch, dim), lambda j: (0, 0)),
        out_shape=jax.ShapeDtypeStruct((batch, dim), jnp.float32),
        scratch_shapes=[pltpu.VMEM((batch, dim), jnp.float32)],
    )(xf, level_weight, pos_weight)

# --- scband reference (transcript-rebuilt; emitter-appended) ---
"""Pipeline reference for scband-base-level-encoder-25537875542225 (READ-ONLY COPY).

The authoritative reference and input builder live on the scoring server;
editing this copy changes nothing except your own understanding.
"""

import jax, jax.numpy as jnp
import numpy as np

OUT_FEATURES = 2048
CHANNELS = 3
SIZE = 32
LEVELS = 256
P = SIZE * SIZE * CHANNELS
BATCH = 16


def _random_hv(key, n, dim):
    # torchhd MAP Random embedding: uniform random bipolar {-1, +1} hypervectors
    return jnp.where(jax.random.uniform(key, (n, dim)) < 0.5, -1.0, 1.0).astype(jnp.float32)


def _level_hv(key, levels, dim):
    # torchhd Level embedding: start from a random bipolar base hv and flip an
    # increasing fraction of components (in a fixed random order) per level,
    # so adjacent levels are similar and extreme levels are dissimilar.
    k1, k2 = jax.random.split(key)
    base = jnp.where(jax.random.uniform(k1, (dim,)) < 0.5, -1.0, 1.0).astype(jnp.float32)
    flip_order = jax.random.permutation(k2, dim)
    inv_rank = jnp.argsort(flip_order)  # position j -> flip rank
    thresh = jnp.floor(jnp.arange(levels, dtype=jnp.float32) / (levels - 1) * dim)  # [levels]
    mask = inv_rank[None, :].astype(jnp.float32) < thresh[:, None]  # [levels, dim]
    return jnp.where(mask, -base[None, :], base[None, :])


def setup_inputs(seed: int = 0) -> dict:
    key = jax.random.key(seed)
    kx, kp, kl = jax.random.split(key, 3)
    # x plays the role of an image batch [B, C*H, W]; Flatten(start_dim=-2)
    # collapses it to [B, size*size*channels] matching the position table.
    x = jax.random.uniform(kx, (BATCH, CHANNELS * SIZE, SIZE), dtype=jnp.float32)
    pos_weight = _random_hv(kp, P, OUT_FEATURES)          # position hypervectors [P, D]
    level_weight = _level_hv(kl, LEVELS, OUT_FEATURES)    # level hypervectors  [L, D]
    return {"x": x, "pos_weight": pos_weight, "level_weight": level_weight}


def reference(x, pos_weight, level_weight):
    # flatten(start_dim=-2)
    flat = x.reshape(x.shape[:-2] + (x.shape[-2] * x.shape[-1],))  # [B, P]
    levels = level_weight.shape[0]
    # torchhd Level.forward: value_to_index (round of map_range) + clamp + embedding lookup
    idx = jnp.clip(jnp.round(flat * (levels - 1)), 0, levels - 1).astype(jnp.int32)
    v = jnp.take(level_weight, idx, axis=0)               # [B, P, D] gather
    # torchhd.bind for MAP VSA = elementwise multiply
    bound = pos_weight[None, :, :] * v                    # [B, P, D]
    # torchhd.multiset = sum over the hypervector set dimension
    ms = jnp.sum(bound, axis=-2)                          # [B, D]
    # torchhd.hard_quantize = where(x > 0, 1, -1)
    return jnp.where(ms > 0, 1.0, -1.0)

if __name__ == "__main__":
    import jax
    _d = setup_inputs()
    print(jax.jit(kernel)(*tuple(_d.values())))

</pallas_src>

<mosaic_0001>
#map = affine_map<(d0, d1) -> (0, 0)>
module attributes {stable_mosaic.version = 14 : i64} {
  func.func @k(%arg0: i32, %arg1: i32, %arg2: memref<3072x16xf32, #tpu.memory_space<hbm>>, %arg3: memref<256x2048xf32, #tpu.memory_space<hbm>>, %arg4: memref<3072x2048xf32, #tpu.memory_space<hbm>>, %arg5: memref<16x2048xf32, #tpu.memory_space<hbm>>, %arg6: memref<3072x16xf32, #tpu.memory_space<vmem>>, %arg7: memref<1024x32xf32, #tpu.memory_space<vmem>>, %arg8: memref<256x32xf32, #tpu.memory_space<vmem>>, %arg9: memref<16x32xf32, #tpu.memory_space<vmem>>) attributes {dimension_semantics = [#tpu.dimension_semantics<core_parallel>, #tpu.dimension_semantics<subcore_parallel>], iteration_bounds = array<i64: 2, 16>, scalar_prefetch = 0 : i64, scratch_operands = 4 : i64, tpu.core_type = #tpu.core_type<sc_vector_subcore>, window_params = [{transform_indices = #map}, {transform_indices = #map}, {transform_indices = #map}, {transform_indices = #map}]} {
    %mul3A = arith.constant 2 : i32
    %mul3A_0 = arith.muli %arg1, %mul3A : i32
    %add3A = arith.addi %mul3A_0, %arg0 : i32
    "tpu.region"() ({
      %run_scoped3A = tpu.sem_alloc : memref<!tpu.dma_semaphore, #tpu.memory_space<semaphore_mem>>
      tpu.enqueue_dma source(%arg2 : memref<3072x16xf32, #tpu.memory_space<hbm>>) target(%arg6 : memref<3072x16xf32, #tpu.memory_space<vmem>>) target_semaphore(%run_scoped3A : memref<!tpu.dma_semaphore, #tpu.memory_space<semaphore_mem>>)
      tpu.wait_dma2 semaphore(%run_scoped3A : memref<!tpu.dma_semaphore, #tpu.memory_space<semaphore_mem>>) src(%arg2 : memref<3072x16xf32, #tpu.memory_space<hbm>>) dst(%arg6 : memref<3072x16xf32, #tpu.memory_space<vmem>>)
      tpu.yield
    }) : () -> ()
    %scan3A = arith.constant 0 : i32
    %scan3A_1 = arith.constant 0 : i32
    %scan3A_2 = arith.constant 3072 : i32
    %scan3A_3 = arith.addi %scan3A_1, %scan3A_2 : i32
    %scan3A_4 = arith.constant 1 : i32
    scf.for %scan3A_1045 = %scan3A_1 to %scan3A_3 step %scan3A_4  : i32 {
      %get3A_1046 = arith.index_cast %scan3A_1045 : i32 to index
      %get3A_1047 = arith.constant 0 : index
      %get3A_1048 = tpu.vector_load %arg6[%get3A_1046, %get3A_1047] {strides = array<i32>} : memref<3072x16xf32, #tpu.memory_space<vmem>>, vector<1x16xf32>,
      %get3A_1049 = vector.shape_cast %get3A_1048 : vector<1x16xf32> to vector<16xf32>
      %mul3A_1050 = arith.constant 2.550000e+02 : f32
      %mul3A_1051 = vector.broadcast %mul3A_1050 : f32 to vector<16xf32>
      %mul3A_1052 = arith.mulf %get3A_1049, %mul3A_1051 : vector<16xf32>
      %convert_element_type3A = arith.fptosi %mul3A_1052 : vector<16xf32> to vector<16xi32>
      %convert_element_type3A_1053 = arith.sitofp %convert_element_type3A : vector<16xi32> to vector<16xf32>
      %sub3A_1054 = arith.subf %mul3A_1052, %convert_element_type3A_1053 : vector<16xf32>
      %and3A = arith.constant 1 : i32
      %and3A_1055 = vector.broadcast %and3A : i32 to vector<16xi32>
      %and3A_1056 = arith.andi %convert_element_type3A, %and3A_1055 : vector<16xi32>
      %convert_element_type3A_1057 = arith.sitofp %and3A_1056 : vector<16xi32> to vector<16xf32>
      %gt3A_1058 = arith.constant 5.000000e-01 : f32
      %gt3A_1059 = vector.broadcast %gt3A_1058 : f32 to vector<16xf32>
      %gt3A_1060 = arith.cmpf ogt, %sub3A_1054, %gt3A_1059 : vector<16xf32>
      %eq3A = arith.constant 5.000000e-01 : f32
      %eq3A_1061 = vector.broadcast %eq3A : f32 to vector<16xf32>
      %eq3A_1062 = arith.cmpf oeq, %sub3A_1054, %eq3A_1061 : vector<16xf32>
      %gt3A_1063 = arith.constant 5.000000e-01 : f32
      %gt3A_1064 = vector.broadcast %gt3A_1063 : f32 to vector<16xf32>
      %gt3A_1065 = arith.cmpf ogt, %convert_element_type3A_1057, %gt3A_1064 : vector<16xf32>
      %and3A_1066 = arith.andi %eq3A_1062, %gt3A_1065 : vector<16xi1>
      %or3A = arith.ori %gt3A_1060, %and3A_1066 : vector<16xi1>
      %jit3A_1067 = arith.constant 1.000000e+00 : f32
      %jit3A_1068 = arith.constant 0.000000e+00 : f32
      %broadcast_in_dim3A_1069 = vector.broadcast %jit3A_1067 : f32 to vector<16xf32>
      %broadcast_in_dim3A_1070 = vector.broadcast %jit3A_1068 : f32 to vector<16xf32>
      %select_n3A_1071 = arith.select %or3A, %broadcast_in_dim3A_1069, %broadcast_in_dim3A_1070 : vector<16xi1>, vector<16xf32>
      %add3A_1072 = arith.addf %convert_element_type3A_1053, %select_n3A_1071 : vector<16xf32>
      %jit3A_1073 = arith.constant 0.000000e+00 : f32
      %jit3A_1074 = arith.constant 2.550000e+02 : f32
      %max3A = vector.broadcast %jit3A_1073 : f32 to vector<16xf32>
      %max3A_1075 = arith.maximumf %max3A, %add3A_1072 : vector<16xf32>
      %min3A = vector.broadcast %jit3A_1074 : f32 to vector<16xf32>
      %min3A_1076 = arith.minimumf %min3A, %max3A_1075 : vector<16xf32>
      %swap3A_1077 = arith.index_cast %scan3A_1045 : i32 to index
      %swap3A_1078 = arith.constant 0 : index
      %swap3A_1079 = tpu.vector_load %arg6[%swap3A_1077, %swap3A_1078] {strides = array<i32>} : memref<3072x16xf32, #tpu.memory_space<vmem>>, vector<1x16xf32>,
      %swap3A_1080 = vector.shape_cast %swap3A_1079 : vector<1x16xf32> to vector<16xf32>
      %swap3A_1081 = vector.shape_cast %min3A_1076 : vector<16xf32> to vector<1x16xf32>
      tpu.vector_store %arg6[%swap3A_1077, %swap3A_1078], %swap3A_1081 {strides = array<i32>} : memref<3072x16xf32, #tpu.memory_space<vmem>>, vector<1x16xf32>,
    }
    %scan3A_5 = arith.constant 3072 : i32
    %broadcast_in_dim3A = arith.constant 0.000000e+00 : f32
    %broadcast_in_dim3A_6 = vector.broadcast %broadcast_in_dim3A : f32 to vector<16xf32>
    %mul3A_7 = arith.constant 32 : i32
    %mul3A_8 = arith.muli %add3A, %mul3A_7 : i32
    %add3A_9 = arith.constant 0 : i32
    %add3A_10 = arith.addi %add3A_9, %mul3A_8 : i32
    %add3A_11 = arith.constant 0 : i32
    %add3A_12 = arith.addi %add3A_10, %add3A_11 : i32
    "tpu.region"() ({
      %run_scoped3A = tpu.sem_alloc : memref<!tpu.dma_semaphore, #tpu.memory_space<semaphore_mem>>
      %dma_start3A = arith.constant 0 : i32
      %dma_start3A_1045 = tpu.memref_slice %arg3[%dma_start3A, %add3A_12] : memref<256x2048xf32, #tpu.memory_space<hbm>> -> memref<256x32xf32, #tpu.memory_space<hbm>>
      %dma_start3A_1046 = arith.constant 0 : i32
      %dma_start3A_1047 = tpu.memref_slice %arg3[%dma_start3A_1046, %add3A_12] : memref<256x2048xf32, #tpu.memory_space<hbm>> -> memref<256x32xf32, #tpu.memory_space<hbm>>
      tpu.enqueue_dma source(%dma_start3A_1047 : memref<256x32xf32, #tpu.memory_space<hbm>>) target(%arg8 : memref<256x32xf32, #tpu.memory_space<vmem>>) target_semaphore(%run_scoped3A : memref<!tpu.dma_semaphore, #tpu.memory_space<semaphore_mem>>)
      %dma_wait3A = arith.constant 0 : i32
      %dma_wait3A_1048 = tpu.memref_slice %arg3[%dma_wait3A, %add3A_12] : memref<256x2048xf32, #tpu.memory_space<hbm>> -> memref<256x32xf32, #tpu.memory_space<hbm>>
      %dma_wait3A_1049 = arith.constant 0 : i32
      %dma_wait3A_1050 = tpu.memref_slice %arg3[%dma_wait3A_1049, %add3A_12] : memref<256x2048xf32, #tpu.memory_space<hbm>> -> memref<256x32xf32, #tpu.memory_space<hbm>>
      tpu.wait_dma2 semaphore(%run_scoped3A : memref<!tpu.dma_semaphore, #tpu.memory_space<semaphore_mem>>) src(%dma_wait3A_1050 : memref<256x32xf32, #tpu.memory_space<hbm>>) dst(%arg8 : memref<256x32xf32, #tpu.memory_space<vmem>>)
      tpu.yield
    }) : () -> ()
    %get3A = arith.constant 0 : i32
    %get3A_13 = arith.index_cast %get3A : i32 to index
    %get3A_14 = arith.constant 0 : index
    %get3A_15 = tpu.vector_load %arg8[%get3A_13, %get3A_14] {strides = array<i32>} : memref<256x32xf32, #tpu.memory_space<vmem>>, vector<1x16xf32>,
    %get3A_16 = vector.shape_cast %get3A_15 : vector<1x16xf32> to vector<16xf32>
    %get3A_17 = arith.constant 0 : i32
    %get3A_18 = arith.index_cast %get3A_17 : i32 to index
    %get3A_19 = arith.constant 16 : index
    %get3A_20 = tpu.vector_load %arg8[%get3A_18, %get3A_19] {strides = array<i32>} : memref<256x32xf32, #tpu.memory_space<vmem>>, vector<1x16xf32>,
    %get3A_21 = vector.shape_cast %get3A_20 : vector<1x16xf32> to vector<16xf32>
    %scan3A_22 = arith.constant 0 : i32
    %scan3A_23 = arith.constant 256 : i32
    %scan3A_24 = arith.addi %scan3A_22, %scan3A_23 : i32
    %scan3A_25 = arith.constant 1 : i32
    %scan3A_26:2 = scf.for %scan3A_1045 = %scan3A_22 to %scan3A_24 step %scan3A_25 iter_args(%scan3A_1046 = %broadcast_in_dim3A_6, %scan3A_1047 = %broadcast_in_dim3A_6) -> (vector<16xf32>, vector<16xf32>)  : i32 {
      %get3A_1048 = arith.index_cast %scan3A_1045 : i32 to index
      %get3A_1049 = arith.constant 0 : index
      %get3A_1050 = tpu.vector_load %arg8[%get3A_1048, %get3A_1049] {strides = array<i32>} : memref<256x32xf32, #tpu.memory_space<vmem>>, vector<1x16xf32>,
      %get3A_1051 = vector.shape_cast %get3A_1050 : vector<1x16xf32> to vector<16xf32>
      %eq3A = arith.cmpf oeq, %get3A_1051, %get3A_16 : vector<16xf32>
      %jit3A_1052 = arith.constant 1.000000e+00 : f32
      %jit3A_1053 = arith.constant 0.000000e+00 : f32
      %broadcast_in_dim3A_1054 = vector.broadcast %jit3A_1052 : f32 to vector<16xf32>
      %broadcast_in_dim3A_1055 = vector.broadcast %jit3A_1053 : f32 to vector<16xf32>
      %select_n3A_1056 = arith.select %eq3A, %broadcast_in_dim3A_1054, %broadcast_in_dim3A_1055 : vector<16xi1>, vector<16xf32>
      %add3A_1057 = arith.addf %scan3A_1046, %select_n3A_1056 : vector<16xf32>
      %get3A_1058 = arith.index_cast %scan3A_1045 : i32 to index
      %get3A_1059 = arith.constant 16 : index
      %get3A_1060 = tpu.vector_load %arg8[%get3A_1058, %get3A_1059] {strides = array<i32>} : memref<256x32xf32, #tpu.memory_space<vmem>>, vector<1x16xf32>,
      %get3A_1061 = vector.shape_cast %get3A_1060 : vector<1x16xf32> to vector<16xf32>
      %eq3A_1062 = arith.cmpf oeq, %get3A_1061, %get3A_21 : vector<16xf32>
      %jit3A_1063 = arith.constant 1.000000e+00 : f32
      %jit3A_1064 = arith.constant 0.000000e+00 : f32
      %broadcast_in_dim3A_1065 = vector.broadcast %jit3A_1063 : f32 to vector<16xf32>
      %broadcast_in_dim3A_1066 = vector.broadcast %jit3A_1064 : f32 to vector<16xf32>
      %select_n3A_1067 = arith.select %eq3A_1062, %broadcast_in_dim3A_1065, %broadcast_in_dim3A_1066 : vector<16xi1>, vector<16xf32>
      %add3A_1068 = arith.addf %scan3A_1047, %select_n3A_1067 : vector<16xf32>
      scf.yield %add3A_1057, %add3A_1068 : vector<16xf32>, vector<16xf32>
    }
    %scan3A_27 = arith.constant 256 : i32
    "tpu.region"() ({
      %run_scoped3A = tpu.sem_alloc : memref<!tpu.dma_semaphore, #tpu.memory_space<semaphore_mem>>
      %dma_start3A = arith.constant 0 : i32
      %dma_start3A_1045 = tpu.memref_slice %arg4[%dma_start3A, %add3A_12] : memref<3072x2048xf32, #tpu.memory_space<hbm>> -> memref<1024x32xf32, #tpu.memory_space<hbm>>
      %dma_start3A_1046 = arith.constant 0 : i32
      %dma_start3A_1047 = tpu.memref_slice %arg4[%dma_start3A_1046, %add3A_12] : memref<3072x2048xf32, #tpu.memory_space<hbm>> -> memref<1024x32xf32, #tpu.memory_space<hbm>>
      tpu.enqueue_dma source(%dma_start3A_1047 : memref<1024x32xf32, #tpu.memory_space<hbm>>) target(%arg7 : memref<1024x32xf32, #tpu.memory_space<vmem>>) target_semaphore(%run_scoped3A : memref<!tpu.dma_semaphore, #tpu.memory_space<semaphore_mem>>)
      %dma_wait3A = arith.constant 0 : i32
      %dma_wait3A_1048 = tpu.memref_slice %arg4[%dma_wait3A, %add3A_12] : memref<3072x2048xf32, #tpu.memory_space<hbm>> -> memref<1024x32xf32, #tpu.memory_space<hbm>>
      %dma_wait3A_1049 = arith.constant 0 : i32
      %dma_wait3A_1050 = tpu.memref_slice %arg4[%dma_wait3A_1049, %add3A_12] : memref<3072x2048xf32, #tpu.memory_space<hbm>> -> memref<1024x32xf32, #tpu.memory_space<hbm>>
      tpu.wait_dma2 semaphore(%run_scoped3A : memref<!tpu.dma_semaphore, #tpu.memory_space<semaphore_mem>>) src(%dma_wait3A_1050 : memref<1024x32xf32, #tpu.memory_space<hbm>>) dst(%arg7 : memref<1024x32xf32, #tpu.memory_space<vmem>>)
      tpu.yield
    }) : () -> ()
    %scan3A_28 = arith.constant 0 : i32
    %scan3A_29 = arith.constant 1024 : i32
    %scan3A_30 = arith.addi %scan3A_28, %scan3A_29 : i32
    %scan3A_31 = arith.constant 1 : i32
    %scan3A_32:32 = scf.for %scan3A_1045 = %scan3A_28 to %scan3A_30 step %scan3A_31 iter_args(%scan3A_1046 = %broadcast_in_dim3A_6, %scan3A_1047 = %broadcast_in_dim3A_6, %scan3A_1048 = %broadcast_in_dim3A_6, %scan3A_1049 = %broadcast_in_dim3A_6, %scan3A_1050 = %broadcast_in_dim3A_6, %scan3A_1051 = %broadcast_in_dim3A_6, %scan3A_1052 = %broadcast_in_dim3A_6, %scan3A_1053 = %broadcast_in_dim3A_6, %scan3A_1054 = %broadcast_in_dim3A_6, %scan3A_1055 = %broadcast_in_dim3A_6, %scan3A_1056 = %broadcast_in_dim3A_6, %scan3A_1057 = %broadcast_in_dim3A_6, %scan3A_1058 = %broadcast_in_dim3A_6, %scan3A_1059 = %broadcast_in_dim3A_6, %scan3A_1060 = %broadcast_in_dim3A_6, %scan3A_1061 = %broadcast_in_dim3A_6, %scan3A_1062 = %broadcast_in_dim3A_6, %scan3A_1063 = %broadcast_in_dim3A_6, %scan3A_1064 = %broadcast_in_dim3A_6, %scan3A_1065 = %broadcast_in_dim3A_6, %scan3A_1066 = %broadcast_in_dim3A_6, %scan3A_1067 = %broadcast_in_dim3A_6, %scan3A_1068 = %broadcast_in_dim3A_6, %scan3A_1069 = %broadcast_in_dim3A_6, %scan3A_1070 = %broadcast_in_dim3A_6, %scan3A_1071 = %broadcast_in_dim3A_6, %scan3A_1072 = %broadcast_in_dim3A_6, %scan3A_1073 = %broadcast_in_dim3A_6, %scan3A_1074 = %broadcast_in_dim3A_6, %scan3A_1075 = %broadcast_in_dim3A_6, %scan3A_1076 = %broadcast_in_dim3A_6, %scan3A_1077 = %broadcast_in_dim3A_6) -> (vector<16xf32>, vector<16xf32>, vector<16xf32>, vector<16xf32>, vector<16xf32>, vector<16xf32>, vector<16xf32>, vector<16xf32>, vector<16xf32>, vector<16xf32>, vector<16xf32>, vector<16xf32>, vector<16xf32>, vector<16xf32>, vector<16xf32>, vector<16xf32>, vector<16xf32>, vector<16xf32>, vector<16xf32>, vector<16xf32>, vector<16xf32>, vector<16xf32>, vector<16xf32>, vector<16xf32>, vector<16xf32>, vector<16xf32>, vector<16xf32>, vector<16xf32>, vector<16xf32>, vector<16xf32>, vector<16xf32>, vector<16xf32>)  : i32 {
      %get3A_1078 = arith.index_cast %scan3A_1045 : i32 to index
      %get3A_1079 = arith.constant 0 : index
      %get3A_1080 = tpu.vector_load %arg7[%get3A_1078, %get3A_1079] {strides = array<i32>} : memref<1024x32xf32, #tpu.memory_space<vmem>>, vector<1x16xf32>,
      %get3A_1081 = vector.shape_cast %get3A_1080 : vector<1x16xf32> to vector<16xf32>
      %get3A_1082 = arith.index_cast %scan3A_1045 : i32 to index
      %get3A_1083 = arith.constant 16 : index
      %get3A_1084 = tpu.vector_load %arg7[%get3A_1082, %get3A_1083] {strides = array<i32>} : memref<1024x32xf32, #tpu.memory_space<vmem>>, vector<1x16xf32>,
      %get3A_1085 = vector.shape_cast %get3A_1084 : vector<1x16xf32> to vector<16xf32>
      %neg3A = arith.constant 0.000000e+00 : f32
      %neg3A_1086 = vector.broadcast %neg3A : f32 to vector<16xf32>
      %neg3A_1087 = arith.subf %neg3A_1086, %get3A_1081 : vector<16xf32>
      %neg3A_1088 = arith.constant 0.000000e+00 : f32
      %neg3A_1089 = vector.broadcast %neg3A_1088 : f32 to vector<16xf32>
      %neg3A_1090 = arith.subf %neg3A_1089, %get3A_1085 : vector<16xf32>
      %add3A_1091 = arith.constant 0 : i32
      %add3A_1092 = arith.addi %add3A_1091, %scan3A_1045 : i32
      %get3A_1093 = arith.index_cast %add3A_1092 : i32 to index
      %get3A_1094 = arith.constant 0 : index
      %get3A_1095 = tpu.vector_load %arg6[%get3A_1093, %get3A_1094] {strides = array<i32>} : memref<3072x16xf32, #tpu.memory_space<vmem>>, vector<1x16xf32>,
      %get3A_1096 = vector.shape_cast %get3A_1095 : vector<1x16xf32> to vector<16xf32>
      %slice3A = vector.extract_strided_slice %get3A_1096 {offsets = [0], sizes = [1], strides = [1]} : vector<16xf32> to vector<1xf32>
      %squeeze3A = vector.extract %slice3A[0] : f32 from vector<1xf32>
      %broadcast_in_dim3A_1097 = vector.broadcast %squeeze3A : f32 to vector<16xf32>
      %ge3A = arith.cmpf oge, %broadcast_in_dim3A_1097, %scan3A_26#0 : vector<16xf32>
      %select_n3A_1098 = arith.select %ge3A, %neg3A_1087, %get3A_1081 : vector<16xi1>, vector<16xf32>
      %add3A_1099 = arith.addf %scan3A_1046, %select_n3A_1098 : vector<16xf32>
      %ge3A_1100 = arith.cmpf oge, %broadcast_in_dim3A_1097, %scan3A_26#1 : vector<16xf32>
      %select_n3A_1101 = arith.select %ge3A_1100, %neg3A_1090, %get3A_1085 : vector<16xi1>, vector<16xf32>
      %add3A_1102 = arith.addf %scan3A_1047, %select_n3A_1101 : vector<16xf32>
      %slice3A_1103 = vector.extract_strided_slice %get3A_1096 {offsets = [1], sizes = [1], strides = [1]} : vector<16xf32> to vector<1xf32>
      %squeeze3A_1104 = vector.extract %slice3A_1103[0] : f32 from vector<1xf32>
      %broadcast_in_dim3A_1105 = vector.broadcast %squeeze3A_1104 : f32 to vector<16xf32>
      %ge3A_1106 = arith.cmpf oge, %broadcast_in_dim3A_1105, %scan3A_26#0 : vector<16xf32>
      %select_n3A_1107 = arith.select %ge3A_1106, %neg3A_1087, %get3A_1081 : vector<16xi1>, vector<16xf32>
      %add3A_1108 = arith.addf %scan3A_1048, %select_n3A_1107 : vector<16xf32>
      %ge3A_1109 = arith.cmpf oge, %broadcast_in_dim3A_1105, %scan3A_26#1 : vector<16xf32>
      %select_n3A_1110 = arith.select %ge3A_1109, %neg3A_1090, %get3A_1085 : vector<16xi1>, vector<16xf32>
      %add3A_1111 = arith.addf %scan3A_1049, %select_n3A_1110 : vector<16xf32>
      %slice3A_1112 = vector.extract_strided_slice %get3A_1096 {offsets = [2], sizes = [1], strides = [1]} : vector<16xf32> to vector<1xf32>
      %squeeze3A_1113 = vector.extract %slice3A_1112[0] : f32 from vector<1xf32>
      %broadcast_in_dim3A_1114 = vector.broadcast %squeeze3A_1113 : f32 to vector<16xf32>
      %ge3A_1115 = arith.cmpf oge, %broadcast_in_dim3A_1114, %scan3A_26#0 : vector<16xf32>
      %select_n3A_1116 = arith.select %ge3A_1115, %neg3A_1087, %get3A_1081 : vector<16xi1>, vector<16xf32>
      %add3A_1117 = arith.addf %scan3A_1050, %select_n3A_1116 : vector<16xf32>
      %ge3A_1118 = arith.cmpf oge, %broadcast_in_dim3A_1114, %scan3A_26#1 : vector<16xf32>
      %select_n3A_1119 = arith.select %ge3A_1118, %neg3A_1090, %get3A_1085 : vector<16xi1>, vector<16xf32>
      %add3A_1120 = arith.addf %scan3A_1051, %select_n3A_1119 : vector<16xf32>
      %slice3A_1121 = vector.extract_strided_slice %get3A_1096 {offsets = [3], sizes = [1], strides = [1]} : vector<16xf32> to vector<1xf32>
      %squeeze3A_1122 = vector.extract %slice3A_1121[0] : f32 from vector<1xf32>
      %broadcast_in_dim3A_1123 = vector.broadcast %squeeze3A_1122 : f32 to vector<16xf32>
      %ge3A_1124 = arith.cmpf oge, %broadcast_in_dim3A_1123, %scan3A_26#0 : vector<16xf32>
      %select_n3A_1125 = arith.select %ge3A_1124, %neg3A_1087, %get3A_1081 : vector<16xi1>, vector<16xf32>
      %add3A_1126 = arith.addf %scan3A_1052, %select_n3A_1125 : vector<16xf32>
      %ge3A_1127 = arith.cmpf oge, %broadcast_in_dim3A_1123, %scan3A_26#1 : vector<16xf32>
      %select_n3A_1128 = arith.select %ge3A_1127, %neg3A_1090, %get3A_1085 : vector<16xi1>, vector<16xf32>
      %add3A_1129 = arith.addf %scan3A_1053, %select_n3A_1128 : vector<16xf32>
      %slice3A_1130 = vector.extract_strided_slice %get3A_1096 {offsets = [4], sizes = [1], strides = [1]} : vector<16xf32> to vector<1xf32>
      %squeeze3A_1131 = vector.extract %slice3A_1130[0] : f32 from vector<1xf32>
      %broadcast_in_dim3A_1132 = vector.broadcast %squeeze3A_1131 : f32 to vector<16xf32>
      %ge3A_1133 = arith.cmpf oge, %broadcast_in_dim3A_1132, %scan3A_26#0 : vector<16xf32>
      %select_n3A_1134 = arith.select %ge3A_1133, %neg3A_1087, %get3A_1081 : vector<16xi1>, vector<16xf32>
      %add3A_1135 = arith.addf %scan3A_1054, %select_n3A_1134 : vector<16xf32>
      %ge3A_1136 = arith.cmpf oge, %broadcast_in_dim3A_1132, %scan3A_26#1 : vector<16xf32>
      %select_n3A_1137 = arith.select %ge3A_1136, %neg3A_1090, %get3A_1085 : vector<16xi1>, vector<16xf32>
      %add3A_1138 = arith.addf %scan3A_1055, %select_n3A_1137 : vector<16xf32>
      %slice3A_1139 = vector.extract_strided_slice %get3A_1096 {offsets = [5], sizes = [1], strides = [1]} : vector<16xf32> to vector<1xf32>
      %squeeze3A_1140 = vector.extract %slice3A_1139[0] : f32 from vector<1xf32>
      %broadcast_in_dim3A_1141 = vector.broadcast %squeeze3A_1140 : f32 to vector<16xf32>
      %ge3A_1142 = arith.cmpf oge, %broadcast_in_dim3A_1141, %scan3A_26#0 : vector<16xf32>
      %select_n3A_1143 = arith.select %ge3A_1142, %neg3A_1087, %get3A_1081 : vector<16xi1>, vector<16xf32>
      %add3A_1144 = arith.addf %scan3A_1056, %select_n3A_1143 : vector<16xf32>
      %ge3A_1145 = arith.cmpf oge, %broadcast_in_dim3A_1141, %scan3A_26#1 : vector<16xf32>
      %select_n3A_1146 = arith.select %ge3A_1145, %neg3A_1090, %get3A_1085 : vector<16xi1>, vector<16xf32>
      %add3A_1147 = arith.addf %scan3A_1057, %select_n3A_1146 : vector<16xf32>
      %slice3A_1148 = vector.extract_strided_slice %get3A_1096 {offsets = [6], sizes = [1], strides = [1]} : vector<16xf32> to vector<1xf32>
      %squeeze3A_1149 = vector.extract %slice3A_1148[0] : f32 from vector<1xf32>
      %broadcast_in_dim3A_1150 = vector.broadcast %squeeze3A_1149 : f32 to vector<16xf32>
      %ge3A_1151 = arith.cmpf oge, %broadcast_in_dim3A_1150, %scan3A_26#0 : vector<16xf32>
      %select_n3A_1152 = arith.select %ge3A_1151, %neg3A_1087, %get3A_1081 : vector<16xi1>, vector<16xf32>
      %add3A_1153 = arith.addf %scan3A_1058, %select_n3A_1152 : vector<16xf32>
      %ge3A_1154 = arith.cmpf oge, %broadcast_in_dim3A_1150, %scan3A_26#1 : vector<16xf32>
      %select_n3A_1155 = arith.select %ge3A_1154, %neg3A_1090, %get3A_1085 : vector<16xi1>, vector<16xf32>
      %add3A_1156 = arith.addf %scan3A_1059, %select_n3A_1155 : vector<16xf32>
      %slice3A_1157 = vector.extract_strided_slice %get3A_1096 {offsets = [7], sizes = [1], strides = [1]} : vector<16xf32> to vector<1xf32>
      %squeeze3A_1158 = vector.extract %slice3A_1157[0] : f32 from vector<1xf32>
      %broadcast_in_dim3A_1159 = vector.broadcast %squeeze3A_1158 : f32 to vector<16xf32>
      %ge3A_1160 = arith.cmpf oge, %broadcast_in_dim3A_1159, %scan3A_26#0 : vector<16xf32>
      %select_n3A_1161 = arith.select %ge3A_1160, %neg3A_1087, %get3A_1081 : vector<16xi1>, vector<16xf32>
      %add3A_1162 = arith.addf %scan3A_1060, %select_n3A_1161 : vector<16xf32>
      %ge3A_1163 = arith.cmpf oge, %broadcast_in_dim3A_1159, %scan3A_26#1 : vector<16xf32>
      %select_n3A_1164 = arith.select %ge3A_1163, %neg3A_1090, %get3A_1085 : vector<16xi1>, vector<16xf32>
      %add3A_1165 = arith.addf %scan3A_1061, %select_n3A_1164 : vector<16xf32>
      %slice3A_1166 = vector.extract_strided_slice %get3A_1096 {offsets = [8], sizes = [1], strides = [1]} : vector<16xf32> to vector<1xf32>
      %squeeze3A_1167 = vector.extract %slice3A_1166[0] : f32 from vector<1xf32>
      %broadcast_in_dim3A_1168 = vector.broadcast %squeeze3A_1167 : f32 to vector<16xf32>
      %ge3A_1169 = arith.cmpf oge, %broadcast_in_dim3A_1168, %scan3A_26#0 : vector<16xf32>
      %select_n3A_1170 = arith.select %ge3A_1169, %neg3A_1087, %get3A_1081 : vector<16xi1>, vector<16xf32>
      %add3A_1171 = arith.addf %scan3A_1062, %select_n3A_1170 : vector<16xf32>
      %ge3A_1172 = arith.cmpf oge, %broadcast_in_dim3A_1168, %scan3A_26#1 : vector<16xf32>
      %select_n3A_1173 = arith.select %ge3A_1172, %neg3A_1090, %get3A_1085 : vector<16xi1>, vector<16xf32>
      %add3A_1174 = arith.addf %scan3A_1063, %select_n3A_1173 : vector<16xf32>
      %slice3A_1175 = vector.extract_strided_slice %get3A_1096 {offsets = [9], sizes = [1], strides = [1]} : vector<16xf32> to vector<1xf32>
      %squeeze3A_1176 = vector.extract %slice3A_1175[0] : f32 from vector<1xf32>
      %broadcast_in_dim3A_1177 = vector.broadcast %squeeze3A_1176 : f32 to vector<16xf32>
      %ge3A_1178 = arith.cmpf oge, %broadcast_in_dim3A_1177, %scan3A_26#0 : vector<16xf32>
      %select_n3A_1179 = arith.select %ge3A_1178, %neg3A_1087, %get3A_1081 : vector<16xi1>, vector<16xf32>
      %add3A_1180 = arith.addf %scan3A_1064, %select_n3A_1179 : vector<16xf32>
      %ge3A_1181 = arith.cmpf oge, %broadcast_in_dim3A_1177, %scan3A_26#1 : vector<16xf32>
      %select_n3A_1182 = arith.select %ge3A_1181, %neg3A_1090, %get3A_1085 : vector<16xi1>, vector<16xf32>
      %add3A_1183 = arith.addf %scan3A_1065, %select_n3A_1182 : vector<16xf32>
      %slice3A_1184 = vector.extract_strided_slice %get3A_1096 {offsets = [10], sizes = [1], strides = [1]} : vector<16xf32> to vector<1xf32>
      %squeeze3A_1185 = vector.extract %slice3A_1184[0] : f32 from vector<1xf32>
      %broadcast_in_dim3A_1186 = vector.broadcast %squeeze3A_1185 : f32 to vector<16xf32>
      %ge3A_1187 = arith.cmpf oge, %broadcast_in_dim3A_1186, %scan3A_26#0 : vector<16xf32>
      %select_n3A_1188 = arith.select %ge3A_1187, %neg3A_1087, %get3A_1081 : vector<16xi1>, vector<16xf32>
      %add3A_1189 = arith.addf %scan3A_1066, %select_n3A_1188 : vector<16xf32>
      %ge3A_1190 = arith.cmpf oge, %broadcast_in_dim3A_1186, %scan3A_26#1 : vector<16xf32>
      %select_n3A_1191 = arith.select %ge3A_1190, %neg3A_1090, %get3A_1085 : vector<16xi1>, vector<16xf32>
      %add3A_1192 = arith.addf %scan3A_1067, %select_n3A_1191 : vector<16xf32>
      %slice3A_1193 = vector.extract_strided_slice %get3A_1096 {offsets = [11], sizes = [1], strides = [1]} : vector<16xf32> to vector<1xf32>
      %squeeze3A_1194 = vector.extract %slice3A_1193[0] : f32 from vector<1xf32>
      %broadcast_in_dim3A_1195 = vector.broadcast %squeeze3A_1194 : f32 to vector<16xf32>
      %ge3A_1196 = arith.cmpf oge, %broadcast_in_dim3A_1195, %scan3A_26#0 : vector<16xf32>
      %select_n3A_1197 = arith.select %ge3A_1196, %neg3A_1087, %get3A_1081 : vector<16xi1>, vector<16xf32>
      %add3A_1198 = arith.addf %scan3A_1068, %select_n3A_1197 : vector<16xf32>
      %ge3A_1199 = arith.cmpf oge, %broadcast_in_dim3A_1195, %scan3A_26#1 : vector<16xf32>
      %select_n3A_1200 = arith.select %ge3A_1199, %neg3A_1090, %get3A_1085 : vector<16xi1>, vector<16xf32>
      %add3A_1201 = arith.addf %scan3A_1069, %select_n3A_1200 : vector<16xf32>
      %slice3A_1202 = vector.extract_strided_slice %get3A_1096 {offsets = [12], sizes = [1], strides = [1]} : vector<16xf32> to vector<1xf32>
      %squeeze3A_1203 = vector.extract %slice3A_1202[0] : f32 from vector<1xf32>
      %broadcast_in_dim3A_1204 = vector.broadcast %squeeze3A_1203 : f32 to vector<16xf32>
      %ge3A_1205 = arith.cmpf oge, %broadcast_in_dim3A_1204, %scan3A_26#0 : vector<16xf32>
      %select_n3A_1206 = arith.select %ge3A_1205, %neg3A_1087, %get3A_1081 : vector<16xi1>, vector<16xf32>
      %add3A_1207 = arith.addf %scan3A_1070, %select_n3A_1206 : vector<16xf32>
      %ge3A_1208 = arith.cmpf oge, %broadcast_in_dim3A_1204, %scan3A_26#1 : vector<16xf32>
      %select_n3A_1209 = arith.select %ge3A_1208, %neg3A_1090, %get3A_1085 : vector<16xi1>, vector<16xf32>
      %add3A_1210 = arith.addf %scan3A_1071, %select_n3A_1209 : vector<16xf32>
      %slice3A_1211 = vector.extract_strided_slice %get3A_1096 {offsets = [13], sizes = [1], strides = [1]} : vector<16xf32> to vector<1xf32>
      %squeeze3A_1212 = vector.extract %slice3A_1211[0] : f32 from vector<1xf32>
      %broadcast_in_dim3A_1213 = vector.broadcast %squeeze3A_1212 : f32 to vector<16xf32>
      %ge3A_1214 = arith.cmpf oge, %broadcast_in_dim3A_1213, %scan3A_26#0 : vector<16xf32>
      %select_n3A_1215 = arith.select %ge3A_1214, %neg3A_1087, %get3A_1081 : vector<16xi1>, vector<16xf32>
      %add3A_1216 = arith.addf %scan3A_1072, %select_n3A_1215 : vector<16xf32>
      %ge3A_1217 = arith.cmpf oge, %broadcast_in_dim3A_1213, %scan3A_26#1 : vector<16xf32>
      %select_n3A_1218 = arith.select %ge3A_1217, %neg3A_1090, %get3A_1085 : vector<16xi1>, vector<16xf32>
      %add3A_1219 = arith.addf %scan3A_1073, %select_n3A_1218 : vector<16xf32>
      %slice3A_1220 = vector.extract_strided_slice %get3A_1096 {offsets = [14], sizes = [1], strides = [1]} : vector<16xf32> to vector<1xf32>
      %squeeze3A_1221 = vector.extract %slice3A_1220[0] : f32 from vector<1xf32>
      %broadcast_in_dim3A_1222 = vector.broadcast %squeeze3A_1221 : f32 to vector<16xf32>
      %ge3A_1223 = arith.cmpf oge, %broadcast_in_dim3A_1222, %scan3A_26#0 : vector<16xf32>
      %select_n3A_1224 = arith.select %ge3A_1223, %neg3A_1087, %get3A_1081 : vector<16xi1>, vector<16xf32>
      %add3A_1225 = arith.addf %scan3A_1074, %select_n3A_1224 : vector<16xf32>
      %ge3A_1226 = arith.cmpf oge, %broadcast_in_dim3A_1222, %scan3A_26#1 : vector<16xf32>
      %select_n3A_1227 = arith.select %ge3A_1226, %neg3A_1090, %get3A_1085 : vector<16xi1>, vector<16xf32>
      %add3A_1228 = arith.addf %scan3A_1075, %select_n3A_1227 : vector<16xf32>
      %slice3A_1229 = vector.extract_strided_slice %get3A_1096 {offsets = [15], sizes = [1], strides = [1]} : vector<16xf32> to vector<1xf32>
      %squeeze3A_1230 = vector.extract %slice3A_1229[0] : f32 from vector<1xf32>
      %broadcast_in_dim3A_1231 = vector.broadcast %squeeze3A_1230 : f32 to vector<16xf32>
      %ge3A_1232 = arith.cmpf oge, %broadcast_in_dim3A_1231, %scan3A_26#0 : vector<16xf32>
      %select_n3A_1233 = arith.select %ge3A_1232, %neg3A_1087, %get3A_1081 : vector<16xi1>, vector<16xf32>
      %add3A_1234 = arith.addf %scan3A_1076, %select_n3A_1233 : vector<16xf32>
      %ge3A_1235 = arith.cmpf oge, %broadcast_in_dim3A_1231, %scan3A_26#1 : vector<16xf32>
      %select_n3A_1236 = arith.select %ge3A_1235, %neg3A_1090, %get3A_1085 : vector<16xi1>, vector<16xf32>
      %add3A_1237 = arith.addf %scan3A_1077, %select_n3A_1236 : vector<16xf32>
      scf.yield %add3A_1099, %add3A_1102, %add3A_1108, %add3A_1111, %add3A_1117, %add3A_1120, %add3A_1126, %add3A_1129, %add3A_1135, %add3A_1138, %add3A_1144, %add3A_1147, %add3A_1153, %add3A_1156, %add3A_1162, %add3A_1165, %add3A_1171, %add3A_1174, %add3A_1180, %add3A_1183, %add3A_1189, %add3A_1192, %add3A_1198, %add3A_1201, %add3A_1207, %add3A_1210, %add3A_1216, %add3A_1219, %add3A_1225, %add3A_1228, %add3A_1234, %add3A_1237 : vector<16xf32>, vector<16xf32>, vector<16xf32>, vector<16xf32>, vector<16xf32>, vector<16xf32>, vector<16xf32>, vector<16xf32>, vector<16xf32>, vector<16xf32>, vector<16xf32>, vector<16xf32>, vector<16xf32>, vector<16xf32>, vector<16xf32>, vector<16xf32>, vector<16xf32>, vector<16xf32>, vector<16xf32>, vector<16xf32>, vector<16xf32>, vector<16xf32>, vector<16xf32>, vector<16xf32>, vector<16xf32>, vector<16xf32>, vector<16xf32>, vector<16xf32>, vector<16xf32>, vector<16xf32>, vector<16xf32>, vector<16xf32>
    }
    %scan3A_33 = arith.constant 1024 : i32
    "tpu.region"() ({
      %run_scoped3A = tpu.sem_alloc : memref<!tpu.dma_semaphore, #tpu.memory_space<semaphore_mem>>
      %dma_start3A = arith.constant 1024 : i32
      %dma_start3A_1045 = tpu.memref_slice %arg4[%dma_start3A, %add3A_12] : memref<3072x2048xf32, #tpu.memory_space<hbm>> -> memref<1024x32xf32, #tpu.memory_space<hbm>>
      %dma_start3A_1046 = arith.constant 1024 : i32
      %dma_start3A_1047 = tpu.memref_slice %arg4[%dma_start3A_1046, %add3A_12] : memref<3072x2048xf32, #tpu.memory_space<hbm>> -> memref<1024x32xf32, #tpu.memory_space<hbm>>
      tpu.enqueue_dma source(%dma_start3A_1047 : memref<1024x32xf32, #tpu.memory_space<hbm>>) target(%arg7 : memref<1024x32xf32, #tpu.memory_space<vmem>>) target_semaphore(%run_scoped3A : memref<!tpu.dma_semaphore, #tpu.memory_space<semaphore_mem>>)
      %dma_wait3A = arith.constant 1024 : i32
      %dma_wait3A_1048 = tpu.memref_slice %arg4[%dma_wait3A, %add3A_12] : memref<3072x2048xf32, #tpu.memory_space<hbm>> -> memref<1024x32xf32, #tpu.memory_space<hbm>>
      %dma_wait3A_1049 = arith.constant 1024 : i32
      %dma_wait3A_1050 = tpu.memref_slice %arg4[%dma_wait3A_1049, %add3A_12] : memref<3072x2048xf32, #tpu.memory_space<hbm>> -> memref<1024x32xf32, #tpu.memory_space<hbm>>
      tpu.wait_dma2 semaphore(%run_scoped3A : memref<!tpu.dma_semaphore, #tpu.memory_space<semaphore_mem>>) src(%dma_wait3A_1050 : memref<1024x32xf32, #tpu.memory_space<hbm>>) dst(%arg7 : memref<1024x32xf32, #tpu.memory_space<vmem>>)
      tpu.yield
    }) : () -> ()
    %scan3A_34 = arith.constant 0 : i32
    %scan3A_35 = arith.constant 1024 : i32
    %scan3A_36 = arith.addi %scan3A_34, %scan3A_35 : i32
    %scan3A_37 = arith.constant 1 : i32
    %scan3A_38:32 = scf.for %scan3A_1045 = %scan3A_34 to %scan3A_36 step %scan3A_37 iter_args(%scan3A_1046 = %scan3A_32#0, %scan3A_1047 = %scan3A_32#1, %scan3A_1048 = %scan3A_32#2, %scan3A_1049 = %scan3A_32#3, %scan3A_1050 = %scan3A_32#4, %scan3A_1051 = %scan3A_32#5, %scan3A_1052 = %scan3A_32#6, %scan3A_1053 = %scan3A_32#7, %scan3A_1054 = %scan3A_32#8, %scan3A_1055 = %scan3A_32#9, %scan3A_1056 = %scan3A_32#10, %scan3A_1057 = %scan3A_32#11, %scan3A_1058 = %scan3A_32#12, %scan3A_1059 = %scan3A_32#13, %scan3A_1060 = %scan3A_32#14, %scan3A_1061 = %scan3A_32#15, %scan3A_1062 = %scan3A_32#16, %scan3A_1063 = %scan3A_32#17, %scan3A_1064 = %scan3A_32#18, %scan3A_1065 = %scan3A_32#19, %scan3A_1066 = %scan3A_32#20, %scan3A_1067 = %scan3A_32#21, %scan3A_1068 = %scan3A_32#22, %scan3A_1069 = %scan3A_32#23, %scan3A_1070 = %scan3A_32#24, %scan3A_1071 = %scan3A_32#25, %scan3A_1072 = %scan3A_32#26, %scan3A_1073 = %scan3A_32#27, %scan3A_1074 = %scan3A_32#28, %scan3A_1075 = %scan3A_32#29, %scan3A_1076 = %scan3A_32#30, %scan3A_1077 = %scan3A_32#31) -> (vector<16xf32>, vector<16xf32>, vector<16xf32>, vector<16xf32>, vector<16xf32>, vector<16xf32>, vector<16xf32>, vector<16xf32>, vector<16xf32>, vector<16xf32>, vector<16xf32>, vector<16xf32>, vector<16xf32>, vector<16xf32>, vector<16xf32>, vector<16xf32>, vector<16xf32>, vector<16xf32>, vector<16xf32>, vector<16xf32>, vector<16xf32>, vector<16xf32>, vector<16xf32>, vector<16xf32>, vector<16xf32>, vector<16xf32>, vector<16xf32>, vector<16xf32>, vector<16xf32>, vector<16xf32>, vector<16xf32>, vector<16xf32>)  : i32 {
      %get3A_1078 = arith.index_cast %scan3A_1045 : i32 to index
      %get3A_1079 = arith.constant 0 : index
      %get3A_1080 = tpu.vector_load %arg7[%get3A_1078, %get3A_1079] {strides = array<i32>} : memref<1024x32xf32, #tpu.memory_space<vmem>>, vector<1x16xf32>,
      %get3A_1081 = vector.shape_cast %get3A_1080 : vector<1x16xf32> to vector<16xf32>
      %get3A_1082 = arith.index_cast %scan3A_1045 : i32 to index
      %get3A_1083 = arith.constant 16 : index
      %get3A_1084 = tpu.vector_load %arg7[%get3A_1082, %get3A_1083] {strides = array<i32>} : memref<1024x32xf32, #tpu.memory_space<vmem>>, vector<1x16xf32>,
      %get3A_1085 = vector.shape_cast %get3A_1084 : vector<1x16xf32> to vector<16xf32>
      %neg3A = arith.constant 0.000000e+00 : f32
      %neg3A_1086 = vector.broadcast %neg3A : f32 to vector<16xf32>
      %neg3A_1087 = arith.subf %neg3A_1086, %get3A_1081 : vector<16xf32>
      %neg3A_1088 = arith.constant 0.000000e+00 : f32
      %neg3A_1089 = vector.broadcast %neg3A_1088 : f32 to vector<16xf32>
      %neg3A_1090 = arith.subf %neg3A_1089, %get3A_1085 : vector<16xf32>
      %add3A_1091 = arith.constant 1024 : i32
      %add3A_1092 = arith.addi %add3A_1091, %scan3A_1045 : i32
      %get3A_1093 = arith.index_cast %add3A_1092 : i32 to index
      %get3A_1094 = arith.constant 0 : index
      %get3A_1095 = tpu.vector_load %arg6[%get3A_1093, %get3A_1094] {strides = array<i32>} : memref<3072x16xf32, #tpu.memory_space<vmem>>, vector<1x16xf32>,
      %get3A_1096 = vector.shape_cast %get3A_1095 : vector<1x16xf32> to vector<16xf32>
      %slice3A = vector.extract_strided_slice %get3A_1096 {offsets = [0], sizes = [1], strides = [1]} : vector<16xf32> to vector<1xf32>
      %squeeze3A = vector.extract %slice3A[0] : f32 from vector<1xf32>
      %broadcast_in_dim3A_1097 = vector.broadcast %squeeze3A : f32 to vector<16xf32>
      %ge3A = arith.cmpf oge, %broadcast_in_dim3A_1097, %scan3A_26#0 : vector<16xf32>
      %select_n3A_1098 = arith.select %ge3A, %neg3A_1087, %get3A_1081 : vector<16xi1>, vector<16xf32>
      %add3A_1099 = arith.addf %scan3A_1046, %select_n3A_1098 : vector<16xf32>
      %ge3A_1100 = arith.cmpf oge, %broadcast_in_dim3A_1097, %scan3A_26#1 : vector<16xf32>
      %select_n3A_1101 = arith.select %ge3A_1100, %neg3A_1090, %get3A_1085 : vector<16xi1>, vector<16xf32>
      %add3A_1102 = arith.addf %scan3A_1047, %select_n3A_1101 : vector<16xf32>
      %slice3A_1103 = vector.extract_strided_slice %get3A_1096 {offsets = [1], sizes = [1], strides = [1]} : vector<16xf32> to vector<1xf32>
      %squeeze3A_1104 = vector.extract %slice3A_1103[0] : f32 from vector<1xf32>
      %broadcast_in_dim3A_1105 = vector.broadcast %squeeze3A_1104 : f32 to vector<16xf32>
      %ge3A_1106 = arith.cmpf oge, %broadcast_in_dim3A_1105, %scan3A_26#0 : vector<16xf32>
      %select_n3A_1107 = arith.select %ge3A_1106, %neg3A_1087, %get3A_1081 : vector<16xi1>, vector<16xf32>
      %add3A_1108 = arith.addf %scan3A_1048, %select_n3A_1107 : vector<16xf32>
      %ge3A_1109 = arith.cmpf oge, %broadcast_in_dim3A_1105, %scan3A_26#1 : vector<16xf32>
      %select_n3A_1110 = arith.select %ge3A_1109, %neg3A_1090, %get3A_1085 : vector<16xi1>, vector<16xf32>
      %add3A_1111 = arith.addf %scan3A_1049, %select_n3A_1110 : vector<16xf32>
      %slice3A_1112 = vector.extract_strided_slice %get3A_1096 {offsets = [2], sizes = [1], strides = [1]} : vector<16xf32> to vector<1xf32>
      %squeeze3A_1113 = vector.extract %slice3A_1112[0] : f32 from vector<1xf32>
      %broadcast_in_dim3A_1114 = vector.broadcast %squeeze3A_1113 : f32 to vector<16xf32>
      %ge3A_1115 = arith.cmpf oge, %broadcast_in_dim3A_1114, %scan3A_26#0 : vector<16xf32>
      %select_n3A_1116 = arith.select %ge3A_1115, %neg3A_1087, %get3A_1081 : vector<16xi1>, vector<16xf32>
      %add3A_1117 = arith.addf %scan3A_1050, %select_n3A_1116 : vector<16xf32>
      %ge3A_1118 = arith.cmpf oge, %broadcast_in_dim3A_1114, %scan3A_26#1 : vector<16xf32>
      %select_n3A_1119 = arith.select %ge3A_1118, %neg3A_1090, %get3A_1085 : vector<16xi1>, vector<16xf32>
      %add3A_1120 = arith.addf %scan3A_1051, %select_n3A_1119 : vector<16xf32>
      %slice3A_1121 = vector.extract_strided_slice %get3A_1096 {offsets = [3], sizes = [1], strides = [1]} : vector<16xf32> to vector<1xf32>
      %squeeze3A_1122 = vector.extract %slice3A_1121[0] : f32 from vector<1xf32>
      %broadcast_in_dim3A_1123 = vector.broadcast %squeeze3A_1122 : f32 to vector<16xf32>
      %ge3A_1124 = arith.cmpf oge, %broadcast_in_dim3A_1123, %scan3A_26#0 : vector<16xf32>
      %select_n3A_1125 = arith.select %ge3A_1124, %neg3A_1087, %get3A_1081 : vector<16xi1>, vector<16xf32>
      %add3A_1126 = arith.addf %scan3A_1052, %select_n3A_1125 : vector<16xf32>
      %ge3A_1127 = arith.cmpf oge, %broadcast_in_dim3A_1123, %scan3A_26#1 : vector<16xf32>
      %select_n3A_1128 = arith.select %ge3A_1127, %neg3A_1090, %get3A_1085 : vector<16xi1>, vector<16xf32>
      %add3A_1129 = arith.addf %scan3A_1053, %select_n3A_1128 : vector<16xf32>
      %slice3A_1130 = vector.extract_strided_slice %get3A_1096 {offsets = [4], sizes = [1], strides = [1]} : vector<16xf32> to vector<1xf32>
      %squeeze3A_1131 = vector.extract %slice3A_1130[0] : f32 from vector<1xf32>
      %broadcast_in_dim3A_1132 = vector.broadcast %squeeze3A_1131 : f32 to vector<16xf32>
      %ge3A_1133 = arith.cmpf oge, %broadcast_in_dim3A_1132, %scan3A_26#0 : vector<16xf32>
      %select_n3A_1134 = arith.select %ge3A_1133, %neg3A_1087, %get3A_1081 : vector<16xi1>, vector<16xf32>
      %add3A_1135 = arith.addf %scan3A_1054, %select_n3A_1134 : vector<16xf32>
      %ge3A_1136 = arith.cmpf oge, %broadcast_in_dim3A_1132, %scan3A_26#1 : vector<16xf32>
      %select_n3A_1137 = arith.select %ge3A_1136, %neg3A_1090, %get3A_1085 : vector<16xi1>, vector<16xf32>
      %add3A_1138 = arith.addf %scan3A_1055, %select_n3A_1137 : vector<16xf32>
      %slice3A_1139 = vector.extract_strided_slice %get3A_1096 {offsets = [5], sizes = [1], strides = [1]} : vector<16xf32> to vector<1xf32>
      %squeeze3A_1140 = vector.extract %slice3A_1139[0] : f32 from vector<1xf32>
      %broadcast_in_dim3A_1141 = vector.broadcast %squeeze3A_1140 : f32 to vector<16xf32>
      %ge3A_1142 = arith.cmpf oge, %broadcast_in_dim3A_1141, %scan3A_26#0 : vector<16xf32>
      %select_n3A_1143 = arith.select %ge3A_1142, %neg3A_1087, %get3A_1081 : vector<16xi1>, vector<16xf32>
      %add3A_1144 = arith.addf %scan3A_1056, %select_n3A_1143 : vector<16xf32>
      %ge3A_1145 = arith.cmpf oge, %broadcast_in_dim3A_1141, %scan3A_26#1 : vector<16xf32>
      %select_n3A_1146 = arith.select %ge3A_1145, %neg3A_1090, %get3A_1085 : vector<16xi1>, vector<16xf32>
      %add3A_1147 = arith.addf %scan3A_1057, %select_n3A_1146 : vector<16xf32>
      %slice3A_1148 = vector.extract_strided_slice %get3A_1096 {offsets = [6], sizes = [1], strides = [1]} : vector<16xf32> to vector<1xf32>
      %squeeze3A_1149 = vector.extract %slice3A_1148[0] : f32 from vector<1xf32>
      %broadcast_in_dim3A_1150 = vector.broadcast %squeeze3A_1149 : f32 to vector<16xf32>
      %ge3A_1151 = arith.cmpf oge, %broadcast_in_dim3A_1150, %scan3A_26#0 : vector<16xf32>
      %select_n3A_1152 = arith.select %ge3A_1151, %neg3A_1087, %get3A_1081 : vector<16xi1>, vector<16xf32>
      %add3A_1153 = arith.addf %scan3A_1058, %select_n3A_1152 : vector<16xf32>
      %ge3A_1154 = arith.cmpf oge, %broadcast_in_dim3A_1150, %scan3A_26#1 : vector<16xf32>
      %select_n3A_1155 = arith.select %ge3A_1154, %neg3A_1090, %get3A_1085 : vector<16xi1>, vector<16xf32>
      %add3A_1156 = arith.addf %scan3A_1059, %select_n3A_1155 : vector<16xf32>
      %slice3A_1157 = vector.extract_strided_slice %get3A_1096 {offsets = [7], sizes = [1], strides = [1]} : vector<16xf32> to vector<1xf32>
      %squeeze3A_1158 = vector.extract %slice3A_1157[0] : f32 from vector<1xf32>
      %broadcast_in_dim3A_1159 = vector.broadcast %squeeze3A_1158 : f32 to vector<16xf32>
      %ge3A_1160 = arith.cmpf oge, %broadcast_in_dim3A_1159, %scan3A_26#0 : vector<16xf32>
      %select_n3A_1161 = arith.select %ge3A_1160, %neg3A_1087, %get3A_1081 : vector<16xi1>, vector<16xf32>
      %add3A_1162 = arith.addf %scan3A_1060, %select_n3A_1161 : vector<16xf32>
      %ge3A_1163 = arith.cmpf oge, %broadcast_in_dim3A_1159, %scan3A_26#1 : vector<16xf32>
      %select_n3A_1164 = arith.select %ge3A_1163, %neg3A_1090, %get3A_1085 : vector<16xi1>, vector<16xf32>
      %add3A_1165 = arith.addf %scan3A_1061, %select_n3A_1164 : vector<16xf32>
      %slice3A_1166 = vector.extract_strided_slice %get3A_1096 {offsets = [8], sizes = [1], strides = [1]} : vector<16xf32> to vector<1xf32>
      %squeeze3A_1167 = vector.extract %slice3A_1166[0] : f32 from vector<1xf32>
      %broadcast_in_dim3A_1168 = vector.broadcast %squeeze3A_1167 : f32 to vector<16xf32>
      %ge3A_1169 = arith.cmpf oge, %broadcast_in_dim3A_1168, %scan3A_26#0 : vector<16xf32>
      %select_n3A_1170 = arith.select %ge3A_1169, %neg3A_1087, %get3A_1081 : vector<16xi1>, vector<16xf32>
      %add3A_1171 = arith.addf %scan3A_1062, %select_n3A_1170 : vector<16xf32>
      %ge3A_1172 = arith.cmpf oge, %broadcast_in_dim3A_1168, %scan3A_26#1 : vector<16xf32>
      %select_n3A_1173 = arith.select %ge3A_1172, %neg3A_1090, %get3A_1085 : vector<16xi1>, vector<16xf32>
      %add3A_1174 = arith.addf %scan3A_1063, %select_n3A_1173 : vector<16xf32>
      %slice3A_1175 = vector.extract_strided_slice %get3A_1096 {offsets = [9], sizes = [1], strides = [1]} : vector<16xf32> to vector<1xf32>
      %squeeze3A_1176 = vector.extract %slice3A_1175[0] : f32 from vector<1xf32>
      %broadcast_in_dim3A_1177 = vector.broadcast %squeeze3A_1176 : f32 to vector<16xf32>
      %ge3A_1178 = arith.cmpf oge, %broadcast_in_dim3A_1177, %scan3A_26#0 : vector<16xf32>
      %select_n3A_1179 = arith.select %ge3A_1178, %neg3A_1087, %get3A_1081 : vector<16xi1>, vector<16xf32>
      %add3A_1180 = arith.addf %scan3A_1064, %select_n3A_1179 : vector<16xf32>
      %ge3A_1181 = arith.cmpf oge, %broadcast_in_dim3A_1177, %scan3A_26#1 : vector<16xf32>
      %select_n3A_1182 = arith.select %ge3A_1181, %neg3A_1090, %get3A_1085 : vector<16xi1>, vector<16xf32>
      %add3A_1183 = arith.addf %scan3A_1065, %select_n3A_1182 : vector<16xf32>
      %slice3A_1184 = vector.extract_strided_slice %get3A_1096 {offsets = [10], sizes = [1], strides = [1]} : vector<16xf32> to vector<1xf32>
      %squeeze3A_1185 = vector.extract %slice3A_1184[0] : f32 from vector<1xf32>
      %broadcast_in_dim3A_1186 = vector.broadcast %squeeze3A_1185 : f32 to vector<16xf32>
      %ge3A_1187 = arith.cmpf oge, %broadcast_in_dim3A_1186, %scan3A_26#0 : vector<16xf32>
      %select_n3A_1188 = arith.select %ge3A_1187, %neg3A_1087, %get3A_1081 : vector<16xi1>, vector<16xf32>
      %add3A_1189 = arith.addf %scan3A_1066, %select_n3A_1188 : vector<16xf32>
      %ge3A_1190 = arith.cmpf oge, %broadcast_in_dim3A_1186, %scan3A_26#1 : vector<16xf32>
      %select_n3A_1191 = arith.select %ge3A_1190, %neg3A_1090, %get3A_1085 : vector<16xi1>, vector<16xf32>
      %add3A_1192 = arith.addf %scan3A_1067, %select_n3A_1191 : vector<16xf32>
      %slice3A_1193 = vector.extract_strided_slice %get3A_1096 {offsets = [11], sizes = [1], strides = [1]} : vector<16xf32> to vector<1xf32>
      %squeeze3A_1194 = vector.extract %slice3A_1193[0] : f32 from vector<1xf32>
      %broadcast_in_dim3A_1195 = vector.broadcast %squeeze3A_1194 : f32 to vector<16xf32>
      %ge3A_1196 = arith.cmpf oge, %broadcast_in_dim3A_1195, %scan3A_26#0 : vector<16xf32>
      %select_n3A_1197 = arith.select %ge3A_1196, %neg3A_1087, %get3A_1081 : vector<16xi1>, vector<16xf32>
      %add3A_1198 = arith.addf %scan3A_1068, %select_n3A_1197 : vector<16xf32>
      %ge3A_1199 = arith.cmpf oge, %broadcast_in_dim3A_1195, %scan3A_26#1 : vector<16xf32>
      %select_n3A_1200 = arith.select %ge3A_1199, %neg3A_1090, %get3A_1085 : vector<16xi1>, vector<16xf32>
      %add3A_1201 = arith.addf %scan3A_1069, %select_n3A_1200 : vector<16xf32>
      %slice3A_1202 = vector.extract_strided_slice %get3A_1096 {offsets = [12], sizes = [1], strides = [1]} : vector<16xf32> to vector<1xf32>
      %squeeze3A_1203 = vector.extract %slice3A_1202[0] : f32 from vector<1xf32>
      %broadcast_in_dim3A_1204 = vector.broadcast %squeeze3A_1203 : f32 to vector<16xf32>
      %ge3A_1205 = arith.cmpf oge, %broadcast_in_dim3A_1204, %scan3A_26#0 : vector<16xf32>
      %select_n3A_1206 = arith.select %ge3A_1205, %neg3A_1087, %get3A_1081 : vector<16xi1>, vector<16xf32>
      %add3A_1207 = arith.addf %scan3A_1070, %select_n3A_1206 : vector<16xf32>
      %ge3A_1208 = arith.cmpf oge, %broadcast_in_dim3A_1204, %scan3A_26#1 : vector<16xf32>
      %select_n3A_1209 = arith.select %ge3A_1208, %neg3A_1090, %get3A_1085 : vector<16xi1>, vector<16xf32>
      %add3A_1210 = arith.addf %scan3A_1071, %select_n3A_1209 : vector<16xf32>
      %slice3A_1211 = vector.extract_strided_slice %get3A_1096 {offsets = [13], sizes = [1], strides = [1]} : vector<16xf32> to vector<1xf32>
      %squeeze3A_1212 = vector.extract %slice3A_1211[0] : f32 from vector<1xf32>
      %broadcast_in_dim3A_1213 = vector.broadcast %squeeze3A_1212 : f32 to vector<16xf32>
      %ge3A_1214 = arith.cmpf oge, %broadcast_in_dim3A_1213, %scan3A_26#0 : vector<16xf32>
      %select_n3A_1215 = arith.select %ge3A_1214, %neg3A_1087, %get3A_1081 : vector<16xi1>, vector<16xf32>
      %add3A_1216 = arith.addf %scan3A_1072, %select_n3A_1215 : vector<16xf32>
      %ge3A_1217 = arith.cmpf oge, %broadcast_in_dim3A_1213, %scan3A_26#1 : vector<16xf32>
      %select_n3A_1218 = arith.select %ge3A_1217, %neg3A_1090, %get3A_1085 : vector<16xi1>, vector<16xf32>
      %add3A_1219 = arith.addf %scan3A_1073, %select_n3A_1218 : vector<16xf32>
      %slice3A_1220 = vector.extract_strided_slice %get3A_1096 {offsets = [14], sizes = [1], strides = [1]} : vector<16xf32> to vector<1xf32>
      %squeeze3A_1221 = vector.extract %slice3A_1220[0] : f32 from vector<1xf32>
      %broadcast_in_dim3A_1222 = vector.broadcast %squeeze3A_1221 : f32 to vector<16xf32>
      %ge3A_1223 = arith.cmpf oge, %broadcast_in_dim3A_1222, %scan3A_26#0 : vector<16xf32>
      %select_n3A_1224 = arith.select %ge3A_1223, %neg3A_1087, %get3A_1081 : vector<16xi1>, vector<16xf32>
      %add3A_1225 = arith.addf %scan3A_1074, %select_n3A_1224 : vector<16xf32>
      %ge3A_1226 = arith.cmpf oge, %broadcast_in_dim3A_1222, %scan3A_26#1 : vector<16xf32>
      %select_n3A_1227 = arith.select %ge3A_1226, %neg3A_1090, %get3A_1085 : vector<16xi1>, vector<16xf32>
      %add3A_1228 = arith.addf %scan3A_1075, %select_n3A_1227 : vector<16xf32>
      %slice3A_1229 = vector.extract_strided_slice %get3A_1096 {offsets = [15], sizes = [1], strides = [1]} : vector<16xf32> to vector<1xf32>
      %squeeze3A_1230 = vector.extract %slice3A_1229[0] : f32 from vector<1xf32>
      %broadcast_in_dim3A_1231 = vector.broadcast %squeeze3A_1230 : f32 to vector<16xf32>
      %ge3A_1232 = arith.cmpf oge, %broadcast_in_dim3A_1231, %scan3A_26#0 : vector<16xf32>
      %select_n3A_1233 = arith.select %ge3A_1232, %neg3A_1087, %get3A_1081 : vector<16xi1>, vector<16xf32>
      %add3A_1234 = arith.addf %scan3A_1076, %select_n3A_1233 : vector<16xf32>
      %ge3A_1235 = arith.cmpf oge, %broadcast_in_dim3A_1231, %scan3A_26#1 : vector<16xf32>
      %select_n3A_1236 = arith.select %ge3A_1235, %neg3A_1090, %get3A_1085 : vector<16xi1>, vector<16xf32>
      %add3A_1237 = arith.addf %scan3A_1077, %select_n3A_1236 : vector<16xf32>
      scf.yield %add3A_1099, %add3A_1102, %add3A_1108, %add3A_1111, %add3A_1117, %add3A_1120, %add3A_1126, %add3A_1129, %add3A_1135, %add3A_1138, %add3A_1144, %add3A_1147, %add3A_1153, %add3A_1156, %add3A_1162, %add3A_1165, %add3A_1171, %add3A_1174, %add3A_1180, %add3A_1183, %add3A_1189, %add3A_1192, %add3A_1198, %add3A_1201, %add3A_1207, %add3A_1210, %add3A_1216, %add3A_1219, %add3A_1225, %add3A_1228, %add3A_1234, %add3A_1237 : vector<16xf32>, vector<16xf32>, vector<16xf32>, vector<16xf32>, vector<16xf32>, vector<16xf32>, vector<16xf32>, vector<16xf32>, vector<16xf32>, vector<16xf32>, vector<16xf32>, vector<16xf32>, vector<16xf32>, vector<16xf32>, vector<16xf32>, vector<16xf32>, vector<16xf32>, vector<16xf32>, vector<16xf32>, vector<16xf32>, vector<16xf32>, vector<16xf32>, vector<16xf32>, vector<16xf32>, vector<16xf32>, vector<16xf32>, vector<16xf32>, vector<16xf32>, vector<16xf32>, vector<16xf32>, vector<16xf32>, vector<16xf32>
    }
    %scan3A_39 = arith.constant 1024 : i32
    "tpu.region"() ({
      %run_scoped3A = tpu.sem_alloc : memref<!tpu.dma_semaphore, #tpu.memory_space<semaphore_mem>>
      %dma_start3A = arith.constant 2048 : i32
      %dma_start3A_1045 = tpu.memref_slice %arg4[%dma_start3A, %add3A_12] : memref<3072x2048xf32, #tpu.memory_space<hbm>> -> memref<1024x32xf32, #tpu.memory_space<hbm>>
      %dma_start3A_1046 = arith.constant 2048 : i32
      %dma_start3A_1047 = tpu.memref_slice %arg4[%dma_start3A_1046, %add3A_12] : memref<3072x2048xf32, #tpu.memory_space<hbm>> -> memref<1024x32xf32, #tpu.memory_space<hbm>>
      tpu.enqueue_dma source(%dma_start3A_1047 : memref<1024x32xf32, #tpu.memory_space<hbm>>) target(%arg7 : memref<1024x32xf32, #tpu.memory_space<vmem>>) target_semaphore(%run_scoped3A : memref<!tpu.dma_semaphore, #tpu.memory_space<semaphore_mem>>)
      %dma_wait3A = arith.constant 2048 : i32
      %dma_wait3A_1048 = tpu.memref_slice %arg4[%dma_wait3A, %add3A_12] : memref<3072x2048xf32, #tpu.memory_space<hbm>> -> memref<1024x32xf32, #tpu.memory_space<hbm>>
      %dma_wait3A_1049 = arith.constant 2048 : i32
      %dma_wait3A_1050 = tpu.memref_slice %arg4[%dma_wait3A_1049, %add3A_12] : memref<3072x2048xf32, #tpu.memory_space<hbm>> -> memref<1024x32xf32, #tpu.memory_space<hbm>>
      tpu.wait_dma2 semaphore(%run_scoped3A : memref<!tpu.dma_semaphore, #tpu.memory_space<semaphore_mem>>) src(%dma_wait3A_1050 : memref<1024x32xf32, #tpu.memory_space<hbm>>) dst(%arg7 : memref<1024x32xf32, #tpu.memory_space<vmem>>)
      tpu.yield
    }) : () -> ()
    %scan3A_40 = arith.constant 0 : i32
    %scan3A_41 = arith.constant 1024 : i32
    %scan3A_42 = arith.addi %scan3A_40, %scan3A_41 : i32
    %scan3A_43 = arith.constant 1 : i32
    %scan3A_44:32 = scf.for %scan3A_1045 = %scan3A_40 to %scan3A_42 step %scan3A_43 iter_args(%scan3A_1046 = %scan3A_38#0, %scan3A_1047 = %scan3A_38#1, %scan3A_1048 = %scan3A_38#2, %scan3A_1049 = %scan3A_38#3, %scan3A_1050 = %scan3A_38#4, %scan3A_1051 = %scan3A_38#5, %scan3A_1052 = %scan3A_38#6, %scan3A_1053 = %scan3A_38#7, %scan3A_1054 = %scan3A_38#8, %scan3A_1055 = %scan3A_38#9, %scan3A_1056 = %scan3A_38#10, %scan3A_1057 = %scan3A_38#11, %scan3A_1058 = %scan3A_38#12, %scan3A_1059 = %scan3A_38#13, %scan3A_1060 = %scan3A_38#14, %scan3A_1061 = %scan3A_38#15, %scan3A_1062 = %scan3A_38#16, %scan3A_1063 = %scan3A_38#17, %scan3A_1064 = %scan3A_38#18, %scan3A_1065 = %scan3A_38#19, %scan3A_1066 = %scan3A_38#20, %scan3A_1067 = %scan3A_38#21, %scan3A_1068 = %scan3A_38#22, %scan3A_1069 = %scan3A_38#23, %scan3A_1070 = %scan3A_38#24, %scan3A_1071 = %scan3A_38#25, %scan3A_1072 = %scan3A_38#26, %scan3A_1073 = %scan3A_38#27, %scan3A_1074 = %scan3A_38#28, %scan3A_1075 = %scan3A_38#29, %scan3A_1076 = %scan3A_38#30, %scan3A_1077 = %scan3A_38#31) -> (vector<16xf32>, vector<16xf32>, vector<16xf32>, vector<16xf32>, vector<16xf32>, vector<16xf32>, vector<16xf32>, vector<16xf32>, vector<16xf32>, vector<16xf32>, vector<16xf32>, vector<16xf32>, vector<16xf32>, vector<16xf32>, vector<16xf32>, vector<16xf32>, vector<16xf32>, vector<16xf32>, vector<16xf32>, vector<16xf32>, vector<16xf32>, vector<16xf32>, vector<16xf32>, vector<16xf32>, vector<16xf32>, vector<16xf32>, vector<16xf32>, vector<16xf32>, vector<16xf32>, vector<16xf32>, vector<16xf32>, vector<16xf32>)  : i32 {
      %get3A_1078 = arith.index_cast %scan3A_1045 : i32 to index
      %get3A_1079 = arith.constant 0 : index
      %get3A_1080 = tpu.vector_load %arg7[%get3A_1078, %get3A_1079] {strides = array<i32>} : memref<1024x32xf32, #tpu.memory_space<vmem>>, vector<1x16xf32>,
      %get3A_1081 = vector.shape_cast %get3A_1080 : vector<1x16xf32> to vector<16xf32>
      %get3A_1082 = arith.index_cast %scan3A_1045 : i32 to index
      %get3A_1083 = arith.constant 16 : index
      %get3A_1084 = tpu.vector_load %arg7[%get3A_1082, %get3A_1083] {strides = array<i32>} : memref<1024x32xf32, #tpu.memory_space<vmem>>, vector<1x16xf32>,
      %get3A_1085 = vector.shape_cast %get3A_1084 : vector<1x16xf32> to vector<16xf32>
      %neg3A = arith.constant 0.000000e+00 : f32
      %neg3A_1086 = vector.broadcast %neg3A : f32 to vector<16xf32>
      %neg3A_1087 = arith.subf %neg3A_1086, %get3A_1081 : vector<16xf32>
      %neg3A_1088 = arith.constant 0.000000e+00 : f32
      %neg3A_1089 = vector.broadcast %neg3A_1088 : f32 to vector<16xf32>
      %neg3A_1090 = arith.subf %neg3A_1089, %get3A_1085 : vector<16xf32>
      %add3A_1091 = arith.constant 2048 : i32
      %add3A_1092 = arith.addi %add3A_1091, %scan3A_1045 : i32
      %get3A_1093 = arith.index_cast %add3A_1092 : i32 to index
      %get3A_1094 = arith.constant 0 : index
      %get3A_1095 = tpu.vector_load %arg6[%get3A_1093, %get3A_1094] {strides = array<i32>} : memref<3072x16xf32, #tpu.memory_space<vmem>>, vector<1x16xf32>,
      %get3A_1096 = vector.shape_cast %get3A_1095 : vector<1x16xf32> to vector<16xf32>
      %slice3A = vector.extract_strided_slice %get3A_1096 {offsets = [0], sizes = [1], strides = [1]} : vector<16xf32> to vector<1xf32>
      %squeeze3A = vector.extract %slice3A[0] : f32 from vector<1xf32>
      %broadcast_in_dim3A_1097 = vector.broadcast %squeeze3A : f32 to vector<16xf32>
      %ge3A = arith.cmpf oge, %broadcast_in_dim3A_1097, %scan3A_26#0 : vector<16xf32>
      %select_n3A_1098 = arith.select %ge3A, %neg3A_1087, %get3A_1081 : vector<16xi1>, vector<16xf32>
      %add3A_1099 = arith.addf %scan3A_1046, %select_n3A_1098 : vector<16xf32>
      %ge3A_1100 = arith.cmpf oge, %broadcast_in_dim3A_1097, %scan3A_26#1 : vector<16xf32>
      %select_n3A_1101 = arith.select %ge3A_1100, %neg3A_1090, %get3A_1085 : vector<16xi1>, vector<16xf32>
      %add3A_1102 = arith.addf %scan3A_1047, %select_n3A_1101 : vector<16xf32>
      %slice3A_1103 = vector.extract_strided_slice %get3A_1096 {offsets = [1], sizes = [1], strides = [1]} : vector<16xf32> to vector<1xf32>
      %squeeze3A_1104 = vector.extract %slice3A_1103[0] : f32 from vector<1xf32>
      %broadcast_in_dim3A_1105 = vector.broadcast %squeeze3A_1104 : f32 to vector<16xf32>
      %ge3A_1106 = arith.cmpf oge, %broadcast_in_dim3A_1105, %scan3A_26#0 : vector<16xf32>
      %select_n3A_1107 = arith.select %ge3A_1106, %neg3A_1087, %get3A_1081 : vector<16xi1>, vector<16xf32>
      %add3A_1108 = arith.addf %scan3A_1048, %select_n3A_1107 : vector<16xf32>
      %ge3A_1109 = arith.cmpf oge, %broadcast_in_dim3A_1105, %scan3A_26#1 : vector<16xf32>
      %select_n3A_1110 = arith.select %ge3A_1109, %neg3A_1090, %get3A_1085 : vector<16xi1>, vector<16xf32>
      %add3A_1111 = arith.addf %scan3A_1049, %select_n3A_1110 : vector<16xf32>
      %slice3A_1112 = vector.extract_strided_slice %get3A_1096 {offsets = [2], sizes = [1], strides = [1]} : vector<16xf32> to vector<1xf32>
      %squeeze3A_1113 = vector.extract %slice3A_1112[0] : f32 from vector<1xf32>
      %broadcast_in_dim3A_1114 = vector.broadcast %squeeze3A_1113 : f32 to vector<16xf32>
      %ge3A_1115 = arith.cmpf oge, %broadcast_in_dim3A_1114, %scan3A_26#0 : vector<16xf32>
      %select_n3A_1116 = arith.select %ge3A_1115, %neg3A_1087, %get3A_1081 : vector<16xi1>, vector<16xf32>
      %add3A_1117 = arith.addf %scan3A_1050, %select_n3A_1116 : vector<16xf32>
      %ge3A_1118 = arith.cmpf oge, %broadcast_in_dim3A_1114, %scan3A_26#1 : vector<16xf32>
      %select_n3A_1119 = arith.select %ge3A_1118, %neg3A_1090, %get3A_1085 : vector<16xi1>, vector<16xf32>
      %add3A_1120 = arith.addf %scan3A_1051, %select_n3A_1119 : vector<16xf32>
      %slice3A_1121 = vector.extract_strided_slice %get3A_1096 {offsets = [3], sizes = [1], strides = [1]} : vector<16xf32> to vector<1xf32>
      %squeeze3A_1122 = vector.extract %slice3A_1121[0] : f32 from vector<1xf32>
      %broadcast_in_dim3A_1123 = vector.broadcast %squeeze3A_1122 : f32 to vector<16xf32>
      %ge3A_1124 = arith.cmpf oge, %broadcast_in_dim3A_1123, %scan3A_26#0 : vector<16xf32>
      %select_n3A_1125 = arith.select %ge3A_1124, %neg3A_1087, %get3A_1081 : vector<16xi1>, vector<16xf32>
      %add3A_1126 = arith.addf %scan3A_1052, %select_n3A_1125 : vector<16xf32>
      %ge3A_1127 = arith.cmpf oge, %broadcast_in_dim3A_1123, %scan3A_26#1 : vector<16xf32>
      %select_n3A_1128 = arith.select %ge3A_1127, %neg3A_1090, %get3A_1085 : vector<16xi1>, vector<16xf32>
      %add3A_1129 = arith.addf %scan3A_1053, %select_n3A_1128 : vector<16xf32>
      %slice3A_1130 = vector.extract_strided_slice %get3A_1096 {offsets = [4], sizes = [1], strides = [1]} : vector<16xf32> to vector<1xf32>
      %squeeze3A_1131 = vector.extract %slice3A_1130[0] : f32 from vector<1xf32>
      %broadcast_in_dim3A_1132 = vector.broadcast %squeeze3A_1131 : f32 to vector<16xf32>
      %ge3A_1133 = arith.cmpf oge, %broadcast_in_dim3A_1132, %scan3A_26#0 : vector<16xf32>
      %select_n3A_1134 = arith.select %ge3A_1133, %neg3A_1087, %get3A_1081 : vector<16xi1>, vector<16xf32>
      %add3A_1135 = arith.addf %scan3A_1054, %select_n3A_1134 : vector<16xf32>
      %ge3A_1136 = arith.cmpf oge, %broadcast_in_dim3A_1132, %scan3A_26#1 : vector<16xf32>
      %select_n3A_1137 = arith.select %ge3A_1136, %neg3A_1090, %get3A_1085 : vector<16xi1>, vector<16xf32>
      %add3A_1138 = arith.addf %scan3A_1055, %select_n3A_1137 : vector<16xf32>
      %slice3A_1139 = vector.extract_strided_slice %get3A_1096 {offsets = [5], sizes = [1], strides = [1]} : vector<16xf32> to vector<1xf32>
      %squeeze3A_1140 = vector.extract %slice3A_1139[0] : f32 from vector<1xf32>
      %broadcast_in_dim3A_1141 = vector.broadcast %squeeze3A_1140 : f32 to vector<16xf32>
      %ge3A_1142 = arith.cmpf oge, %broadcast_in_dim3A_1141, %scan3A_26#0 : vector<16xf32>
      %select_n3A_1143 = arith.select %ge3A_1142, %neg3A_1087, %get3A_1081 : vector<16xi1>, vector<16xf32>
      %add3A_1144 = arith.addf %scan3A_1056, %select_n3A_1143 : vector<16xf32>
      %ge3A_1145 = arith.cmpf oge, %broadcast_in_dim3A_1141, %scan3A_26#1 : vector<16xf32>
      %select_n3A_1146 = arith.select %ge3A_1145, %neg3A_1090, %get3A_1085 : vector<16xi1>, vector<16xf32>
      %add3A_1147 = arith.addf %scan3A_1057, %select_n3A_1146 : vector<16xf32>
      %slice3A_1148 = vector.extract_strided_slice %get3A_1096 {offsets = [6], sizes = [1], strides = [1]} : vector<16xf32> to vector<1xf32>
      %squeeze3A_1149 = vector.extract %slice3A_1148[0] : f32 from vector<1xf32>
      %broadcast_in_dim3A_1150 = vector.broadcast %squeeze3A_1149 : f32 to vector<16xf32>
      %ge3A_1151 = arith.cmpf oge, %broadcast_in_dim3A_1150, %scan3A_26#0 : vector<16xf32>
      %select_n3A_1152 = arith.select %ge3A_1151, %neg3A_1087, %get3A_1081 : vector<16xi1>, vector<16xf32>
      %add3A_1153 = arith.addf %scan3A_1058, %select_n3A_1152 : vector<16xf32>
      %ge3A_1154 = arith.cmpf oge, %broadcast_in_dim3A_1150, %scan3A_26#1 : vector<16xf32>
      %select_n3A_1155 = arith.select %ge3A_1154, %neg3A_1090, %get3A_1085 : vector<16xi1>, vector<16xf32>
      %add3A_1156 = arith.addf %scan3A_1059, %select_n3A_1155 : vector<16xf32>
      %slice3A_1157 = vector.extract_strided_slice %get3A_1096 {offsets = [7], sizes = [1], strides = [1]} : vector<16xf32> to vector<1xf32>
      %squeeze3A_1158 = vector.extract %slice3A_1157[0] : f32 from vector<1xf32>
      %broadcast_in_dim3A_1159 = vector.broadcast %squeeze3A_1158 : f32 to vector<16xf32>
      %ge3A_1160 = arith.cmpf oge, %broadcast_in_dim3A_1159, %scan3A_26#0 : vector<16xf32>
      %select_n3A_1161 = arith.select %ge3A_1160, %neg3A_1087, %get3A_1081 : vector<16xi1>, vector<16xf32>
      %add3A_1162 = arith.addf %scan3A_1060, %select_n3A_1161 : vector<16xf32>
      %ge3A_1163 = arith.cmpf oge, %broadcast_in_dim3A_1159, %scan3A_26#1 : vector<16xf32>
      %select_n3A_1164 = arith.select %ge3A_1163, %neg3A_1090, %get3A_1085 : vector<16xi1>, vector<16xf32>
      %add3A_1165 = arith.addf %scan3A_1061, %select_n3A_1164 : vector<16xf32>
      %slice3A_1166 = vector.extract_strided_slice %get3A_1096 {offsets = [8], sizes = [1], strides = [1]} : vector<16xf32> to vector<1xf32>
      %squeeze3A_1167 = vector.extract %slice3A_1166[0] : f32 from vector<1xf32>
      %broadcast_in_dim3A_1168 = vector.broadcast %squeeze3A_1167 : f32 to vector<16xf32>
      %ge3A_1169 = arith.cmpf oge, %broadcast_in_dim3A_1168, %scan3A_26#0 : vector<16xf32>
      %select_n3A_1170 = arith.select %ge3A_1169, %neg3A_1087, %get3A_1081 : vector<16xi1>, vector<16xf32>
      %add3A_1171 = arith.addf %scan3A_1062, %select_n3A_1170 : vector<16xf32>
      %ge3A_1172 = arith.cmpf oge, %broadcast_in_dim3A_1168, %scan3A_26#1 : vector<16xf32>
      %select_n3A_1173 = arith.select %ge3A_1172, %neg3A_1090, %get3A_1085 : vector<16xi1>, vector<16xf32>
      %add3A_1174 = arith.addf %scan3A_1063, %select_n3A_1173 : vector<16xf32>
      %slice3A_1175 = vector.extract_strided_slice %get3A_1096 {offsets = [9], sizes = [1], strides = [1]} : vector<16xf32> to vector<1xf32>
      %squeeze3A_1176 = vector.extract %slice3A_1175[0] : f32 from vector<1xf32>
      %broadcast_in_dim3A_1177 = vector.broadcast %squeeze3A_1176 : f32 to vector<16xf32>
      %ge3A_1178 = arith.cmpf oge, %broadcast_in_dim3A_1177, %scan3A_26#0 : vector<16xf32>
      %select_n3A_1179 = arith.select %ge3A_1178, %neg3A_1087, %get3A_1081 : vector<16xi1>, vector<16xf32>
      %add3A_1180 = arith.addf %scan3A_1064, %select_n3A_1179 : vector<16xf32>
      %ge3A_1181 = arith.cmpf oge, %broadcast_in_dim3A_1177, %scan3A_26#1 : vector<16xf32>
      %select_n3A_1182 = arith.select %ge3A_1181, %neg3A_1090, %get3A_1085 : vector<16xi1>, vector<16xf32>
      %add3A_1183 = arith.addf %scan3A_1065, %select_n3A_1182 : vector<16xf32>
      %slice3A_1184 = vector.extract_strided_slice %get3A_1096 {offsets = [10], sizes = [1], strides = [1]} : vector<16xf32> to vector<1xf32>
      %squeeze3A_1185 = vector.extract %slice3A_1184[0] : f32 from vector<1xf32>
      %broadcast_in_dim3A_1186 = vector.broadcast %squeeze3A_1185 : f32 to vector<16xf32>
      %ge3A_1187 = arith.cmpf oge, %broadcast_in_dim3A_1186, %scan3A_26#0 : vector<16xf32>
      %select_n3A_1188 = arith.select %ge3A_1187, %neg3A_1087, %get3A_1081 : vector<16xi1>, vector<16xf32>
      %add3A_1189 = arith.addf %scan3A_1066, %select_n3A_1188 : vector<16xf32>
      %ge3A_1190 = arith.cmpf oge, %broadcast_in_dim3A_1186, %scan3A_26#1 : vector<16xf32>
      %select_n3A_1191 = arith.select %ge3A_1190, %neg3A_1090, %get3A_1085 : vector<16xi1>, vector<16xf32>
      %add3A_1192 = arith.addf %scan3A_1067, %select_n3A_1191 : vector<16xf32>
      %slice3A_1193 = vector.extract_strided_slice %get3A_1096 {offsets = [11], sizes = [1], strides = [1]} : vector<16xf32> to vector<1xf32>
      %squeeze3A_1194 = vector.extract %slice3A_1193[0] : f32 from vector<1xf32>
      %broadcast_in_dim3A_1195 = vector.broadcast %squeeze3A_1194 : f32 to vector<16xf32>
      %ge3A_1196 = arith.cmpf oge, %broadcast_in_dim3A_1195, %scan3A_26#0 : vector<16xf32>
      %select_n3A_1197 = arith.select %ge3A_1196, %neg3A_1087, %get3A_1081 : vector<16xi1>, vector<16xf32>
      %add3A_1198 = arith.addf %scan3A_1068, %select_n3A_1197 : vector<16xf32>
      %ge3A_1199 = arith.cmpf oge, %broadcast_in_dim3A_1195, %scan3A_26#1 : vector<16xf32>
      %select_n3A_1200 = arith.select %ge3A_1199, %neg3A_1090, %get3A_1085 : vector<16xi1>, vector<16xf32>
      %add3A_1201 = arith.addf %scan3A_1069, %select_n3A_1200 : vector<16xf32>
      %slice3A_1202 = vector.extract_strided_slice %get3A_1096 {offsets = [12], sizes = [1], strides = [1]} : vector<16xf32> to vector<1xf32>
      %squeeze3A_1203 = vector.extract %slice3A_1202[0] : f32 from vector<1xf32>
      %broadcast_in_dim3A_1204 = vector.broadcast %squeeze3A_1203 : f32 to vector<16xf32>
      %ge3A_1205 = arith.cmpf oge, %broadcast_in_dim3A_1204, %scan3A_26#0 : vector<16xf32>
      %select_n3A_1206 = arith.select %ge3A_1205, %neg3A_1087, %get3A_1081 : vector<16xi1>, vector<16xf32>
      %add3A_1207 = arith.addf %scan3A_1070, %select_n3A_1206 : vector<16xf32>
      %ge3A_1208 = arith.cmpf oge, %broadcast_in_dim3A_1204, %scan3A_26#1 : vector<16xf32>
      %select_n3A_1209 = arith.select %ge3A_1208, %neg3A_1090, %get3A_1085 : vector<16xi1>, vector<16xf32>
      %add3A_1210 = arith.addf %scan3A_1071, %select_n3A_1209 : vector<16xf32>
      %slice3A_1211 = vector.extract_strided_slice %get3A_1096 {offsets = [13], sizes = [1], strides = [1]} : vector<16xf32> to vector<1xf32>
      %squeeze3A_1212 = vector.extract %slice3A_1211[0] : f32 from vector<1xf32>
      %broadcast_in_dim3A_1213 = vector.broadcast %squeeze3A_1212 : f32 to vector<16xf32>
      %ge3A_1214 = arith.cmpf oge, %broadcast_in_dim3A_1213, %scan3A_26#0 : vector<16xf32>
      %select_n3A_1215 = arith.select %ge3A_1214, %neg3A_1087, %get3A_1081 : vector<16xi1>, vector<16xf32>
      %add3A_1216 = arith.addf %scan3A_1072, %select_n3A_1215 : vector<16xf32>
      %ge3A_1217 = arith.cmpf oge, %broadcast_in_dim3A_1213, %scan3A_26#1 : vector<16xf32>
      %select_n3A_1218 = arith.select %ge3A_1217, %neg3A_1090, %get3A_1085 : vector<16xi1>, vector<16xf32>
      %add3A_1219 = arith.addf %scan3A_1073, %select_n3A_1218 : vector<16xf32>
      %slice3A_1220 = vector.extract_strided_slice %get3A_1096 {offsets = [14], sizes = [1], strides = [1]} : vector<16xf32> to vector<1xf32>
      %squeeze3A_1221 = vector.extract %slice3A_1220[0] : f32 from vector<1xf32>
      %broadcast_in_dim3A_1222 = vector.broadcast %squeeze3A_1221 : f32 to vector<16xf32>
      %ge3A_1223 = arith.cmpf oge, %broadcast_in_dim3A_1222, %scan3A_26#0 : vector<16xf32>
      %select_n3A_1224 = arith.select %ge3A_1223, %neg3A_1087, %get3A_1081 : vector<16xi1>, vector<16xf32>
      %add3A_1225 = arith.addf %scan3A_1074, %select_n3A_1224 : vector<16xf32>
      %ge3A_1226 = arith.cmpf oge, %broadcast_in_dim3A_1222, %scan3A_26#1 : vector<16xf32>
      %select_n3A_1227 = arith.select %ge3A_1226, %neg3A_1090, %get3A_1085 : vector<16xi1>, vector<16xf32>
      %add3A_1228 = arith.addf %scan3A_1075, %select_n3A_1227 : vector<16xf32>
      %slice3A_1229 = vector.extract_strided_slice %get3A_1096 {offsets = [15], sizes = [1], strides = [1]} : vector<16xf32> to vector<1xf32>
      %squeeze3A_1230 = vector.extract %slice3A_1229[0] : f32 from vector<1xf32>
      %broadcast_in_dim3A_1231 = vector.broadcast %squeeze3A_1230 : f32 to vector<16xf32>
      %ge3A_1232 = arith.cmpf oge, %broadcast_in_dim3A_1231, %scan3A_26#0 : vector<16xf32>
      %select_n3A_1233 = arith.select %ge3A_1232, %neg3A_1087, %get3A_1081 : vector<16xi1>, vector<16xf32>
      %add3A_1234 = arith.addf %scan3A_1076, %select_n3A_1233 : vector<16xf32>
      %ge3A_1235 = arith.cmpf oge, %broadcast_in_dim3A_1231, %scan3A_26#1 : vector<16xf32>
      %select_n3A_1236 = arith.select %ge3A_1235, %neg3A_1090, %get3A_1085 : vector<16xi1>, vector<16xf32>
      %add3A_1237 = arith.addf %scan3A_1077, %select_n3A_1236 : vector<16xf32>
      scf.yield %add3A_1099, %add3A_1102, %add3A_1108, %add3A_1111, %add3A_1117, %add3A_1120, %add3A_1126, %add3A_1129, %add3A_1135, %add3A_1138, %add3A_1144, %add3A_1147, %add3A_1153, %add3A_1156, %add3A_1162, %add3A_1165, %add3A_1171, %add3A_1174, %add3A_1180, %add3A_1183, %add3A_1189, %add3A_1192, %add3A_1198, %add3A_1201, %add3A_1207, %add3A_1210, %add3A_1216, %add3A_1219, %add3A_1225, %add3A_1228, %add3A_1234, %add3A_1237 : vector<16xf32>, vector<16xf32>, vector<16xf32>, vector<16xf32>, vector<16xf32>, vector<16xf32>, vector<16xf32>, vector<16xf32>, vector<16xf32>, vector<16xf32>, vector<16xf32>, vector<16xf32>, vector<16xf32>, vector<16xf32>, vector<16xf32>, vector<16xf32>, vector<16xf32>, vector<16xf32>, vector<16xf32>, vector<16xf32>, vector<16xf32>, vector<16xf32>, vector<16xf32>, vector<16xf32>, vector<16xf32>, vector<16xf32>, vector<16xf32>, vector<16xf32>, vector<16xf32>, vector<16xf32>, vector<16xf32>, vector<16xf32>
    }
    %scan3A_45 = arith.constant 1024 : i32
    %mul3A_46 = arith.mulf %scan3A_44#0, %get3A_16 : vector<16xf32>
    %gt3A = arith.constant 0.000000e+00 : f32
    %gt3A_47 = vector.broadcast %gt3A : f32 to vector<16xf32>
    %gt3A_48 = arith.cmpf ogt, %mul3A_46, %gt3A_47 : vector<16xf32>
    %jit3A = arith.constant 1.000000e+00 : f32
    %jit3A_49 = arith.constant -1.000000e+00 : f32
    %broadcast_in_dim3A_50 = vector.broadcast %jit3A : f32 to vector<16xf32>
    %broadcast_in_dim3A_51 = vector.broadcast %jit3A_49 : f32 to vector<16xf32>
    %select_n3A = arith.select %gt3A_48, %broadcast_in_dim3A_50, %broadcast_in_dim3A_51 : vector<16xi1>, vector<16xf32>
    %swap3A = arith.constant 0 : i32
    %swap3A_52 = arith.index_cast %swap3A : i32 to index
    %swap3A_53 = arith.constant 0 : index
    %swap3A_54 = tpu.vector_load %arg9[%swap3A_52, %swap3A_53] {strides = array<i32>} : memref<16x32xf32, #tpu.memory_space<vmem>>, vector<1x16xf32>,
    %swap3A_55 = vector.shape_cast %swap3A_54 : vector<1x16xf32> to vector<16xf32>
    %swap3A_56 = vector.shape_cast %select_n3A : vector<16xf32> to vector<1x16xf32>
    tpu.vector_store %arg9[%swap3A_52, %swap3A_53], %swap3A_56 {strides = array<i32>} : memref<16x32xf32, #tpu.memory_space<vmem>>, vector<1x16xf32>,
    %mul3A_57 = arith.mulf %scan3A_44#1, %get3A_21 : vector<16xf32>
    %gt3A_58 = arith.constant 0.000000e+00 : f32
    %gt3A_59 = vector.broadcast %gt3A_58 : f32 to vector<16xf32>
    %gt3A_60 = arith.cmpf ogt, %mul3A_57, %gt3A_59 : vector<16xf32>
    %jit3A_61 = arith.constant 1.000000e+00 : f32
    %jit3A_62 = arith.constant -1.000000e+00 : f32
    %broadcast_in_dim3A_63 = vector.broadcast %jit3A_61 : f32 to vector<16xf32>
    %broadcast_in_dim3A_64 = vector.broadcast %jit3A_62 : f32 to vector<16xf32>
    %select_n3A_65 = arith.select %gt3A_60, %broadcast_in_dim3A_63, %broadcast_in_dim3A_64 : vector<16xi1>, vector<16xf32>
    %swap3A_66 = arith.constant 0 : i32
    %swap3A_67 = arith.index_cast %swap3A_66 : i32 to index
    %swap3A_68 = arith.constant 16 : index
    %swap3A_69 = tpu.vector_load %arg9[%swap3A_67, %swap3A_68] {strides = array<i32>} : memref<16x32xf32, #tpu.memory_space<vmem>>, vector<1x16xf32>,
    %swap3A_70 = vector.shape_cast %swap3A_69 : vector<1x16xf32> to vector<16xf32>
    %swap3A_71 = vector.shape_cast %select_n3A_65 : vector<16xf32> to vector<1x16xf32>
    tpu.vector_store %arg9[%swap3A_67, %swap3A_68], %swap3A_71 {strides = array<i32>} : memref<16x32xf32, #tpu.memory_space<vmem>>, vector<1x16xf32>,
    %mul3A_72 = arith.mulf %scan3A_44#2, %get3A_16 : vector<16xf32>
    %gt3A_73 = arith.constant 0.000000e+00 : f32
    %gt3A_74 = vector.broadcast %gt3A_73 : f32 to vector<16xf32>
    %gt3A_75 = arith.cmpf ogt, %mul3A_72, %gt3A_74 : vector<16xf32>
    %jit3A_76 = arith.constant 1.000000e+00 : f32
    %jit3A_77 = arith.constant -1.000000e+00 : f32
    %broadcast_in_dim3A_78 = vector.broadcast %jit3A_76 : f32 to vector<16xf32>
    %broadcast_in_dim3A_79 = vector.broadcast %jit3A_77 : f32 to vector<16xf32>
    %select_n3A_80 = arith.select %gt3A_75, %broadcast_in_dim3A_78, %broadcast_in_dim3A_79 : vector<16xi1>, vector<16xf32>
    %swap3A_81 = arith.constant 1 : i32
    %swap3A_82 = arith.index_cast %swap3A_81 : i32 to index
    %swap3A_83 = arith.constant 0 : index
    %swap3A_84 = tpu.vector_load %arg9[%swap3A_82, %swap3A_83] {strides = array<i32>} : memref<16x32xf32, #tpu.memory_space<vmem>>, vector<1x16xf32>,
    %swap3A_85 = vector.shape_cast %swap3A_84 : vector<1x16xf32> to vector<16xf32>
    %swap3A_86 = vector.shape_cast %select_n3A_80 : vector<16xf32> to vector<1x16xf32>
    tpu.vector_store %arg9[%swap3A_82, %swap3A_83], %swap3A_86 {strides = array<i32>} : memref<16x32xf32, #tpu.memory_space<vmem>>, vector<1x16xf32>,
    %mul3A_87 = arith.mulf %scan3A_44#3, %get3A_21 : vector<16xf32>
    %gt3A_88 = arith.constant 0.000000e+00 : f32
    %gt3A_89 = vector.broadcast %gt3A_88 : f32 to vector<16xf32>
    %gt3A_90 = arith.cmpf ogt, %mul3A_87, %gt3A_89 : vector<16xf32>
    %jit3A_91 = arith.constant 1.000000e+00 : f32
    %jit3A_92 = arith.constant -1.000000e+00 : f32
    %broadcast_in_dim3A_93 = vector.broadcast %jit3A_91 : f32 to vector<16xf32>
    %broadcast_in_dim3A_94 = vector.broadcast %jit3A_92 : f32 to vector<16xf32>
    %select_n3A_95 = arith.select %gt3A_90, %broadcast_in_dim3A_93, %broadcast_in_dim3A_94 : vector<16xi1>, vector<16xf32>
    %swap3A_96 = arith.constant 1 : i32
    %swap3A_97 = arith.index_cast %swap3A_96 : i32 to index
    %swap3A_98 = arith.constant 16 : index
    %swap3A_99 = tpu.vector_load %arg9[%swap3A_97, %swap3A_98] {strides = array<i32>} : memref<16x32xf32, #tpu.memory_space<vmem>>, vector<1x16xf32>,
    %swap3A_100 = vector.shape_cast %swap3A_99 : vector<1x16xf32> to vector<16xf32>
    %swap3A_101 = vector.shape_cast %select_n3A_95 : vector<16xf32> to vector<1x16xf32>
    tpu.vector_store %arg9[%swap3A_97, %swap3A_98], %swap3A_101 {strides = array<i32>} : memref<16x32xf32, #tpu.memory_space<vmem>>, vector<1x16xf32>,
    %mul3A_102 = arith.mulf %scan3A_44#4, %get3A_16 : vector<16xf32>
    %gt3A_103 = arith.constant 0.000000e+00 : f32
    %gt3A_104 = vector.broadcast %gt3A_103 : f32 to vector<16xf32>
    %gt3A_105 = arith.cmpf ogt, %mul3A_102, %gt3A_104 : vector<16xf32>
    %jit3A_106 = arith.constant 1.000000e+00 : f32
    %jit3A_107 = arith.constant -1.000000e+00 : f32
    %broadcast_in_dim3A_108 = vector.broadcast %jit3A_106 : f32 to vector<16xf32>
    %broadcast_in_dim3A_109 = vector.broadcast %jit3A_107 : f32 to vector<16xf32>
    %select_n3A_110 = arith.select %gt3A_105, %broadcast_in_dim3A_108, %broadcast_in_dim3A_109 : vector<16xi1>, vector<16xf32>
    %swap3A_111 = arith.constant 2 : i32
    %swap3A_112 = arith.index_cast %swap3A_111 : i32 to index
    %swap3A_113 = arith.constant 0 : index
    %swap3A_114 = tpu.vector_load %arg9[%swap3A_112, %swap3A_113] {strides = array<i32>} : memref<16x32xf32, #tpu.memory_space<vmem>>, vector<1x16xf32>,
    %swap3A_115 = vector.shape_cast %swap3A_114 : vector<1x16xf32> to vector<16xf32>
    %swap3A_116 = vector.shape_cast %select_n3A_110 : vector<16xf32> to vector<1x16xf32>
    tpu.vector_store %arg9[%swap3A_112, %swap3A_113], %swap3A_116 {strides = array<i32>} : memref<16x32xf32, #tpu.memory_space<vmem>>, vector<1x16xf32>,
    %mul3A_117 = arith.mulf %scan3A_44#5, %get3A_21 : vector<16xf32>
    %gt3A_118 = arith.constant 0.000000e+00 : f32
    %gt3A_119 = vector.broadcast %gt3A_118 : f32 to vector<16xf32>
    %gt3A_120 = arith.cmpf ogt, %mul3A_117, %gt3A_119 : vector<16xf32>
    %jit3A_121 = arith.constant 1.000000e+00 : f32
    %jit3A_122 = arith.constant -1.000000e+00 : f32
    %broadcast_in_dim3A_123 = vector.broadcast %jit3A_121 : f32 to vector<16xf32>
    %broadcast_in_dim3A_124 = vector.broadcast %jit3A_122 : f32 to vector<16xf32>
    %select_n3A_125 = arith.select %gt3A_120, %broadcast_in_dim3A_123, %broadcast_in_dim3A_124 : vector<16xi1>, vector<16xf32>
    %swap3A_126 = arith.constant 2 : i32
    %swap3A_127 = arith.index_cast %swap3A_126 : i32 to index
    %swap3A_128 = arith.constant 16 : index
    %swap3A_129 = tpu.vector_load %arg9[%swap3A_127, %swap3A_128] {strides = array<i32>} : memref<16x32xf32, #tpu.memory_space<vmem>>, vector<1x16xf32>,
    %swap3A_130 = vector.shape_cast %swap3A_129 : vector<1x16xf32> to vector<16xf32>
    %swap3A_131 = vector.shape_cast %select_n3A_125 : vector<16xf32> to vector<1x16xf32>
    tpu.vector_store %arg9[%swap3A_127, %swap3A_128], %swap3A_131 {strides = array<i32>} : memref<16x32xf32, #tpu.memory_space<vmem>>, vector<1x16xf32>,
    %mul3A_132 = arith.mulf %scan3A_44#6, %get3A_16 : vector<16xf32>
    %gt3A_133 = arith.constant 0.000000e+00 : f32
    %gt3A_134 = vector.broadcast %gt3A_133 : f32 to vector<16xf32>
    %gt3A_135 = arith.cmpf ogt, %mul3A_132, %gt3A_134 : vector<16xf32>
    %jit3A_136 = arith.constant 1.000000e+00 : f32
    %jit3A_137 = arith.constant -1.000000e+00 : f32
    %broadcast_in_dim3A_138 = vector.broadcast %jit3A_136 : f32 to vector<16xf32>
    %broadcast_in_dim3A_139 = vector.broadcast %jit3A_137 : f32 to vector<16xf32>
    %select_n3A_140 = arith.select %gt3A_135, %broadcast_in_dim3A_138, %broadcast_in_dim3A_139 : vector<16xi1>, vector<16xf32>
    %swap3A_141 = arith.constant 3 : i32
    %swap3A_142 = arith.index_cast %swap3A_141 : i32 to index
    %swap3A_143 = arith.constant 0 : index
    %swap3A_144 = tpu.vector_load %arg9[%swap3A_142, %swap3A_143] {strides = array<i32>} : memref<16x32xf32, #tpu.memory_space<vmem>>, vector<1x16xf32>,
    %swap3A_145 = vector.shape_cast %swap3A_144 : vector<1x16xf32> to vector<16xf32>
    %swap3A_146 = vector.shape_cast %select_n3A_140 : vector<16xf32> to vector<1x16xf32>
    tpu.vector_store %arg9[%swap3A_142, %swap3A_143], %swap3A_146 {strides = array<i32>} : memref<16x32xf32, #tpu.memory_space<vmem>>, vector<1x16xf32>,
    %mul3A_147 = arith.mulf %scan3A_44#7, %get3A_21 : vector<16xf32>
    %gt3A_148 = arith.constant 0.000000e+00 : f32
    %gt3A_149 = vector.broadcast %gt3A_148 : f32 to vector<16xf32>
    %gt3A_150 = arith.cmpf ogt, %mul3A_147, %gt3A_149 : vector<16xf32>
    %jit3A_151 = arith.constant 1.000000e+00 : f32
    %jit3A_152 = arith.constant -1.000000e+00 : f32
    %broadcast_in_dim3A_153 = vector.broadcast %jit3A_151 : f32 to vector<16xf32>
    %broadcast_in_dim3A_154 = vector.broadcast %jit3A_152 : f32 to vector<16xf32>
    %select_n3A_155 = arith.select %gt3A_150, %broadcast_in_dim3A_153, %broadcast_in_dim3A_154 : vector<16xi1>, vector<16xf32>
    %swap3A_156 = arith.constant 3 : i32
    %swap3A_157 = arith.index_cast %swap3A_156 : i32 to index
    %swap3A_158 = arith.constant 16 : index
    %swap3A_159 = tpu.vector_load %arg9[%swap3A_157, %swap3A_158] {strides = array<i32>} : memref<16x32xf32, #tpu.memory_space<vmem>>, vector<1x16xf32>,
    %swap3A_160 = vector.shape_cast %swap3A_159 : vector<1x16xf32> to vector<16xf32>
    %swap3A_161 = vector.shape_cast %select_n3A_155 : vector<16xf32> to vector<1x16xf32>
    tpu.vector_store %arg9[%swap3A_157, %swap3A_158], %swap3A_161 {strides = array<i32>} : memref<16x32xf32, #tpu.memory_space<vmem>>, vector<1x16xf32>,
    %mul3A_162 = arith.mulf %scan3A_44#8, %get3A_16 : vector<16xf32>
    %gt3A_163 = arith.constant 0.000000e+00 : f32
    %gt3A_164 = vector.broadcast %gt3A_163 : f32 to vector<16xf32>
    %gt3A_165 = arith.cmpf ogt, %mul3A_162, %gt3A_164 : vector<16xf32>
    %jit3A_166 = arith.constant 1.000000e+00 : f32
    %jit3A_167 = arith.constant -1.000000e+00 : f32
    %broadcast_in_dim3A_168 = vector.broadcast %jit3A_166 : f32 to vector<16xf32>
    %broadcast_in_dim3A_169 = vector.broadcast %jit3A_167 : f32 to vector<16xf32>
    %select_n3A_170 = arith.select %gt3A_165, %broadcast_in_dim3A_168, %broadcast_in_dim3A_169 : vector<16xi1>, vector<16xf32>
    %swap3A_171 = arith.constant 4 : i32
    %swap3A_172 = arith.index_cast %swap3A_171 : i32 to index
    %swap3A_173 = arith.constant 0 : index
    %swap3A_174 = tpu.vector_load %arg9[%swap3A_172, %swap3A_173] {strides = array<i32>} : memref<16x32xf32, #tpu.memory_space<vmem>>, vector<1x16xf32>,
    %swap3A_175 = vector.shape_cast %swap3A_174 : vector<1x16xf32> to vector<16xf32>
    %swap3A_176 = vector.shape_cast %select_n3A_170 : vector<16xf32> to vector<1x16xf32>
    tpu.vector_store %arg9[%swap3A_172, %swap3A_173], %swap3A_176 {strides = array<i32>} : memref<16x32xf32, #tpu.memory_space<vmem>>, vector<1x16xf32>,
    %mul3A_177 = arith.mulf %scan3A_44#9, %get3A_21 : vector<16xf32>
    %gt3A_178 = arith.constant 0.000000e+00 : f32
    %gt3A_179 = vector.broadcast %gt3A_178 : f32 to vector<16xf32>
    %gt3A_180 = arith.cmpf ogt, %mul3A_177, %gt3A_179 : vector<16xf32>
    %jit3A_181 = arith.constant 1.000000e+00 : f32
    %jit3A_182 = arith.constant -1.000000e+00 : f32
    %broadcast_in_dim3A_183 = vector.broadcast %jit3A_181 : f32 to vector<16xf32>
    %broadcast_in_dim3A_184 = vector.broadcast %jit3A_182 : f32 to vector<16xf32>
    %select_n3A_185 = arith.select %gt3A_180, %broadcast_in_dim3A_183, %broadcast_in_dim3A_184 : vector<16xi1>, vector<16xf32>
    %swap3A_186 = arith.constant 4 : i32
    %swap3A_187 = arith.index_cast %swap3A_186 : i32 to index
    %swap3A_188 = arith.constant 16 : index
    %swap3A_189 = tpu.vector_load %arg9[%swap3A_187, %swap3A_188] {strides = array<i32>} : memref<16x32xf32, #tpu.memory_space<vmem>>, vector<1x16xf32>,
    %swap3A_190 = vector.shape_cast %swap3A_189 : vector<1x16xf32> to vector<16xf32>
    %swap3A_191 = vector.shape_cast %select_n3A_185 : vector<16xf32> to vector<1x16xf32>
    tpu.vector_store %arg9[%swap3A_187, %swap3A_188], %swap3A_191 {strides = array<i32>} : memref<16x32xf32, #tpu.memory_space<vmem>>, vector<1x16xf32>,
    %mul3A_192 = arith.mulf %scan3A_44#10, %get3A_16 : vector<16xf32>
    %gt3A_193 = arith.constant 0.000000e+00 : f32
    %gt3A_194 = vector.broadcast %gt3A_193 : f32 to vector<16xf32>
    %gt3A_195 = arith.cmpf ogt, %mul3A_192, %gt3A_194 : vector<16xf32>
    %jit3A_196 = arith.constant 1.000000e+00 : f32
    %jit3A_197 = arith.constant -1.000000e+00 : f32
    %broadcast_in_dim3A_198 = vector.broadcast %jit3A_196 : f32 to vector<16xf32>
    %broadcast_in_dim3A_199 = vector.broadcast %jit3A_197 : f32 to vector<16xf32>
    %select_n3A_200 = arith.select %gt3A_195, %broadcast_in_dim3A_198, %broadcast_in_dim3A_199 : vector<16xi1>, vector<16xf32>
    %swap3A_201 = arith.constant 5 : i32
    %swap3A_202 = arith.index_cast %swap3A_201 : i32 to index
    %swap3A_203 = arith.constant 0 : index
    %swap3A_204 = tpu.vector_load %arg9[%swap3A_202, %swap3A_203] {strides = array<i32>} : memref<16x32xf32, #tpu.memory_space<vmem>>, vector<1x16xf32>,
    %swap3A_205 = vector.shape_cast %swap3A_204 : vector<1x16xf32> to vector<16xf32>
    %swap3A_206 = vector.shape_cast %select_n3A_200 : vector<16xf32> to vector<1x16xf32>
    tpu.vector_store %arg9[%swap3A_202, %swap3A_203], %swap3A_206 {strides = array<i32>} : memref<16x32xf32, #tpu.memory_space<vmem>>, vector<1x16xf32>,
    %mul3A_207 = arith.mulf %scan3A_44#11, %get3A_21 : vector<16xf32>
    %gt3A_208 = arith.constant 0.000000e+00 : f32
    %gt3A_209 = vector.broadcast %gt3A_208 : f32 to vector<16xf32>
    %gt3A_210 = arith.cmpf ogt, %mul3A_207, %gt3A_209 : vector<16xf32>
    %jit3A_211 = arith.constant 1.000000e+00 : f32
    %jit3A_212 = arith.constant -1.000000e+00 : f32
    %broadcast_in_dim3A_213 = vector.broadcast %jit3A_211 : f32 to vector<16xf32>
    %broadcast_in_dim3A_214 = vector.broadcast %jit3A_212 : f32 to vector<16xf32>
    %select_n3A_215 = arith.select %gt3A_210, %broadcast_in_dim3A_213, %broadcast_in_dim3A_214 : vector<16xi1>, vector<16xf32>
    %swap3A_216 = arith.constant 5 : i32
    %swap3A_217 = arith.index_cast %swap3A_216 : i32 to index
    %swap3A_218 = arith.constant 16 : index
    %swap3A_219 = tpu.vector_load %arg9[%swap3A_217, %swap3A_218] {strides = array<i32>} : memref<16x32xf32, #tpu.memory_space<vmem>>, vector<1x16xf32>,
    %swap3A_220 = vector.shape_cast %swap3A_219 : vector<1x16xf32> to vector<16xf32>
    %swap3A_221 = vector.shape_cast %select_n3A_215 : vector<16xf32> to vector<1x16xf32>
    tpu.vector_store %arg9[%swap3A_217, %swap3A_218], %swap3A_221 {strides = array<i32>} : memref<16x32xf32, #tpu.memory_space<vmem>>, vector<1x16xf32>,
    %mul3A_222 = arith.mulf %scan3A_44#12, %get3A_16 : vector<16xf32>
    %gt3A_223 = arith.constant 0.000000e+00 : f32
    %gt3A_224 = vector.broadcast %gt3A_223 : f32 to vector<16xf32>
    %gt3A_225 = arith.cmpf ogt, %mul3A_222, %gt3A_224 : vector<16xf32>
    %jit3A_226 = arith.constant 1.000000e+00 : f32
    %jit3A_227 = arith.constant -1.000000e+00 : f32
    %broadcast_in_dim3A_228 = vector.broadcast %jit3A_226 : f32 to vector<16xf32>
    %broadcast_in_dim3A_229 = vector.broadcast %jit3A_227 : f32 to vector<16xf32>
    %select_n3A_230 = arith.select %gt3A_225, %broadcast_in_dim3A_228, %broadcast_in_dim3A_229 : vector<16xi1>, vector<16xf32>
    %swap3A_231 = arith.constant 6 : i32
    %swap3A_232 = arith.index_cast %swap3A_231 : i32 to index
    %swap3A_233 = arith.constant 0 : index
    %swap3A_234 = tpu.vector_load %arg9[%swap3A_232, %swap3A_233] {strides = array<i32>} : memref<16x32xf32, #tpu.memory_space<vmem>>, vector<1x16xf32>,
    %swap3A_235 = vector.shape_cast %swap3A_234 : vector<1x16xf32> to vector<16xf32>
    %swap3A_236 = vector.shape_cast %select_n3A_230 : vector<16xf32> to vector<1x16xf32>
    tpu.vector_store %arg9[%swap3A_232, %swap3A_233], %swap3A_236 {strides = array<i32>} : memref<16x32xf32, #tpu.memory_space<vmem>>, vector<1x16xf32>,
    %mul3A_237 = arith.mulf %scan3A_44#13, %get3A_21 : vector<16xf32>
    %gt3A_238 = arith.constant 0.000000e+00 : f32
    %gt3A_239 = vector.broadcast %gt3A_238 : f32 to vector<16xf32>
    %gt3A_240 = arith.cmpf ogt, %mul3A_237, %gt3A_239 : vector<16xf32>
    %jit3A_241 = arith.constant 1.000000e+00 : f32
    %jit3A_242 = arith.constant -1.000000e+00 : f32
    %broadcast_in_dim3A_243 = vector.broadcast %jit3A_241 : f32 to vector<16xf32>
    %broadcast_in_dim3A_244 = vector.broadcast %jit3A_242 : f32 to vector<16xf32>
    %select_n3A_245 = arith.select %gt3A_240, %broadcast_in_dim3A_243, %broadcast_in_dim3A_244 : vector<16xi1>, vector<16xf32>
    %swap3A_246 = arith.constant 6 : i32
    %swap3A_247 = arith.index_cast %swap3A_246 : i32 to index
    %swap3A_248 = arith.constant 16 : index
    %swap3A_249 = tpu.vector_load %arg9[%swap3A_247, %swap3A_248] {strides = array<i32>} : memref<16x32xf32, #tpu.memory_space<vmem>>, vector<1x16xf32>,
    %swap3A_250 = vector.shape_cast %swap3A_249 : vector<1x16xf32> to vector<16xf32>
    %swap3A_251 = vector.shape_cast %select_n3A_245 : vector<16xf32> to vector<1x16xf32>
    tpu.vector_store %arg9[%swap3A_247, %swap3A_248], %swap3A_251 {strides = array<i32>} : memref<16x32xf32, #tpu.memory_space<vmem>>, vector<1x16xf32>,
    %mul3A_252 = arith.mulf %scan3A_44#14, %get3A_16 : vector<16xf32>
    %gt3A_253 = arith.constant 0.000000e+00 : f32
    %gt3A_254 = vector.broadcast %gt3A_253 : f32 to vector<16xf32>
    %gt3A_255 = arith.cmpf ogt, %mul3A_252, %gt3A_254 : vector<16xf32>
    %jit3A_256 = arith.constant 1.000000e+00 : f32
    %jit3A_257 = arith.constant -1.000000e+00 : f32
    %broadcast_in_dim3A_258 = vector.broadcast %jit3A_256 : f32 to vector<16xf32>
    %broadcast_in_dim3A_259 = vector.broadcast %jit3A_257 : f32 to vector<16xf32>
    %select_n3A_260 = arith.select %gt3A_255, %broadcast_in_dim3A_258, %broadcast_in_dim3A_259 : vector<16xi1>, vector<16xf32>
    %swap3A_261 = arith.constant 7 : i32
    %swap3A_262 = arith.index_cast %swap3A_261 : i32 to index
    %swap3A_263 = arith.constant 0 : index
    %swap3A_264 = tpu.vector_load %arg9[%swap3A_262, %swap3A_263] {strides = array<i32>} : memref<16x32xf32, #tpu.memory_space<vmem>>, vector<1x16xf32>,
    %swap3A_265 = vector.shape_cast %swap3A_264 : vector<1x16xf32> to vector<16xf32>
    %swap3A_266 = vector.shape_cast %select_n3A_260 : vector<16xf32> to vector<1x16xf32>
    tpu.vector_store %arg9[%swap3A_262, %swap3A_263], %swap3A_266 {strides = array<i32>} : memref<16x32xf32, #tpu.memory_space<vmem>>, vector<1x16xf32>,
    %mul3A_267 = arith.mulf %scan3A_44#15, %get3A_21 : vector<16xf32>
    %gt3A_268 = arith.constant 0.000000e+00 : f32
    %gt3A_269 = vector.broadcast %gt3A_268 : f32 to vector<16xf32>
    %gt3A_270 = arith.cmpf ogt, %mul3A_267, %gt3A_269 : vector<16xf32>
    %jit3A_271 = arith.constant 1.000000e+00 : f32
    %jit3A_272 = arith.constant -1.000000e+00 : f32
    %broadcast_in_dim3A_273 = vector.broadcast %jit3A_271 : f32 to vector<16xf32>
    %broadcast_in_dim3A_274 = vector.broadcast %jit3A_272 : f32 to vector<16xf32>
    %select_n3A_275 = arith.select %gt3A_270, %broadcast_in_dim3A_273, %broadcast_in_dim3A_274 : vector<16xi1>, vector<16xf32>
    %swap3A_276 = arith.constant 7 : i32
    %swap3A_277 = arith.index_cast %swap3A_276 : i32 to index
    %swap3A_278 = arith.constant 16 : index
    %swap3A_279 = tpu.vector_load %arg9[%swap3A_277, %swap3A_278] {strides = array<i32>} : memref<16x32xf32, #tpu.memory_space<vmem>>, vector<1x16xf32>,
    %swap3A_280 = vector.shape_cast %swap3A_279 : vector<1x16xf32> to vector<16xf32>
    %swap3A_281 = vector.shape_cast %select_n3A_275 : vector<16xf32> to vector<1x16xf32>
    tpu.vector_store %arg9[%swap3A_277, %swap3A_278], %swap3A_281 {strides = array<i32>} : memref<16x32xf32, #tpu.memory_space<vmem>>, vector<1x16xf32>,
    %mul3A_282 = arith.mulf %scan3A_44#16, %get3A_16 : vector<16xf32>
    %gt3A_283 = arith.constant 0.000000e+00 : f32
    %gt3A_284 = vector.broadcast %gt3A_283 : f32 to vector<16xf32>
    %gt3A_285 = arith.cmpf ogt, %mul3A_282, %gt3A_284 : vector<16xf32>
    %jit3A_286 = arith.constant 1.000000e+00 : f32
    %jit3A_287 = arith.constant -1.000000e+00 : f32
    %broadcast_in_dim3A_288 = vector.broadcast %jit3A_286 : f32 to vector<16xf32>
    %broadcast_in_dim3A_289 = vector.broadcast %jit3A_287 : f32 to vector<16xf32>
    %select_n3A_290 = arith.select %gt3A_285, %broadcast_in_dim3A_288, %broadcast_in_dim3A_289 : vector<16xi1>, vector<16xf32>
    %swap3A_291 = arith.constant 8 : i32
    %swap3A_292 = arith.index_cast %swap3A_291 : i32 to index
    %swap3A_293 = arith.constant 0 : index
    %swap3A_294 = tpu.vector_load %arg9[%swap3A_292, %swap3A_293] {strides = array<i32>} : memref<16x32xf32, #tpu.memory_space<vmem>>, vector<1x16xf32>,
    %swap3A_295 = vector.shape_cast %swap3A_294 : vector<1x16xf32> to vector<16xf32>
    %swap3A_296 = vector.shape_cast %select_n3A_290 : vector<16xf32> to vector<1x16xf32>
    tpu.vector_store %arg9[%swap3A_292, %swap3A_293], %swap3A_296 {strides = array<i32>} : memref<16x32xf32, #tpu.memory_space<vmem>>, vector<1x16xf32>,
    %mul3A_297 = arith.mulf %scan3A_44#17, %get3A_21 : vector<16xf32>
    %gt3A_298 = arith.constant 0.000000e+00 : f32
    %gt3A_299 = vector.broadcast %gt3A_298 : f32 to vector<16xf32>
    %gt3A_300 = arith.cmpf ogt, %mul3A_297, %gt3A_299 : vector<16xf32>
    %jit3A_301 = arith.constant 1.000000e+00 : f32
    %jit3A_302 = arith.constant -1.000000e+00 : f32
    %broadcast_in_dim3A_303 = vector.broadcast %jit3A_301 : f32 to vector<16xf32>
    %broadcast_in_dim3A_304 = vector.broadcast %jit3A_302 : f32 to vector<16xf32>
    %select_n3A_305 = arith.select %gt3A_300, %broadcast_in_dim3A_303, %broadcast_in_dim3A_304 : vector<16xi1>, vector<16xf32>
    %swap3A_306 = arith.constant 8 : i32
    %swap3A_307 = arith.index_cast %swap3A_306 : i32 to index
    %swap3A_308 = arith.constant 16 : index
    %swap3A_309 = tpu.vector_load %arg9[%swap3A_307, %swap3A_308] {strides = array<i32>} : memref<16x32xf32, #tpu.memory_space<vmem>>, vector<1x16xf32>,
    %swap3A_310 = vector.shape_cast %swap3A_309 : vector<1x16xf32> to vector<16xf32>
    %swap3A_311 = vector.shape_cast %select_n3A_305 : vector<16xf32> to vector<1x16xf32>
    tpu.vector_store %arg9[%swap3A_307, %swap3A_308], %swap3A_311 {strides = array<i32>} : memref<16x32xf32, #tpu.memory_space<vmem>>, vector<1x16xf32>,
    %mul3A_312 = arith.mulf %scan3A_44#18, %get3A_16 : vector<16xf32>
    %gt3A_313 = arith.constant 0.000000e+00 : f32
    %gt3A_314 = vector.broadcast %gt3A_313 : f32 to vector<16xf32>
    %gt3A_315 = arith.cmpf ogt, %mul3A_312, %gt3A_314 : vector<16xf32>
    %jit3A_316 = arith.constant 1.000000e+00 : f32
    %jit3A_317 = arith.constant -1.000000e+00 : f32
    %broadcast_in_dim3A_318 = vector.broadcast %jit3A_316 : f32 to vector<16xf32>
    %broadcast_in_dim3A_319 = vector.broadcast %jit3A_317 : f32 to vector<16xf32>
    %select_n3A_320 = arith.select %gt3A_315, %broadcast_in_dim3A_318, %broadcast_in_dim3A_319 : vector<16xi1>, vector<16xf32>
    %swap3A_321 = arith.constant 9 : i32
    %swap3A_322 = arith.index_cast %swap3A_321 : i32 to index
    %swap3A_323 = arith.constant 0 : index
    %swap3A_324 = tpu.vector_load %arg9[%swap3A_322, %swap3A_323] {strides = array<i32>} : memref<16x32xf32, #tpu.memory_space<vmem>>, vector<1x16xf32>,
    %swap3A_325 = vector.shape_cast %swap3A_324 : vector<1x16xf32> to vector<16xf32>
    %swap3A_326 = vector.shape_cast %select_n3A_320 : vector<16xf32> to vector<1x16xf32>
    tpu.vector_store %arg9[%swap3A_322, %swap3A_323], %swap3A_326 {strides = array<i32>} : memref<16x32xf32, #tpu.memory_space<vmem>>, vector<1x16xf32>,
    %mul3A_327 = arith.mulf %scan3A_44#19, %get3A_21 : vector<16xf32>
    %gt3A_328 = arith.constant 0.000000e+00 : f32
    %gt3A_329 = vector.broadcast %gt3A_328 : f32 to vector<16xf32>
    %gt3A_330 = arith.cmpf ogt, %mul3A_327, %gt3A_329 : vector<16xf32>
    %jit3A_331 = arith.constant 1.000000e+00 : f32
    %jit3A_332 = arith.constant -1.000000e+00 : f32
    %broadcast_in_dim3A_333 = vector.broadcast %jit3A_331 : f32 to vector<16xf32>
    %broadcast_in_dim3A_334 = vector.broadcast %jit3A_332 : f32 to vector<16xf32>
    %select_n3A_335 = arith.select %gt3A_330, %broadcast_in_dim3A_333, %broadcast_in_dim3A_334 : vector<16xi1>, vector<16xf32>
    %swap3A_336 = arith.constant 9 : i32
    %swap3A_337 = arith.index_cast %swap3A_336 : i32 to index
    %swap3A_338 = arith.constant 16 : index
    %swap3A_339 = tpu.vector_load %arg9[%swap3A_337, %swap3A_338] {strides = array<i32>} : memref<16x32xf32, #tpu.memory_space<vmem>>, vector<1x16xf32>,
    %swap3A_340 = vector.shape_cast %swap3A_339 : vector<1x16xf32> to vector<16xf32>
    %swap3A_341 = vector.shape_cast %select_n3A_335 : vector<16xf32> to vector<1x16xf32>
    tpu.vector_store %arg9[%swap3A_337, %swap3A_338], %swap3A_341 {strides = array<i32>} : memref<16x32xf32, #tpu.memory_space<vmem>>, vector<1x16xf32>,
    %mul3A_342 = arith.mulf %scan3A_44#20, %get3A_16 : vector<16xf32>
    %gt3A_343 = arith.constant 0.000000e+00 : f32
    %gt3A_344 = vector.broadcast %gt3A_343 : f32 to vector<16xf32>
    %gt3A_345 = arith.cmpf ogt, %mul3A_342, %gt3A_344 : vector<16xf32>
    %jit3A_346 = arith.constant 1.000000e+00 : f32
    %jit3A_347 = arith.constant -1.000000e+00 : f32
    %broadcast_in_dim3A_348 = vector.broadcast %jit3A_346 : f32 to vector<16xf32>
    %broadcast_in_dim3A_349 = vector.broadcast %jit3A_347 : f32 to vector<16xf32>
    %select_n3A_350 = arith.select %gt3A_345, %broadcast_in_dim3A_348, %broadcast_in_dim3A_349 : vector<16xi1>, vector<16xf32>
    %swap3A_351 = arith.constant 10 : i32
    %swap3A_352 = arith.index_cast %swap3A_351 : i32 to index
    %swap3A_353 = arith.constant 0 : index
    %swap3A_354 = tpu.vector_load %arg9[%swap3A_352, %swap3A_353] {strides = array<i32>} : memref<16x32xf32, #tpu.memory_space<vmem>>, vector<1x16xf32>,
    %swap3A_355 = vector.shape_cast %swap3A_354 : vector<1x16xf32> to vector<16xf32>
    %swap3A_356 = vector.shape_cast %select_n3A_350 : vector<16xf32> to vector<1x16xf32>
    tpu.vector_store %arg9[%swap3A_352, %swap3A_353], %swap3A_356 {strides = array<i32>} : memref<16x32xf32, #tpu.memory_space<vmem>>, vector<1x16xf32>,
    %mul3A_357 = arith.mulf %scan3A_44#21, %get3A_21 : vector<16xf32>
    %gt3A_358 = arith.constant 0.000000e+00 : f32
    %gt3A_359 = vector.broadcast %gt3A_358 : f32 to vector<16xf32>
    %gt3A_360 = arith.cmpf ogt, %mul3A_357, %gt3A_359 : vector<16xf32>
    %jit3A_361 = arith.constant 1.000000e+00 : f32
    %jit3A_362 = arith.constant -1.000000e+00 : f32
    %broadcast_in_dim3A_363 = vector.broadcast %jit3A_361 : f32 to vector<16xf32>
    %broadcast_in_dim3A_364 = vector.broadcast %jit3A_362 : f32 to vector<16xf32>
    %select_n3A_365 = arith.select %gt3A_360, %broadcast_in_dim3A_363, %broadcast_in_dim3A_364 : vector<16xi1>, vector<16xf32>
    %swap3A_366 = arith.constant 10 : i32
    %swap3A_367 = arith.index_cast %swap3A_366 : i32 to index
    %swap3A_368 = arith.constant 16 : index
    %swap3A_369 = tpu.vector_load %arg9[%swap3A_367, %swap3A_368] {strides = array<i32>} : memref<16x32xf32, #tpu.memory_space<vmem>>, vector<1x16xf32>,
    %swap3A_370 = vector.shape_cast %swap3A_369 : vector<1x16xf32> to vector<16xf32>
    %swap3A_371 = vector.shape_cast %select_n3A_365 : vector<16xf32> to vector<1x16xf32>
    tpu.vector_store %arg9[%swap3A_367, %swap3A_368], %swap3A_371 {strides = array<i32>} : memref<16x32xf32, #tpu.memory_space<vmem>>, vector<1x16xf32>,
    %mul3A_372 = arith.mulf %scan3A_44#22, %get3A_16 : vector<16xf32>
    %gt3A_373 = arith.constant 0.000000e+00 : f32
    %gt3A_374 = vector.broadcast %gt3A_373 : f32 to vector<16xf32>
    %gt3A_375 = arith.cmpf ogt, %mul3A_372, %gt3A_374 : vector<16xf32>
    %jit3A_376 = arith.constant 1.000000e+00 : f32
    %jit3A_377 = arith.constant -1.000000e+00 : f32
    %broadcast_in_dim3A_378 = vector.broadcast %jit3A_376 : f32 to vector<16xf32>
    %broadcast_in_dim3A_379 = vector.broadcast %jit3A_377 : f32 to vector<16xf32>
    %select_n3A_380 = arith.select %gt3A_375, %broadcast_in_dim3A_378, %broadcast_in_dim3A_379 : vector<16xi1>, vector<16xf32>
    %swap3A_381 = arith.constant 11 : i32
    %swap3A_382 = arith.index_cast %swap3A_381 : i32 to index
    %swap3A_383 = arith.constant 0 : index
    %swap3A_384 = tpu.vector_load %arg9[%swap3A_382, %swap3A_383] {strides = array<i32>} : memref<16x32xf32, #tpu.memory_space<vmem>>, vector<1x16xf32>,
    %swap3A_385 = vector.shape_cast %swap3A_384 : vector<1x16xf32> to vector<16xf32>
    %swap3A_386 = vector.shape_cast %select_n3A_380 : vector<16xf32> to vector<1x16xf32>
    tpu.vector_store %arg9[%swap3A_382, %swap3A_383], %swap3A_386 {strides = array<i32>} : memref<16x32xf32, #tpu.memory_space<vmem>>, vector<1x16xf32>,
    %mul3A_387 = arith.mulf %scan3A_44#23, %get3A_21 : vector<16xf32>
    %gt3A_388 = arith.constant 0.000000e+00 : f32
    %gt3A_389 = vector.broadcast %gt3A_388 : f32 to vector<16xf32>
    %gt3A_390 = arith.cmpf ogt, %mul3A_387, %gt3A_389 : vector<16xf32>
    %jit3A_391 = arith.constant 1.000000e+00 : f32
    %jit3A_392 = arith.constant -1.000000e+00 : f32
    %broadcast_in_dim3A_393 = vector.broadcast %jit3A_391 : f32 to vector<16xf32>
    %broadcast_in_dim3A_394 = vector.broadcast %jit3A_392 : f32 to vector<16xf32>
    %select_n3A_395 = arith.select %gt3A_390, %broadcast_in_dim3A_393, %broadcast_in_dim3A_394 : vector<16xi1>, vector<16xf32>
    %swap3A_396 = arith.constant 11 : i32
    %swap3A_397 = arith.index_cast %swap3A_396 : i32 to index
    %swap3A_398 = arith.constant 16 : index
    %swap3A_399 = tpu.vector_load %arg9[%swap3A_397, %swap3A_398] {strides = array<i32>} : memref<16x32xf32, #tpu.memory_space<vmem>>, vector<1x16xf32>,
    %swap3A_400 = vector.shape_cast %swap3A_399 : vector<1x16xf32> to vector<16xf32>
    %swap3A_401 = vector.shape_cast %select_n3A_395 : vector<16xf32> to vector<1x16xf32>
    tpu.vector_store %arg9[%swap3A_397, %swap3A_398], %swap3A_401 {strides = array<i32>} : memref<16x32xf32, #tpu.memory_space<vmem>>, vector<1x16xf32>,
    %mul3A_402 = arith.mulf %scan3A_44#24, %get3A_16 : vector<16xf32>
    %gt3A_403 = arith.constant 0.000000e+00 : f32
    %gt3A_404 = vector.broadcast %gt3A_403 : f32 to vector<16xf32>
    %gt3A_405 = arith.cmpf ogt, %mul3A_402, %gt3A_404 : vector<16xf32>
    %jit3A_406 = arith.constant 1.000000e+00 : f32
    %jit3A_407 = arith.constant -1.000000e+00 : f32
    %broadcast_in_dim3A_408 = vector.broadcast %jit3A_406 : f32 to vector<16xf32>
    %broadcast_in_dim3A_409 = vector.broadcast %jit3A_407 : f32 to vector<16xf32>
    %select_n3A_410 = arith.select %gt3A_405, %broadcast_in_dim3A_408, %broadcast_in_dim3A_409 : vector<16xi1>, vector<16xf32>
    %swap3A_411 = arith.constant 12 : i32
    %swap3A_412 = arith.index_cast %swap3A_411 : i32 to index
    %swap3A_413 = arith.constant 0 : index
    %swap3A_414 = tpu.vector_load %arg9[%swap3A_412, %swap3A_413] {strides = array<i32>} : memref<16x32xf32, #tpu.memory_space<vmem>>, vector<1x16xf32>,
    %swap3A_415 = vector.shape_cast %swap3A_414 : vector<1x16xf32> to vector<16xf32>
    %swap3A_416 = vector.shape_cast %select_n3A_410 : vector<16xf32> to vector<1x16xf32>
    tpu.vector_store %arg9[%swap3A_412, %swap3A_413], %swap3A_416 {strides = array<i32>} : memref<16x32xf32, #tpu.memory_space<vmem>>, vector<1x16xf32>,
    %mul3A_417 = arith.mulf %scan3A_44#25, %get3A_21 : vector<16xf32>
    %gt3A_418 = arith.constant 0.000000e+00 : f32
    %gt3A_419 = vector.broadcast %gt3A_418 : f32 to vector<16xf32>
    %gt3A_420 = arith.cmpf ogt, %mul3A_417, %gt3A_419 : vector<16xf32>
    %jit3A_421 = arith.constant 1.000000e+00 : f32
    %jit3A_422 = arith.constant -1.000000e+00 : f32
    %broadcast_in_dim3A_423 = vector.broadcast %jit3A_421 : f32 to vector<16xf32>
    %broadcast_in_dim3A_424 = vector.broadcast %jit3A_422 : f32 to vector<16xf32>
    %select_n3A_425 = arith.select %gt3A_420, %broadcast_in_dim3A_423, %broadcast_in_dim3A_424 : vector<16xi1>, vector<16xf32>
    %swap3A_426 = arith.constant 12 : i32
    %swap3A_427 = arith.index_cast %swap3A_426 : i32 to index
    %swap3A_428 = arith.constant 16 : index
    %swap3A_429 = tpu.vector_load %arg9[%swap3A_427, %swap3A_428] {strides = array<i32>} : memref<16x32xf32, #tpu.memory_space<vmem>>, vector<1x16xf32>,
    %swap3A_430 = vector.shape_cast %swap3A_429 : vector<1x16xf32> to vector<16xf32>
    %swap3A_431 = vector.shape_cast %select_n3A_425 : vector<16xf32> to vector<1x16xf32>
    tpu.vector_store %arg9[%swap3A_427, %swap3A_428], %swap3A_431 {strides = array<i32>} : memref<16x32xf32, #tpu.memory_space<vmem>>, vector<1x16xf32>,
    %mul3A_432 = arith.mulf %scan3A_44#26, %get3A_16 : vector<16xf32>
    %gt3A_433 = arith.constant 0.000000e+00 : f32
    %gt3A_434 = vector.broadcast %gt3A_433 : f32 to vector<16xf32>
    %gt3A_435 = arith.cmpf ogt, %mul3A_432, %gt3A_434 : vector<16xf32>
    %jit3A_436 = arith.constant 1.000000e+00 : f32
    %jit3A_437 = arith.constant -1.000000e+00 : f32
    %broadcast_in_dim3A_438 = vector.broadcast %jit3A_436 : f32 to vector<16xf32>
    %broadcast_in_dim3A_439 = vector.broadcast %jit3A_437 : f32 to vector<16xf32>
    %select_n3A_440 = arith.select %gt3A_435, %broadcast_in_dim3A_438, %broadcast_in_dim3A_439 : vector<16xi1>, vector<16xf32>
    %swap3A_441 = arith.constant 13 : i32
    %swap3A_442 = arith.index_cast %swap3A_441 : i32 to index
    %swap3A_443 = arith.constant 0 : index
    %swap3A_444 = tpu.vector_load %arg9[%swap3A_442, %swap3A_443] {strides = array<i32>} : memref<16x32xf32, #tpu.memory_space<vmem>>, vector<1x16xf32>,
    %swap3A_445 = vector.shape_cast %swap3A_444 : vector<1x16xf32> to vector<16xf32>
    %swap3A_446 = vector.shape_cast %select_n3A_440 : vector<16xf32> to vector<1x16xf32>
    tpu.vector_store %arg9[%swap3A_442, %swap3A_443], %swap3A_446 {strides = array<i32>} : memref<16x32xf32, #tpu.memory_space<vmem>>, vector<1x16xf32>,
    %mul3A_447 = arith.mulf %scan3A_44#27, %get3A_21 : vector<16xf32>
    %gt3A_448 = arith.constant 0.000000e+00 : f32
    %gt3A_449 = vector.broadcast %gt3A_448 : f32 to vector<16xf32>
    %gt3A_450 = arith.cmpf ogt, %mul3A_447, %gt3A_449 : vector<16xf32>
    %jit3A_451 = arith.constant 1.000000e+00 : f32
    %jit3A_452 = arith.constant -1.000000e+00 : f32
    %broadcast_in_dim3A_453 = vector.broadcast %jit3A_451 : f32 to vector<16xf32>
    %broadcast_in_dim3A_454 = vector.broadcast %jit3A_452 : f32 to vector<16xf32>
    %select_n3A_455 = arith.select %gt3A_450, %broadcast_in_dim3A_453, %broadcast_in_dim3A_454 : vector<16xi1>, vector<16xf32>
    %swap3A_456 = arith.constant 13 : i32
    %swap3A_457 = arith.index_cast %swap3A_456 : i32 to index
    %swap3A_458 = arith.constant 16 : index
    %swap3A_459 = tpu.vector_load %arg9[%swap3A_457, %swap3A_458] {strides = array<i32>} : memref<16x32xf32, #tpu.memory_space<vmem>>, vector<1x16xf32>,
    %swap3A_460 = vector.shape_cast %swap3A_459 : vector<1x16xf32> to vector<16xf32>
    %swap3A_461 = vector.shape_cast %select_n3A_455 : vector<16xf32> to vector<1x16xf32>
    tpu.vector_store %arg9[%swap3A_457, %swap3A_458], %swap3A_461 {strides = array<i32>} : memref<16x32xf32, #tpu.memory_space<vmem>>, vector<1x16xf32>,
    %mul3A_462 = arith.mulf %scan3A_44#28, %get3A_16 : vector<16xf32>
    %gt3A_463 = arith.constant 0.000000e+00 : f32
    %gt3A_464 = vector.broadcast %gt3A_463 : f32 to vector<16xf32>
    %gt3A_465 = arith.cmpf ogt, %mul3A_462, %gt3A_464 : vector<16xf32>
    %jit3A_466 = arith.constant 1.000000e+00 : f32
    %jit3A_467 = arith.constant -1.000000e+00 : f32
    %broadcast_in_dim3A_468 = vector.broadcast %jit3A_466 : f32 to vector<16xf32>
    %broadcast_in_dim3A_469 = vector.broadcast %jit3A_467 : f32 to vector<16xf32>
    %select_n3A_470 = arith.select %gt3A_465, %broadcast_in_dim3A_468, %broadcast_in_dim3A_469 : vector<16xi1>, vector<16xf32>
    %swap3A_471 = arith.constant 14 : i32
    %swap3A_472 = arith.index_cast %swap3A_471 : i32 to index
    %swap3A_473 = arith.constant 0 : index
    %swap3A_474 = tpu.vector_load %arg9[%swap3A_472, %swap3A_473] {strides = array<i32>} : memref<16x32xf32, #tpu.memory_space<vmem>>, vector<1x16xf32>,
    %swap3A_475 = vector.shape_cast %swap3A_474 : vector<1x16xf32> to vector<16xf32>
    %swap3A_476 = vector.shape_cast %select_n3A_470 : vector<16xf32> to vector<1x16xf32>
    tpu.vector_store %arg9[%swap3A_472, %swap3A_473], %swap3A_476 {strides = array<i32>} : memref<16x32xf32, #tpu.memory_space<vmem>>, vector<1x16xf32>,
    %mul3A_477 = arith.mulf %scan3A_44#29, %get3A_21 : vector<16xf32>
    %gt3A_478 = arith.constant 0.000000e+00 : f32
    %gt3A_479 = vector.broadcast %gt3A_478 : f32 to vector<16xf32>
    %gt3A_480 = arith.cmpf ogt, %mul3A_477, %gt3A_479 : vector<16xf32>
    %jit3A_481 = arith.constant 1.000000e+00 : f32
    %jit3A_482 = arith.constant -1.000000e+00 : f32
    %broadcast_in_dim3A_483 = vector.broadcast %jit3A_481 : f32 to vector<16xf32>
    %broadcast_in_dim3A_484 = vector.broadcast %jit3A_482 : f32 to vector<16xf32>
    %select_n3A_485 = arith.select %gt3A_480, %broadcast_in_dim3A_483, %broadcast_in_dim3A_484 : vector<16xi1>, vector<16xf32>
    %swap3A_486 = arith.constant 14 : i32
    %swap3A_487 = arith.index_cast %swap3A_486 : i32 to index
    %swap3A_488 = arith.constant 16 : index
    %swap3A_489 = tpu.vector_load %arg9[%swap3A_487, %swap3A_488] {strides = array<i32>} : memref<16x32xf32, #tpu.memory_space<vmem>>, vector<1x16xf32>,
    %swap3A_490 = vector.shape_cast %swap3A_489 : vector<1x16xf32> to vector<16xf32>
    %swap3A_491 = vector.shape_cast %select_n3A_485 : vector<16xf32> to vector<1x16xf32>
    tpu.vector_store %arg9[%swap3A_487, %swap3A_488], %swap3A_491 {strides = array<i32>} : memref<16x32xf32, #tpu.memory_space<vmem>>, vector<1x16xf32>,
    %mul3A_492 = arith.mulf %scan3A_44#30, %get3A_16 : vector<16xf32>
    %gt3A_493 = arith.constant 0.000000e+00 : f32
    %gt3A_494 = vector.broadcast %gt3A_493 : f32 to vector<16xf32>
    %gt3A_495 = arith.cmpf ogt, %mul3A_492, %gt3A_494 : vector<16xf32>
    %jit3A_496 = arith.constant 1.000000e+00 : f32
    %jit3A_497 = arith.constant -1.000000e+00 : f32
    %broadcast_in_dim3A_498 = vector.broadcast %jit3A_496 : f32 to vector<16xf32>
    %broadcast_in_dim3A_499 = vector.broadcast %jit3A_497 : f32 to vector<16xf32>
    %select_n3A_500 = arith.select %gt3A_495, %broadcast_in_dim3A_498, %broadcast_in_dim3A_499 : vector<16xi1>, vector<16xf32>
    %swap3A_501 = arith.constant 15 : i32
    %swap3A_502 = arith.index_cast %swap3A_501 : i32 to index
    %swap3A_503 = arith.constant 0 : index
    %swap3A_504 = tpu.vector_load %arg9[%swap3A_502, %swap3A_503] {strides = array<i32>} : memref<16x32xf32, #tpu.memory_space<vmem>>, vector<1x16xf32>,
    %swap3A_505 = vector.shape_cast %swap3A_504 : vector<1x16xf32> to vector<16xf32>
    %swap3A_506 = vector.shape_cast %select_n3A_500 : vector<16xf32> to vector<1x16xf32>
    tpu.vector_store %arg9[%swap3A_502, %swap3A_503], %swap3A_506 {strides = array<i32>} : memref<16x32xf32, #tpu.memory_space<vmem>>, vector<1x16xf32>,
    %mul3A_507 = arith.mulf %scan3A_44#31, %get3A_21 : vector<16xf32>
    %gt3A_508 = arith.constant 0.000000e+00 : f32
    %gt3A_509 = vector.broadcast %gt3A_508 : f32 to vector<16xf32>
    %gt3A_510 = arith.cmpf ogt, %mul3A_507, %gt3A_509 : vector<16xf32>
    %jit3A_511 = arith.constant 1.000000e+00 : f32
    %jit3A_512 = arith.constant -1.000000e+00 : f32
    %broadcast_in_dim3A_513 = vector.broadcast %jit3A_511 : f32 to vector<16xf32>
    %broadcast_in_dim3A_514 = vector.broadcast %jit3A_512 : f32 to vector<16xf32>
    %select_n3A_515 = arith.select %gt3A_510, %broadcast_in_dim3A_513, %broadcast_in_dim3A_514 : vector<16xi1>, vector<16xf32>
    %swap3A_516 = arith.constant 15 : i32
    %swap3A_517 = arith.index_cast %swap3A_516 : i32 to index
    %swap3A_518 = arith.constant 16 : index
    %swap3A_519 = tpu.vector_load %arg9[%swap3A_517, %swap3A_518] {strides = array<i32>} : memref<16x32xf32, #tpu.memory_space<vmem>>, vector<1x16xf32>,
    %swap3A_520 = vector.shape_cast %swap3A_519 : vector<1x16xf32> to vector<16xf32>
    %swap3A_521 = vector.shape_cast %select_n3A_515 : vector<16xf32> to vector<1x16xf32>
    tpu.vector_store %arg9[%swap3A_517, %swap3A_518], %swap3A_521 {strides = array<i32>} : memref<16x32xf32, #tpu.memory_space<vmem>>, vector<1x16xf32>,
    %sub3A = arith.constant 0 : i32
    %sub3A_522 = arith.subi %add3A_12, %sub3A : i32
    "tpu.region"() ({
      %run_scoped3A = tpu.sem_alloc : memref<!tpu.dma_semaphore, #tpu.memory_space<semaphore_mem>>
      %dma_start3A = arith.constant 0 : i32
      %dma_start3A_1045 = tpu.memref_slice %arg5[%dma_start3A, %sub3A_522] : memref<16x2048xf32, #tpu.memory_space<hbm>> -> memref<16x32xf32, #tpu.memory_space<hbm>>
      %dma_start3A_1046 = arith.constant 0 : i32
      %dma_start3A_1047 = tpu.memref_slice %arg5[%dma_start3A_1046, %sub3A_522] : memref<16x2048xf32, #tpu.memory_space<hbm>> -> memref<16x32xf32, #tpu.memory_space<hbm>>
      tpu.enqueue_dma source(%arg9 : memref<16x32xf32, #tpu.memory_space<vmem>>) target(%dma_start3A_1047 : memref<16x32xf32, #tpu.memory_space<hbm>>) target_semaphore(%run_scoped3A : memref<!tpu.dma_semaphore, #tpu.memory_space<semaphore_mem>>)
      %dma_wait3A = arith.constant 0 : i32
      %dma_wait3A_1048 = tpu.memref_slice %arg5[%dma_wait3A, %sub3A_522] : memref<16x2048xf32, #tpu.memory_space<hbm>> -> memref<16x32xf32, #tpu.memory_space<hbm>>
      %dma_wait3A_1049 = arith.constant 0 : i32
      %dma_wait3A_1050 = tpu.memref_slice %arg5[%dma_wait3A_1049, %sub3A_522] : memref<16x2048xf32, #tpu.memory_space<hbm>> -> memref<16x32xf32, #tpu.memory_space<hbm>>
      tpu.wait_dma2 semaphore(%run_scoped3A : memref<!tpu.dma_semaphore, #tpu.memory_space<semaphore_mem>>) src(%arg9 : memref<16x32xf32, #tpu.memory_space<vmem>>) dst(%dma_wait3A_1050 : memref<16x32xf32, #tpu.memory_space<hbm>>)
      tpu.yield
    }) : () -> ()
    %mul3A_523 = arith.constant 32 : i32
    %mul3A_524 = arith.muli %add3A, %mul3A_523 : i32
    %add3A_525 = arith.constant 0 : i32
    %add3A_526 = arith.addi %add3A_525, %mul3A_524 : i32
    %add3A_527 = arith.constant 1024 : i32
    %add3A_528 = arith.addi %add3A_526, %add3A_527 : i32
    "tpu.region"() ({
      %run_scoped3A = tpu.sem_alloc : memref<!tpu.dma_semaphore, #tpu.memory_space<semaphore_mem>>
      %dma_start3A = arith.constant 0 : i32
      %dma_start3A_1045 = tpu.memref_slice %arg3[%dma_start3A, %add3A_528] : memref<256x2048xf32, #tpu.memory_space<hbm>> -> memref<256x32xf32, #tpu.memory_space<hbm>>
      %dma_start3A_1046 = arith.constant 0 : i32
      %dma_start3A_1047 = tpu.memref_slice %arg3[%dma_start3A_1046, %add3A_528] : memref<256x2048xf32, #tpu.memory_space<hbm>> -> memref<256x32xf32, #tpu.memory_space<hbm>>
      tpu.enqueue_dma source(%dma_start3A_1047 : memref<256x32xf32, #tpu.memory_space<hbm>>) target(%arg8 : memref<256x32xf32, #tpu.memory_space<vmem>>) target_semaphore(%run_scoped3A : memref<!tpu.dma_semaphore, #tpu.memory_space<semaphore_mem>>)
      %dma_wait3A = arith.constant 0 : i32
      %dma_wait3A_1048 = tpu.memref_slice %arg3[%dma_wait3A, %add3A_528] : memref<256x2048xf32, #tpu.memory_space<hbm>> -> memref<256x32xf32, #tpu.memory_space<hbm>>
      %dma_wait3A_1049 = arith.constant 0 : i32
      %dma_wait3A_1050 = tpu.memref_slice %arg3[%dma_wait3A_1049, %add3A_528] : memref<256x2048xf32, #tpu.memory_space<hbm>> -> memref<256x32xf32, #tpu.memory_space<hbm>>
      tpu.wait_dma2 semaphore(%run_scoped3A : memref<!tpu.dma_semaphore, #tpu.memory_space<semaphore_mem>>) src(%dma_wait3A_1050 : memref<256x32xf32, #tpu.memory_space<hbm>>) dst(%arg8 : memref<256x32xf32, #tpu.memory_space<vmem>>)
      tpu.yield
    }) : () -> ()
    %get3A_529 = arith.constant 0 : i32
    %get3A_530 = arith.index_cast %get3A_529 : i32 to index
    %get3A_531 = arith.constant 0 : index
    %get3A_532 = tpu.vector_load %arg8[%get3A_530, %get3A_531] {strides = array<i32>} : memref<256x32xf32, #tpu.memory_space<vmem>>, vector<1x16xf32>,
    %get3A_533 = vector.shape_cast %get3A_532 : vector<1x16xf32> to vector<16xf32>
    %get3A_534 = arith.constant 0 : i32
    %get3A_535 = arith.index_cast %get3A_534 : i32 to index
    %get3A_536 = arith.constant 16 : index
    %get3A_537 = tpu.vector_load %arg8[%get3A_535, %get3A_536] {strides = array<i32>} : memref<256x32xf32, #tpu.memory_space<vmem>>, vector<1x16xf32>,
    %get3A_538 = vector.shape_cast %get3A_537 : vector<1x16xf32> to vector<16xf32>
    %scan3A_539 = arith.constant 0 : i32
    %scan3A_540 = arith.constant 256 : i32
    %scan3A_541 = arith.addi %scan3A_539, %scan3A_540 : i32
    %scan3A_542 = arith.constant 1 : i32
    %scan3A_543:2 = scf.for %scan3A_1045 = %scan3A_539 to %scan3A_541 step %scan3A_542 iter_args(%scan3A_1046 = %broadcast_in_dim3A_6, %scan3A_1047 = %broadcast_in_dim3A_6) -> (vector<16xf32>, vector<16xf32>)  : i32 {
      %get3A_1048 = arith.index_cast %scan3A_1045 : i32 to index
      %get3A_1049 = arith.constant 0 : index
      %get3A_1050 = tpu.vector_load %arg8[%get3A_1048, %get3A_1049] {strides = array<i32>} : memref<256x32xf32, #tpu.memory_space<vmem>>, vector<1x16xf32>,
      %get3A_1051 = vector.shape_cast %get3A_1050 : vector<1x16xf32> to vector<16xf32>
      %eq3A = arith.cmpf oeq, %get3A_1051, %get3A_533 : vector<16xf32>
      %jit3A_1052 = arith.constant 1.000000e+00 : f32
      %jit3A_1053 = arith.constant 0.000000e+00 : f32
      %broadcast_in_dim3A_1054 = vector.broadcast %jit3A_1052 : f32 to vector<16xf32>
      %broadcast_in_dim3A_1055 = vector.broadcast %jit3A_1053 : f32 to vector<16xf32>
      %select_n3A_1056 = arith.select %eq3A, %broadcast_in_dim3A_1054, %broadcast_in_dim3A_1055 : vector<16xi1>, vector<16xf32>
      %add3A_1057 = arith.addf %scan3A_1046, %select_n3A_1056 : vector<16xf32>
      %get3A_1058 = arith.index_cast %scan3A_1045 : i32 to index
      %get3A_1059 = arith.constant 16 : index
      %get3A_1060 = tpu.vector_load %arg8[%get3A_1058, %get3A_1059] {strides = array<i32>} : memref<256x32xf32, #tpu.memory_space<vmem>>, vector<1x16xf32>,
      %get3A_1061 = vector.shape_cast %get3A_1060 : vector<1x16xf32> to vector<16xf32>
      %eq3A_1062 = arith.cmpf oeq, %get3A_1061, %get3A_538 : vector<16xf32>
      %jit3A_1063 = arith.constant 1.000000e+00 : f32
      %jit3A_1064 = arith.constant 0.000000e+00 : f32
      %broadcast_in_dim3A_1065 = vector.broadcast %jit3A_1063 : f32 to vector<16xf32>
      %broadcast_in_dim3A_1066 = vector.broadcast %jit3A_1064 : f32 to vector<16xf32>
      %select_n3A_1067 = arith.select %eq3A_1062, %broadcast_in_dim3A_1065, %broadcast_in_dim3A_1066 : vector<16xi1>, vector<16xf32>
      %add3A_1068 = arith.addf %scan3A_1047, %select_n3A_1067 : vector<16xf32>
      scf.yield %add3A_1057, %add3A_1068 : vector<16xf32>, vector<16xf32>
    }
    %scan3A_544 = arith.constant 256 : i32
    "tpu.region"() ({
      %run_scoped3A = tpu.sem_alloc : memref<!tpu.dma_semaphore, #tpu.memory_space<semaphore_mem>>
      %dma_start3A = arith.constant 0 : i32
      %dma_start3A_1045 = tpu.memref_slice %arg4[%dma_start3A, %add3A_528] : memref<3072x2048xf32, #tpu.memory_space<hbm>> -> memref<1024x32xf32, #tpu.memory_space<hbm>>
      %dma_start3A_1046 = arith.constant 0 : i32
      %dma_start3A_1047 = tpu.memref_slice %arg4[%dma_start3A_1046, %add3A_528] : memref<3072x2048xf32, #tpu.memory_space<hbm>> -> memref<1024x32xf32, #tpu.memory_space<hbm>>
      tpu.enqueue_dma source(%dma_start3A_1047 : memref<1024x32xf32, #tpu.memory_space<hbm>>) target(%arg7 : memref<1024x32xf32, #tpu.memory_space<vmem>>) target_semaphore(%run_scoped3A : memref<!tpu.dma_semaphore, #tpu.memory_space<semaphore_mem>>)
      %dma_wait3A = arith.constant 0 : i32
      %dma_wait3A_1048 = tpu.memref_slice %arg4[%dma_wait3A, %add3A_528] : memref<3072x2048xf32, #tpu.memory_space<hbm>> -> memref<1024x32xf32, #tpu.memory_space<hbm>>
      %dma_wait3A_1049 = arith.constant 0 : i32
      %dma_wait3A_1050 = tpu.memref_slice %arg4[%dma_wait3A_1049, %add3A_528] : memref<3072x2048xf32, #tpu.memory_space<hbm>> -> memref<1024x32xf32, #tpu.memory_space<hbm>>
      tpu.wait_dma2 semaphore(%run_scoped3A : memref<!tpu.dma_semaphore, #tpu.memory_space<semaphore_mem>>) src(%dma_wait3A_1050 : memref<1024x32xf32, #tpu.memory_space<hbm>>) dst(%arg7 : memref<1024x32xf32, #tpu.memory_space<vmem>>)
      tpu.yield
    }) : () -> ()
    %scan3A_545 = arith.constant 0 : i32
    %scan3A_546 = arith.constant 1024 : i32
    %scan3A_547 = arith.addi %scan3A_545, %scan3A_546 : i32
    %scan3A_548 = arith.constant 1 : i32
    %scan3A_549:32 = scf.for %scan3A_1045 = %scan3A_545 to %scan3A_547 step %scan3A_548 iter_args(%scan3A_1046 = %broadcast_in_dim3A_6, %scan3A_1047 = %broadcast_in_dim3A_6, %scan3A_1048 = %broadcast_in_dim3A_6, %scan3A_1049 = %broadcast_in_dim3A_6, %scan3A_1050 = %broadcast_in_dim3A_6, %scan3A_1051 = %broadcast_in_dim3A_6, %scan3A_1052 = %broadcast_in_dim3A_6, %scan3A_1053 = %broadcast_in_dim3A_6, %scan3A_1054 = %broadcast_in_dim3A_6, %scan3A_1055 = %broadcast_in_dim3A_6, %scan3A_1056 = %broadcast_in_dim3A_6, %scan3A_1057 = %broadcast_in_dim3A_6, %scan3A_1058 = %broadcast_in_dim3A_6, %scan3A_1059 = %broadcast_in_dim3A_6, %scan3A_1060 = %broadcast_in_dim3A_6, %scan3A_1061 = %broadcast_in_dim3A_6, %scan3A_1062 = %broadcast_in_dim3A_6, %scan3A_1063 = %broadcast_in_dim3A_6, %scan3A_1064 = %broadcast_in_dim3A_6, %scan3A_1065 = %broadcast_in_dim3A_6, %scan3A_1066 = %broadcast_in_dim3A_6, %scan3A_1067 = %broadcast_in_dim3A_6, %scan3A_1068 = %broadcast_in_dim3A_6, %scan3A_1069 = %broadcast_in_dim3A_6, %scan3A_1070 = %broadcast_in_dim3A_6, %scan3A_1071 = %broadcast_in_dim3A_6, %scan3A_1072 = %broadcast_in_dim3A_6, %scan3A_1073 = %broadcast_in_dim3A_6, %scan3A_1074 = %broadcast_in_dim3A_6, %scan3A_1075 = %broadcast_in_dim3A_6, %scan3A_1076 = %broadcast_in_dim3A_6, %scan3A_1077 = %broadcast_in_dim3A_6) -> (vector<16xf32>, vector<16xf32>, vector<16xf32>, vector<16xf32>, vector<16xf32>, vector<16xf32>, vector<16xf32>, vector<16xf32>, vector<16xf32>, vector<16xf32>, vector<16xf32>, vector<16xf32>, vector<16xf32>, vector<16xf32>, vector<16xf32>, vector<16xf32>, vector<16xf32>, vector<16xf32>, vector<16xf32>, vector<16xf32>, vector<16xf32>, vector<16xf32>, vector<16xf32>, vector<16xf32>, vector<16xf32>, vector<16xf32>, vector<16xf32>, vector<16xf32>, vector<16xf32>, vector<16xf32>, vector<16xf32>, vector<16xf32>)  : i32 {
      %get3A_1078 = arith.index_cast %scan3A_1045 : i32 to index
      %get3A_1079 = arith.constant 0 : index
      %get3A_1080 = tpu.vector_load %arg7[%get3A_1078, %get3A_1079] {strides = array<i32>} : memref<1024x32xf32, #tpu.memory_space<vmem>>, vector<1x16xf32>,
      %get3A_1081 = vector.shape_cast %get3A_1080 : vector<1x16xf32> to vector<16xf32>
      %get3A_1082 = arith.index_cast %scan3A_1045 : i32 to index
      %get3A_1083 = arith.constant 16 : index
      %get3A_1084 = tpu.vector_load %arg7[%get3A_1082, %get3A_1083] {strides = array<i32>} : memref<1024x32xf32, #tpu.memory_space<vmem>>, vector<1x16xf32>,
      %get3A_1085 = vector.shape_cast %get3A_1084 : vector<1x16xf32> to vector<16xf32>
      %neg3A = arith.constant 0.000000e+00 : f32
      %neg3A_1086 = vector.broadcast %neg3A : f32 to vector<16xf32>
      %neg3A_1087 = arith.subf %neg3A_1086, %get3A_1081 : vector<16xf32>
      %neg3A_1088 = arith.constant 0.000000e+00 : f32
      %neg3A_1089 = vector.broadcast %neg3A_1088 : f32 to vector<16xf32>
      %neg3A_1090 = arith.subf %neg3A_1089, %get3A_1085 : vector<16xf32>
      %add3A_1091 = arith.constant 0 : i32
      %add3A_1092 = arith.addi %add3A_1091, %scan3A_1045 : i32
      %get3A_1093 = arith.index_cast %add3A_1092 : i32 to index
      %get3A_1094 = arith.constant 0 : index
      %get3A_1095 = tpu.vector_load %arg6[%get3A_1093, %get3A_1094] {strides = array<i32>} : memref<3072x16xf32, #tpu.memory_space<vmem>>, vector<1x16xf32>,
      %get3A_1096 = vector.shape_cast %get3A_1095 : vector<1x16xf32> to vector<16xf32>
      %slice3A = vector.extract_strided_slice %get3A_1096 {offsets = [0], sizes = [1], strides = [1]} : vector<16xf32> to vector<1xf32>
      %squeeze3A = vector.extract %slice3A[0] : f32 from vector<1xf32>
      %broadcast_in_dim3A_1097 = vector.broadcast %squeeze3A : f32 to vector<16xf32>
      %ge3A = arith.cmpf oge, %broadcast_in_dim3A_1097, %scan3A_543#0 : vector<16xf32>
      %select_n3A_1098 = arith.select %ge3A, %neg3A_1087, %get3A_1081 : vector<16xi1>, vector<16xf32>
      %add3A_1099 = arith.addf %scan3A_1046, %select_n3A_1098 : vector<16xf32>
      %ge3A_1100 = arith.cmpf oge, %broadcast_in_dim3A_1097, %scan3A_543#1 : vector<16xf32>
      %select_n3A_1101 = arith.select %ge3A_1100, %neg3A_1090, %get3A_1085 : vector<16xi1>, vector<16xf32>
      %add3A_1102 = arith.addf %scan3A_1047, %select_n3A_1101 : vector<16xf32>
      %slice3A_1103 = vector.extract_strided_slice %get3A_1096 {offsets = [1], sizes = [1], strides = [1]} : vector<16xf32> to vector<1xf32>
      %squeeze3A_1104 = vector.extract %slice3A_1103[0] : f32 from vector<1xf32>
      %broadcast_in_dim3A_1105 = vector.broadcast %squeeze3A_1104 : f32 to vector<16xf32>
      %ge3A_1106 = arith.cmpf oge, %broadcast_in_dim3A_1105, %scan3A_543#0 : vector<16xf32>
      %select_n3A_1107 = arith.select %ge3A_1106, %neg3A_1087, %get3A_1081 : vector<16xi1>, vector<16xf32>
      %add3A_1108 = arith.addf %scan3A_1048, %select_n3A_1107 : vector<16xf32>
      %ge3A_1109 = arith.cmpf oge, %broadcast_in_dim3A_1105, %scan3A_543#1 : vector<16xf32>
      %select_n3A_1110 = arith.select %ge3A_1109, %neg3A_1090, %get3A_1085 : vector<16xi1>, vector<16xf32>
      %add3A_1111 = arith.addf %scan3A_1049, %select_n3A_1110 : vector<16xf32>
      %slice3A_1112 = vector.extract_strided_slice %get3A_1096 {offsets = [2], sizes = [1], strides = [1]} : vector<16xf32> to vector<1xf32>
      %squeeze3A_1113 = vector.extract %slice3A_1112[0] : f32 from vector<1xf32>
      %broadcast_in_dim3A_1114 = vector.broadcast %squeeze3A_1113 : f32 to vector<16xf32>
      %ge3A_1115 = arith.cmpf oge, %broadcast_in_dim3A_1114, %scan3A_543#0 : vector<16xf32>
      %select_n3A_1116 = arith.select %ge3A_1115, %neg3A_1087, %get3A_1081 : vector<16xi1>, vector<16xf32>
      %add3A_1117 = arith.addf %scan3A_1050, %select_n3A_1116 : vector<16xf32>
      %ge3A_1118 = arith.cmpf oge, %broadcast_in_dim3A_1114, %scan3A_543#1 : vector<16xf32>
      %select_n3A_1119 = arith.select %ge3A_1118, %neg3A_1090, %get3A_1085 : vector<16xi1>, vector<16xf32>
      %add3A_1120 = arith.addf %scan3A_1051, %select_n3A_1119 : vector<16xf32>
      %slice3A_1121 = vector.extract_strided_slice %get3A_1096 {offsets = [3], sizes = [1], strides = [1]} : vector<16xf32> to vector<1xf32>
      %squeeze3A_1122 = vector.extract %slice3A_1121[0] : f32 from vector<1xf32>
      %broadcast_in_dim3A_1123 = vector.broadcast %squeeze3A_1122 : f32 to vector<16xf32>
      %ge3A_1124 = arith.cmpf oge, %broadcast_in_dim3A_1123, %scan3A_543#0 : vector<16xf32>
      %select_n3A_1125 = arith.select %ge3A_1124, %neg3A_1087, %get3A_1081 : vector<16xi1>, vector<16xf32>
      %add3A_1126 = arith.addf %scan3A_1052, %select_n3A_1125 : vector<16xf32>
      %ge3A_1127 = arith.cmpf oge, %broadcast_in_dim3A_1123, %scan3A_543#1 : vector<16xf32>
      %select_n3A_1128 = arith.select %ge3A_1127, %neg3A_1090, %get3A_1085 : vector<16xi1>, vector<16xf32>
      %add3A_1129 = arith.addf %scan3A_1053, %select_n3A_1128 : vector<16xf32>
      %slice3A_1130 = vector.extract_strided_slice %get3A_1096 {offsets = [4], sizes = [1], strides = [1]} : vector<16xf32> to vector<1xf32>
      %squeeze3A_1131 = vector.extract %slice3A_1130[0] : f32 from vector<1xf32>
      %broadcast_in_dim3A_1132 = vector.broadcast %squeeze3A_1131 : f32 to vector<16xf32>
      %ge3A_1133 = arith.cmpf oge, %broadcast_in_dim3A_1132, %scan3A_543#0 : vector<16xf32>
      %select_n3A_1134 = arith.select %ge3A_1133, %neg3A_1087, %get3A_1081 : vector<16xi1>, vector<16xf32>
      %add3A_1135 = arith.addf %scan3A_1054, %select_n3A_1134 : vector<16xf32>
      %ge3A_1136 = arith.cmpf oge, %broadcast_in_dim3A_1132, %scan3A_543#1 : vector<16xf32>
      %select_n3A_1137 = arith.select %ge3A_1136, %neg3A_1090, %get3A_1085 : vector<16xi1>, vector<16xf32>
      %add3A_1138 = arith.addf %scan3A_1055, %select_n3A_1137 : vector<16xf32>
      %slice3A_1139 = vector.extract_strided_slice %get3A_1096 {offsets = [5], sizes = [1], strides = [1]} : vector<16xf32> to vector<1xf32>
      %squeeze3A_1140 = vector.extract %slice3A_1139[0] : f32 from vector<1xf32>
      %broadcast_in_dim3A_1141 = vector.broadcast %squeeze3A_1140 : f32 to vector<16xf32>
      %ge3A_1142 = arith.cmpf oge, %broadcast_in_dim3A_1141, %scan3A_543#0 : vector<16xf32>
      %select_n3A_1143 = arith.select %ge3A_1142, %neg3A_1087, %get3A_1081 : vector<16xi1>, vector<16xf32>
      %add3A_1144 = arith.addf %scan3A_1056, %select_n3A_1143 : vector<16xf32>
      %ge3A_1145 = arith.cmpf oge, %broadcast_in_dim3A_1141, %scan3A_543#1 : vector<16xf32>
      %select_n3A_1146 = arith.select %ge3A_1145, %neg3A_1090, %get3A_1085 : vector<16xi1>, vector<16xf32>
      %add3A_1147 = arith.addf %scan3A_1057, %select_n3A_1146 : vector<16xf32>
      %slice3A_1148 = vector.extract_strided_slice %get3A_1096 {offsets = [6], sizes = [1], strides = [1]} : vector<16xf32> to vector<1xf32>
      %squeeze3A_1149 = vector.extract %slice3A_1148[0] : f32 from vector<1xf32>
      %broadcast_in_dim3A_1150 = vector.broadcast %squeeze3A_1149 : f32 to vector<16xf32>
      %ge3A_1151 = arith.cmpf oge, %broadcast_in_dim3A_1150, %scan3A_543#0 : vector<16xf32>
      %select_n3A_1152 = arith.select %ge3A_1151, %neg3A_1087, %get3A_1081 : vector<16xi1>, vector<16xf32>
      %add3A_1153 = arith.addf %scan3A_1058, %select_n3A_1152 : vector<16xf32>
      %ge3A_1154 = arith.cmpf oge, %broadcast_in_dim3A_1150, %scan3A_543#1 : vector<16xf32>
      %select_n3A_1155 = arith.select %ge3A_1154, %neg3A_1090, %get3A_1085 : vector<16xi1>, vector<16xf32>
      %add3A_1156 = arith.addf %scan3A_1059, %select_n3A_1155 : vector<16xf32>
      %slice3A_1157 = vector.extract_strided_slice %get3A_1096 {offsets = [7], sizes = [1], strides = [1]} : vector<16xf32> to vector<1xf32>
      %squeeze3A_1158 = vector.extract %slice3A_1157[0] : f32 from vector<1xf32>
      %broadcast_in_dim3A_1159 = vector.broadcast %squeeze3A_1158 : f32 to vector<16xf32>
      %ge3A_1160 = arith.cmpf oge, %broadcast_in_dim3A_1159, %scan3A_543#0 : vector<16xf32>
      %select_n3A_1161 = arith.select %ge3A_1160, %neg3A_1087, %get3A_1081 : vector<16xi1>, vector<16xf32>
      %add3A_1162 = arith.addf %scan3A_1060, %select_n3A_1161 : vector<16xf32>
      %ge3A_1163 = arith.cmpf oge, %broadcast_in_dim3A_1159, %scan3A_543#1 : vector<16xf32>
      %select_n3A_1164 = arith.select %ge3A_1163, %neg3A_1090, %get3A_1085 : vector<16xi1>, vector<16xf32>
      %add3A_1165 = arith.addf %scan3A_1061, %select_n3A_1164 : vector<16xf32>
      %slice3A_1166 = vector.extract_strided_slice %get3A_1096 {offsets = [8], sizes = [1], strides = [1]} : vector<16xf32> to vector<1xf32>
      %squeeze3A_1167 = vector.extract %slice3A_1166[0] : f32 from vector<1xf32>
      %broadcast_in_dim3A_1168 = vector.broadcast %squeeze3A_1167 : f32 to vector<16xf32>
      %ge3A_1169 = arith.cmpf oge, %broadcast_in_dim3A_1168, %scan3A_543#0 : vector<16xf32>
      %select_n3A_1170 = arith.select %ge3A_1169, %neg3A_1087, %get3A_1081 : vector<16xi1>, vector<16xf32>
      %add3A_1171 = arith.addf %scan3A_1062, %select_n3A_1170 : vector<16xf32>
      %ge3A_1172 = arith.cmpf oge, %broadcast_in_dim3A_1168, %scan3A_543#1 : vector<16xf32>
      %select_n3A_1173 = arith.select %ge3A_1172, %neg3A_1090, %get3A_1085 : vector<16xi1>, vector<16xf32>
      %add3A_1174 = arith.addf %scan3A_1063, %select_n3A_1173 : vector<16xf32>
      %slice3A_1175 = vector.extract_strided_slice %get3A_1096 {offsets = [9], sizes = [1], strides = [1]} : vector<16xf32> to vector<1xf32>
      %squeeze3A_1176 = vector.extract %slice3A_1175[0] : f32 from vector<1xf32>
      %broadcast_in_dim3A_1177 = vector.broadcast %squeeze3A_1176 : f32 to vector<16xf32>
      %ge3A_1178 = arith.cmpf oge, %broadcast_in_dim3A_1177, %scan3A_543#0 : vector<16xf32>
      %select_n3A_1179 = arith.select %ge3A_1178, %neg3A_1087, %get3A_1081 : vector<16xi1>, vector<16xf32>
      %add3A_1180 = arith.addf %scan3A_1064, %select_n3A_1179 : vector<16xf32>
      %ge3A_1181 = arith.cmpf oge, %broadcast_in_dim3A_1177, %scan3A_543#1 : vector<16xf32>
      %select_n3A_1182 = arith.select %ge3A_1181, %neg3A_1090, %get3A_1085 : vector<16xi1>, vector<16xf32>
      %add3A_1183 = arith.addf %scan3A_1065, %select_n3A_1182 : vector<16xf32>
      %slice3A_1184 = vector.extract_strided_slice %get3A_1096 {offsets = [10], sizes = [1], strides = [1]} : vector<16xf32> to vector<1xf32>
      %squeeze3A_1185 = vector.extract %slice3A_1184[0] : f32 from vector<1xf32>
      %broadcast_in_dim3A_1186 = vector.broadcast %squeeze3A_1185 : f32 to vector<16xf32>
      %ge3A_1187 = arith.cmpf oge, %broadcast_in_dim3A_1186, %scan3A_543#0 : vector<16xf32>
      %select_n3A_1188 = arith.select %ge3A_1187, %neg3A_1087, %get3A_1081 : vector<16xi1>, vector<16xf32>
      %add3A_1189 = arith.addf %scan3A_1066, %select_n3A_1188 : vector<16xf32>
      %ge3A_1190 = arith.cmpf oge, %broadcast_in_dim3A_1186, %scan3A_543#1 : vector<16xf32>
      %select_n3A_1191 = arith.select %ge3A_1190, %neg3A_1090, %get3A_1085 : vector<16xi1>, vector<16xf32>
      %add3A_1192 = arith.addf %scan3A_1067, %select_n3A_1191 : vector<16xf32>
      %slice3A_1193 = vector.extract_strided_slice %get3A_1096 {offsets = [11], sizes = [1], strides = [1]} : vector<16xf32> to vector<1xf32>
      %squeeze3A_1194 = vector.extract %slice3A_1193[0] : f32 from vector<1xf32>
      %broadcast_in_dim3A_1195 = vector.broadcast %squeeze3A_1194 : f32 to vector<16xf32>
      %ge3A_1196 = arith.cmpf oge, %broadcast_in_dim3A_1195, %scan3A_543#0 : vector<16xf32>
      %select_n3A_1197 = arith.select %ge3A_1196, %neg3A_1087, %get3A_1081 : vector<16xi1>, vector<16xf32>
      %add3A_1198 = arith.addf %scan3A_1068, %select_n3A_1197 : vector<16xf32>
      %ge3A_1199 = arith.cmpf oge, %broadcast_in_dim3A_1195, %scan3A_543#1 : vector<16xf32>
      %select_n3A_1200 = arith.select %ge3A_1199, %neg3A_1090, %get3A_1085 : vector<16xi1>, vector<16xf32>
      %add3A_1201 = arith.addf %scan3A_1069, %select_n3A_1200 : vector<16xf32>
      %slice3A_1202 = vector.extract_strided_slice %get3A_1096 {offsets = [12], sizes = [1], strides = [1]} : vector<16xf32> to vector<1xf32>
      %squeeze3A_1203 = vector.extract %slice3A_1202[0] : f32 from vector<1xf32>
      %broadcast_in_dim3A_1204 = vector.broadcast %squeeze3A_1203 : f32 to vector<16xf32>
      %ge3A_1205 = arith.cmpf oge, %broadcast_in_dim3A_1204, %scan3A_543#0 : vector<16xf32>
      %select_n3A_1206 = arith.select %ge3A_1205, %neg3A_1087, %get3A_1081 : vector<16xi1>, vector<16xf32>
      %add3A_1207 = arith.addf %scan3A_1070, %select_n3A_1206 : vector<16xf32>
      %ge3A_1208 = arith.cmpf oge, %broadcast_in_dim3A_1204, %scan3A_543#1 : vector<16xf32>
      %select_n3A_1209 = arith.select %ge3A_1208, %neg3A_1090, %get3A_1085 : vector<16xi1>, vector<16xf32>
      %add3A_1210 = arith.addf %scan3A_1071, %select_n3A_1209 : vector<16xf32>
      %slice3A_1211 = vector.extract_strided_slice %get3A_1096 {offsets = [13], sizes = [1], strides = [1]} : vector<16xf32> to vector<1xf32>
      %squeeze3A_1212 = vector.extract %slice3A_1211[0] : f32 from vector<1xf32>
      %broadcast_in_dim3A_1213 = vector.broadcast %squeeze3A_1212 : f32 to vector<16xf32>
      %ge3A_1214 = arith.cmpf oge, %broadcast_in_dim3A_1213, %scan3A_543#0 : vector<16xf32>
      %select_n3A_1215 = arith.select %ge3A_1214, %neg3A_1087, %get3A_1081 : vector<16xi1>, vector<16xf32>
      %add3A_1216 = arith.addf %scan3A_1072, %select_n3A_1215 : vector<16xf32>
      %ge3A_1217 = arith.cmpf oge, %broadcast_in_dim3A_1213, %scan3A_543#1 : vector<16xf32>
      %select_n3A_1218 = arith.select %ge3A_1217, %neg3A_1090, %get3A_1085 : vector<16xi1>, vector<16xf32>
      %add3A_1219 = arith.addf %scan3A_1073, %select_n3A_1218 : vector<16xf32>
      %slice3A_1220 = vector.extract_strided_slice %get3A_1096 {offsets = [14], sizes = [1], strides = [1]} : vector<16xf32> to vector<1xf32>
      %squeeze3A_1221 = vector.extract %slice3A_1220[0] : f32 from vector<1xf32>
      %broadcast_in_dim3A_1222 = vector.broadcast %squeeze3A_1221 : f32 to vector<16xf32>
      %ge3A_1223 = arith.cmpf oge, %broadcast_in_dim3A_1222, %scan3A_543#0 : vector<16xf32>
      %select_n3A_1224 = arith.select %ge3A_1223, %neg3A_1087, %get3A_1081 : vector<16xi1>, vector<16xf32>
      %add3A_1225 = arith.addf %scan3A_1074, %select_n3A_1224 : vector<16xf32>
      %ge3A_1226 = arith.cmpf oge, %broadcast_in_dim3A_1222, %scan3A_543#1 : vector<16xf32>
      %select_n3A_1227 = arith.select %ge3A_1226, %neg3A_1090, %get3A_1085 : vector<16xi1>, vector<16xf32>
      %add3A_1228 = arith.addf %scan3A_1075, %select_n3A_1227 : vector<16xf32>
      %slice3A_1229 = vector.extract_strided_slice %get3A_1096 {offsets = [15], sizes = [1], strides = [1]} : vector<16xf32> to vector<1xf32>
      %squeeze3A_1230 = vector.extract %slice3A_1229[0] : f32 from vector<1xf32>
      %broadcast_in_dim3A_1231 = vector.broadcast %squeeze3A_1230 : f32 to vector<16xf32>
      %ge3A_1232 = arith.cmpf oge, %broadcast_in_dim3A_1231, %scan3A_543#0 : vector<16xf32>
      %select_n3A_1233 = arith.select %ge3A_1232, %neg3A_1087, %get3A_1081 : vector<16xi1>, vector<16xf32>
      %add3A_1234 = arith.addf %scan3A_1076, %select_n3A_1233 : vector<16xf32>
      %ge3A_1235 = arith.cmpf oge, %broadcast_in_dim3A_1231, %scan3A_543#1 : vector<16xf32>
      %select_n3A_1236 = arith.select %ge3A_1235, %neg3A_1090, %get3A_1085 : vector<16xi1>, vector<16xf32>
      %add3A_1237 = arith.addf %scan3A_1077, %select_n3A_1236 : vector<16xf32>
      scf.yield %add3A_1099, %add3A_1102, %add3A_1108, %add3A_1111, %add3A_1117, %add3A_1120, %add3A_1126, %add3A_1129, %add3A_1135, %add3A_1138, %add3A_1144, %add3A_1147, %add3A_1153, %add3A_1156, %add3A_1162, %add3A_1165, %add3A_1171, %add3A_1174, %add3A_1180, %add3A_1183, %add3A_1189, %add3A_1192, %add3A_1198, %add3A_1201, %add3A_1207, %add3A_1210, %add3A_1216, %add3A_1219, %add3A_1225, %add3A_1228, %add3A_1234, %add3A_1237 : vector<16xf32>, vector<16xf32>, vector<16xf32>, vector<16xf32>, vector<16xf32>, vector<16xf32>, vector<16xf32>, vector<16xf32>, vector<16xf32>, vector<16xf32>, vector<16xf32>, vector<16xf32>, vector<16xf32>, vector<16xf32>, vector<16xf32>, vector<16xf32>, vector<16xf32>, vector<16xf32>, vector<16xf32>, vector<16xf32>, vector<16xf32>, vector<16xf32>, vector<16xf32>, vector<16xf32>, vector<16xf32>, vector<16xf32>, vector<16xf32>, vector<16xf32>, vector<16xf32>, vector<16xf32>, vector<16xf32>, vector<16xf32>
    }
    %scan3A_550 = arith.constant 1024 : i32
    "tpu.region"() ({
      %run_scoped3A = tpu.sem_alloc : memref<!tpu.dma_semaphore, #tpu.memory_space<semaphore_mem>>
      %dma_start3A = arith.constant 1024 : i32
      %dma_start3A_1045 = tpu.memref_slice %arg4[%dma_start3A, %add3A_528] : memref<3072x2048xf32, #tpu.memory_space<hbm>> -> memref<1024x32xf32, #tpu.memory_space<hbm>>
      %dma_start3A_1046 = arith.constant 1024 : i32
      %dma_start3A_1047 = tpu.memref_slice %arg4[%dma_start3A_1046, %add3A_528] : memref<3072x2048xf32, #tpu.memory_space<hbm>> -> memref<1024x32xf32, #tpu.memory_space<hbm>>
      tpu.enqueue_dma source(%dma_start3A_1047 : memref<1024x32xf32, #tpu.memory_space<hbm>>) target(%arg7 : memref<1024x32xf32, #tpu.memory_space<vmem>>) target_semaphore(%run_scoped3A : memref<!tpu.dma_semaphore, #tpu.memory_space<semaphore_mem>>)
      %dma_wait3A = arith.constant 1024 : i32
      %dma_wait3A_1048 = tpu.memref_slice %arg4[%dma_wait3A, %add3A_528] : memref<3072x2048xf32, #tpu.memory_space<hbm>> -> memref<1024x32xf32, #tpu.memory_space<hbm>>
      %dma_wait3A_1049 = arith.constant 1024 : i32
      %dma_wait3A_1050 = tpu.memref_slice %arg4[%dma_wait3A_1049, %add3A_528] : memref<3072x2048xf32, #tpu.memory_space<hbm>> -> memref<1024x32xf32, #tpu.memory_space<hbm>>
      tpu.wait_dma2 semaphore(%run_scoped3A : memref<!tpu.dma_semaphore, #tpu.memory_space<semaphore_mem>>) src(%dma_wait3A_1050 : memref<1024x32xf32, #tpu.memory_space<hbm>>) dst(%arg7 : memref<1024x32xf32, #tpu.memory_space<vmem>>)
      tpu.yield
    }) : () -> ()
    %scan3A_551 = arith.constant 0 : i32
    %scan3A_552 = arith.constant 1024 : i32
    %scan3A_553 = arith.addi %scan3A_551, %scan3A_552 : i32
    %scan3A_554 = arith.constant 1 : i32
    %scan3A_555:32 = scf.for %scan3A_1045 = %scan3A_551 to %scan3A_553 step %scan3A_554 iter_args(%scan3A_1046 = %scan3A_549#0, %scan3A_1047 = %scan3A_549#1, %scan3A_1048 = %scan3A_549#2, %scan3A_1049 = %scan3A_549#3, %scan3A_1050 = %scan3A_549#4, %scan3A_1051 = %scan3A_549#5, %scan3A_1052 = %scan3A_549#6, %scan3A_1053 = %scan3A_549#7, %scan3A_1054 = %scan3A_549#8, %scan3A_1055 = %scan3A_549#9, %scan3A_1056 = %scan3A_549#10, %scan3A_1057 = %scan3A_549#11, %scan3A_1058 = %scan3A_549#12, %scan3A_1059 = %scan3A_549#13, %scan3A_1060 = %scan3A_549#14, %scan3A_1061 = %scan3A_549#15, %scan3A_1062 = %scan3A_549#16, %scan3A_1063 = %scan3A_549#17, %scan3A_1064 = %scan3A_549#18, %scan3A_1065 = %scan3A_549#19, %scan3A_1066 = %scan3A_549#20, %scan3A_1067 = %scan3A_549#21, %scan3A_1068 = %scan3A_549#22, %scan3A_1069 = %scan3A_549#23, %scan3A_1070 = %scan3A_549#24, %scan3A_1071 = %scan3A_549#25, %scan3A_1072 = %scan3A_549#26, %scan3A_1073 = %scan3A_549#27, %scan3A_1074 = %scan3A_549#28, %scan3A_1075 = %scan3A_549#29, %scan3A_1076 = %scan3A_549#30, %scan3A_1077 = %scan3A_549#31) -> (vector<16xf32>, vector<16xf32>, vector<16xf32>, vector<16xf32>, vector<16xf32>, vector<16xf32>, vector<16xf32>, vector<16xf32>, vector<16xf32>, vector<16xf32>, vector<16xf32>, vector<16xf32>, vector<16xf32>, vector<16xf32>, vector<16xf32>, vector<16xf32>, vector<16xf32>, vector<16xf32>, vector<16xf32>, vector<16xf32>, vector<16xf32>, vector<16xf32>, vector<16xf32>, vector<16xf32>, vector<16xf32>, vector<16xf32>, vector<16xf32>, vector<16xf32>, vector<16xf32>, vector<16xf32>, vector<16xf32>, vector<16xf32>)  : i32 {
      %get3A_1078 = arith.index_cast %scan3A_1045 : i32 to index
      %get3A_1079 = arith.constant 0 : index
      %get3A_1080 = tpu.vector_load %arg7[%get3A_1078, %get3A_1079] {strides = array<i32>} : memref<1024x32xf32, #tpu.memory_space<vmem>>, vector<1x16xf32>,
      %get3A_1081 = vector.shape_cast %get3A_1080 : vector<1x16xf32> to vector<16xf32>
      %get3A_1082 = arith.index_cast %scan3A_1045 : i32 to index
      %get3A_1083 = arith.constant 16 : index
      %get3A_1084 = tpu.vector_load %arg7[%get3A_1082, %get3A_1083] {strides = array<i32>} : memref<1024x32xf32, #tpu.memory_space<vmem>>, vector<1x16xf32>,
      %get3A_1085 = vector.shape_cast %get3A_1084 : vector<1x16xf32> to vector<16xf32>
      %neg3A = arith.constant 0.000000e+00 : f32
      %neg3A_1086 = vector.broadcast %neg3A : f32 to vector<16xf32>
      %neg3A_1087 = arith.subf %neg3A_1086, %get3A_1081 : vector<16xf32>
      %neg3A_1088 = arith.constant 0.000000e+00 : f32
      %neg3A_1089 = vector.broadcast %neg3A_1088 : f32 to vector<16xf32>
      %neg3A_1090 = arith.subf %neg3A_1089, %get3A_1085 : vector<16xf32>
      %add3A_1091 = arith.constant 1024 : i32
      %add3A_1092 = arith.addi %add3A_1091, %scan3A_1045 : i32
      %get3A_1093 = arith.index_cast %add3A_1092 : i32 to index
      %get3A_1094 = arith.constant 0 : index
      %get3A_1095 = tpu.vector_load %arg6[%get3A_1093, %get3A_1094] {strides = array<i32>} : memref<3072x16xf32, #tpu.memory_space<vmem>>, vector<1x16xf32>,
      %get3A_1096 = vector.shape_cast %get3A_1095 : vector<1x16xf32> to vector<16xf32>
      %slice3A = vector.extract_strided_slice %get3A_1096 {offsets = [0], sizes = [1], strides = [1]} : vector<16xf32> to vector<1xf32>
      %squeeze3A = vector.extract %slice3A[0] : f32 from vector<1xf32>
      %broadcast_in_dim3A_1097 = vector.broadcast %squeeze3A : f32 to vector<16xf32>
      %ge3A = arith.cmpf oge, %broadcast_in_dim3A_1097, %scan3A_543#0 : vector<16xf32>
      %select_n3A_1098 = arith.select %ge3A, %neg3A_1087, %get3A_1081 : vector<16xi1>, vector<16xf32>
      %add3A_1099 = arith.addf %scan3A_1046, %select_n3A_1098 : vector<16xf32>
      %ge3A_1100 = arith.cmpf oge, %broadcast_in_dim3A_1097, %scan3A_543#1 : vector<16xf32>
      %select_n3A_1101 = arith.select %ge3A_1100, %neg3A_1090, %get3A_1085 : vector<16xi1>, vector<16xf32>
      %add3A_1102 = arith.addf %scan3A_1047, %select_n3A_1101 : vector<16xf32>
      %slice3A_1103 = vector.extract_strided_slice %get3A_1096 {offsets = [1], sizes = [1], strides = [1]} : vector<16xf32> to vector<1xf32>
      %squeeze3A_1104 = vector.extract %slice3A_1103[0] : f32 from vector<1xf32>
      %broadcast_in_dim3A_1105 = vector.broadcast %squeeze3A_1104 : f32 to vector<16xf32>
      %ge3A_1106 = arith.cmpf oge, %broadcast_in_dim3A_1105, %scan3A_543#0 : vector<16xf32>
      %select_n3A_1107 = arith.select %ge3A_1106, %neg3A_1087, %get3A_1081 : vector<16xi1>, vector<16xf32>
      %add3A_1108 = arith.addf %scan3A_1048, %select_n3A_1107 : vector<16xf32>
      %ge3A_1109 = arith.cmpf oge, %broadcast_in_dim3A_1105, %scan3A_543#1 : vector<16xf32>
      %select_n3A_1110 = arith.select %ge3A_1109, %neg3A_1090, %get3A_1085 : vector<16xi1>, vector<16xf32>
      %add3A_1111 = arith.addf %scan3A_1049, %select_n3A_1110 : vector<16xf32>
      %slice3A_1112 = vector.extract_strided_slice %get3A_1096 {offsets = [2], sizes = [1], strides = [1]} : vector<16xf32> to vector<1xf32>
      %squeeze3A_1113 = vector.extract %slice3A_1112[0] : f32 from vector<1xf32>
      %broadcast_in_dim3A_1114 = vector.broadcast %squeeze3A_1113 : f32 to vector<16xf32>
      %ge3A_1115 = arith.cmpf oge, %broadcast_in_dim3A_1114, %scan3A_543#0 : vector<16xf32>
      %select_n3A_1116 = arith.select %ge3A_1115, %neg3A_1087, %get3A_1081 : vector<16xi1>, vector<16xf32>
      %add3A_1117 = arith.addf %scan3A_1050, %select_n3A_1116 : vector<16xf32>
      %ge3A_1118 = arith.cmpf oge, %broadcast_in_dim3A_1114, %scan3A_543#1 : vector<16xf32>
      %select_n3A_1119 = arith.select %ge3A_1118, %neg3A_1090, %get3A_1085 : vector<16xi1>, vector<16xf32>
      %add3A_1120 = arith.addf %scan3A_1051, %select_n3A_1119 : vector<16xf32>
      %slice3A_1121 = vector.extract_strided_slice %get3A_1096 {offsets = [3], sizes = [1], strides = [1]} : vector<16xf32> to vector<1xf32>
      %squeeze3A_1122 = vector.extract %slice3A_1121[0] : f32 from vector<1xf32>
      %broadcast_in_dim3A_1123 = vector.broadcast %squeeze3A_1122 : f32 to vector<16xf32>
      %ge3A_1124 = arith.cmpf oge, %broadcast_in_dim3A_1123, %scan3A_543#0 : vector<16xf32>
      %select_n3A_1125 = arith.select %ge3A_1124, %neg3A_1087, %get3A_1081 : vector<16xi1>, vector<16xf32>
      %add3A_1126 = arith.addf %scan3A_1052, %select_n3A_1125 : vector<16xf32>
      %ge3A_1127 = arith.cmpf oge, %broadcast_in_dim3A_1123, %scan3A_543#1 : vector<16xf32>
      %select_n3A_1128 = arith.select %ge3A_1127, %neg3A_1090, %get3A_1085 : vector<16xi1>, vector<16xf32>
      %add3A_1129 = arith.addf %scan3A_1053, %select_n3A_1128 : vector<16xf32>
      %slice3A_1130 = vector.extract_strided_slice %get3A_1096 {offsets = [4], sizes = [1], strides = [1]} : vector<16xf32> to vector<1xf32>
      %squeeze3A_1131 = vector.extract %slice3A_1130[0] : f32 from vector<1xf32>
      %broadcast_in_dim3A_1132 = vector.broadcast %squeeze3A_1131 : f32 to vector<16xf32>
      %ge3A_1133 = arith.cmpf oge, %broadcast_in_dim3A_1132, %scan3A_543#0 : vector<16xf32>
      %select_n3A_1134 = arith.select %ge3A_1133, %neg3A_1087, %get3A_1081 : vector<16xi1>, vector<16xf32>
      %add3A_1135 = arith.addf %scan3A_1054, %select_n3A_1134 : vector<16xf32>
      %ge3A_1136 = arith.cmpf oge, %broadcast_in_dim3A_1132, %scan3A_543#1 : vector<16xf32>
      %select_n3A_1137 = arith.select %ge3A_1136, %neg3A_1090, %get3A_1085 : vector<16xi1>, vector<16xf32>
      %add3A_1138 = arith.addf %scan3A_1055, %select_n3A_1137 : vector<16xf32>
      %slice3A_1139 = vector.extract_strided_slice %get3A_1096 {offsets = [5], sizes = [1], strides = [1]} : vector<16xf32> to vector<1xf32>
      %squeeze3A_1140 = vector.extract %slice3A_1139[0] : f32 from vector<1xf32>
      %broadcast_in_dim3A_1141 = vector.broadcast %squeeze3A_1140 : f32 to vector<16xf32>
      %ge3A_1142 = arith.cmpf oge, %broadcast_in_dim3A_1141, %scan3A_543#0 : vector<16xf32>
      %select_n3A_1143 = arith.select %ge3A_1142, %neg3A_1087, %get3A_1081 : vector<16xi1>, vector<16xf32>
      %add3A_1144 = arith.addf %scan3A_1056, %select_n3A_1143 : vector<16xf32>
      %ge3A_1145 = arith.cmpf oge, %broadcast_in_dim3A_1141, %scan3A_543#1 : vector<16xf32>
      %select_n3A_1146 = arith.select %ge3A_1145, %neg3A_1090, %get3A_1085 : vector<16xi1>, vector<16xf32>
      %add3A_1147 = arith.addf %scan3A_1057, %select_n3A_1146 : vector<16xf32>
      %slice3A_1148 = vector.extract_strided_slice %get3A_1096 {offsets = [6], sizes = [1], strides = [1]} : vector<16xf32> to vector<1xf32>
      %squeeze3A_1149 = vector.extract %slice3A_1148[0] : f32 from vector<1xf32>
      %broadcast_in_dim3A_1150 = vector.broadcast %squeeze3A_1149 : f32 to vector<16xf32>
      %ge3A_1151 = arith.cmpf oge, %broadcast_in_dim3A_1150, %scan3A_543#0 : vector<16xf32>
      %select_n3A_1152 = arith.select %ge3A_1151, %neg3A_1087, %get3A_1081 : vector<16xi1>, vector<16xf32>
      %add3A_1153 = arith.addf %scan3A_1058, %select_n3A_1152 : vector<16xf32>
      %ge3A_1154 = arith.cmpf oge, %broadcast_in_dim3A_1150, %scan3A_543#1 : vector<16xf32>
      %select_n3A_1155 = arith.select %ge3A_1154, %neg3A_1090, %get3A_1085 : vector<16xi1>, vector<16xf32>
      %add3A_1156 = arith.addf %scan3A_1059, %select_n3A_1155 : vector<16xf32>
      %slice3A_1157 = vector.extract_strided_slice %get3A_1096 {offsets = [7], sizes = [1], strides = [1]} : vector<16xf32> to vector<1xf32>
      %squeeze3A_1158 = vector.extract %slice3A_1157[0] : f32 from vector<1xf32>
      %broadcast_in_dim3A_1159 = vector.broadcast %squeeze3A_1158 : f32 to vector<16xf32>
      %ge3A_1160 = arith.cmpf oge, %broadcast_in_dim3A_1159, %scan3A_543#0 : vector<16xf32>
      %select_n3A_1161 = arith.select %ge3A_1160, %neg3A_1087, %get3A_1081 : vector<16xi1>, vector<16xf32>
      %add3A_1162 = arith.addf %scan3A_1060, %select_n3A_1161 : vector<16xf32>
      %ge3A_1163 = arith.cmpf oge, %broadcast_in_dim3A_1159, %scan3A_543#1 : vector<16xf32>
      %select_n3A_1164 = arith.select %ge3A_1163, %neg3A_1090, %get3A_1085 : vector<16xi1>, vector<16xf32>
      %add3A_1165 = arith.addf %scan3A_1061, %select_n3A_1164 : vector<16xf32>
      %slice3A_1166 = vector.extract_strided_slice %get3A_1096 {offsets = [8], sizes = [1], strides = [1]} : vector<16xf32> to vector<1xf32>
      %squeeze3A_1167 = vector.extract %slice3A_1166[0] : f32 from vector<1xf32>
      %broadcast_in_dim3A_1168 = vector.broadcast %squeeze3A_1167 : f32 to vector<16xf32>
      %ge3A_1169 = arith.cmpf oge, %broadcast_in_dim3A_1168, %scan3A_543#0 : vector<16xf32>
      %select_n3A_1170 = arith.select %ge3A_1169, %neg3A_1087, %get3A_1081 : vector<16xi1>, vector<16xf32>
      %add3A_1171 = arith.addf %scan3A_1062, %select_n3A_1170 : vector<16xf32>
      %ge3A_1172 = arith.cmpf oge, %broadcast_in_dim3A_1168, %scan3A_543#1 : vector<16xf32>
      %select_n3A_1173 = arith.select %ge3A_1172, %neg3A_1090, %get3A_1085 : vector<16xi1>, vector<16xf32>
      %add3A_1174 = arith.addf %scan3A_1063, %select_n3A_1173 : vector<16xf32>
      %slice3A_1175 = vector.extract_strided_slice %get3A_1096 {offsets = [9], sizes = [1], strides = [1]} : vector<16xf32> to vector<1xf32>
      %squeeze3A_1176 = vector.extract %slice3A_1175[0] : f32 from vector<1xf32>
      %broadcast_in_dim3A_1177 = vector.broadcast %squeeze3A_1176 : f32 to vector<16xf32>
      %ge3A_1178 = arith.cmpf oge, %broadcast_in_dim3A_1177, %scan3A_543#0 : vector<16xf32>
      %select_n3A_1179 = arith.select %ge3A_1178, %neg3A_1087, %get3A_1081 : vector<16xi1>, vector<16xf32>
      %add3A_1180 = arith.addf %scan3A_1064, %select_n3A_1179 : vector<16xf32>
      %ge3A_1181 = arith.cmpf oge, %broadcast_in_dim3A_1177, %scan3A_543#1 : vector<16xf32>
      %select_n3A_1182 = arith.select %ge3A_1181, %neg3A_1090, %get3A_1085 : vector<16xi1>, vector<16xf32>
      %add3A_1183 = arith.addf %scan3A_1065, %select_n3A_1182 : vector<16xf32>
      %slice3A_1184 = vector.extract_strided_slice %get3A_1096 {offsets = [10], sizes = [1], strides = [1]} : vector<16xf32> to vector<1xf32>
      %squeeze3A_1185 = vector.extract %slice3A_1184[0] : f32 from vector<1xf32>
      %broadcast_in_dim3A_1186 = vector.broadcast %squeeze3A_1185 : f32 to vector<16xf32>
      %ge3A_1187 = arith.cmpf oge, %broadcast_in_dim3A_1186, %scan3A_543#0 : vector<16xf32>
      %select_n3A_1188 = arith.select %ge3A_1187, %neg3A_1087, %get3A_1081 : vector<16xi1>, vector<16xf32>
      %add3A_1189 = arith.addf %scan3A_1066, %select_n3A_1188 : vector<16xf32>
      %ge3A_1190 = arith.cmpf oge, %broadcast_in_dim3A_1186, %scan3A_543#1 : vector<16xf32>
      %select_n3A_1191 = arith.select %ge3A_1190, %neg3A_1090, %get3A_1085 : vector<16xi1>, vector<16xf32>
      %add3A_1192 = arith.addf %scan3A_1067, %select_n3A_1191 : vector<16xf32>
      %slice3A_1193 = vector.extract_strided_slice %get3A_1096 {offsets = [11], sizes = [1], strides = [1]} : vector<16xf32> to vector<1xf32>
      %squeeze3A_1194 = vector.extract %slice3A_1193[0] : f32 from vector<1xf32>
      %broadcast_in_dim3A_1195 = vector.broadcast %squeeze3A_1194 : f32 to vector<16xf32>
      %ge3A_1196 = arith.cmpf oge, %broadcast_in_dim3A_1195, %scan3A_543#0 : vector<16xf32>
      %select_n3A_1197 = arith.select %ge3A_1196, %neg3A_1087, %get3A_1081 : vector<16xi1>, vector<16xf32>
      %add3A_1198 = arith.addf %scan3A_1068, %select_n3A_1197 : vector<16xf32>
      %ge3A_1199 = arith.cmpf oge, %broadcast_in_dim3A_1195, %scan3A_543#1 : vector<16xf32>
      %select_n3A_1200 = arith.select %ge3A_1199, %neg3A_1090, %get3A_1085 : vector<16xi1>, vector<16xf32>
      %add3A_1201 = arith.addf %scan3A_1069, %select_n3A_1200 : vector<16xf32>
      %slice3A_1202 = vector.extract_strided_slice %get3A_1096 {offsets = [12], sizes = [1], strides = [1]} : vector<16xf32> to vector<1xf32>
      %squeeze3A_1203 = vector.extract %slice3A_1202[0] : f32 from vector<1xf32>
      %broadcast_in_dim3A_1204 = vector.broadcast %squeeze3A_1203 : f32 to vector<16xf32>
      %ge3A_1205 = arith.cmpf oge, %broadcast_in_dim3A_1204, %scan3A_543#0 : vector<16xf32>
      %select_n3A_1206 = arith.select %ge3A_1205, %neg3A_1087, %get3A_1081 : vector<16xi1>, vector<16xf32>
      %add3A_1207 = arith.addf %scan3A_1070, %select_n3A_1206 : vector<16xf32>
      %ge3A_1208 = arith.cmpf oge, %broadcast_in_dim3A_1204, %scan3A_543#1 : vector<16xf32>
      %select_n3A_1209 = arith.select %ge3A_1208, %neg3A_1090, %get3A_1085 : vector<16xi1>, vector<16xf32>
      %add3A_1210 = arith.addf %scan3A_1071, %select_n3A_1209 : vector<16xf32>
      %slice3A_1211 = vector.extract_strided_slice %get3A_1096 {offsets = [13], sizes = [1], strides = [1]} : vector<16xf32> to vector<1xf32>
      %squeeze3A_1212 = vector.extract %slice3A_1211[0] : f32 from vector<1xf32>
      %broadcast_in_dim3A_1213 = vector.broadcast %squeeze3A_1212 : f32 to vector<16xf32>
      %ge3A_1214 = arith.cmpf oge, %broadcast_in_dim3A_1213, %scan3A_543#0 : vector<16xf32>
      %select_n3A_1215 = arith.select %ge3A_1214, %neg3A_1087, %get3A_1081 : vector<16xi1>, vector<16xf32>
      %add3A_1216 = arith.addf %scan3A_1072, %select_n3A_1215 : vector<16xf32>
      %ge3A_1217 = arith.cmpf oge, %broadcast_in_dim3A_1213, %scan3A_543#1 : vector<16xf32>
      %select_n3A_1218 = arith.select %ge3A_1217, %neg3A_1090, %get3A_1085 : vector<16xi1>, vector<16xf32>
      %add3A_1219 = arith.addf %scan3A_1073, %select_n3A_1218 : vector<16xf32>
      %slice3A_1220 = vector.extract_strided_slice %get3A_1096 {offsets = [14], sizes = [1], strides = [1]} : vector<16xf32> to vector<1xf32>
      %squeeze3A_1221 = vector.extract %slice3A_1220[0] : f32 from vector<1xf32>
      %broadcast_in_dim3A_1222 = vector.broadcast %squeeze3A_1221 : f32 to vector<16xf32>
      %ge3A_1223 = arith.cmpf oge, %broadcast_in_dim3A_1222, %scan3A_543#0 : vector<16xf32>
      %select_n3A_1224 = arith.select %ge3A_1223, %neg3A_1087, %get3A_1081 : vector<16xi1>, vector<16xf32>
      %add3A_1225 = arith.addf %scan3A_1074, %select_n3A_1224 : vector<16xf32>
      %ge3A_1226 = arith.cmpf oge, %broadcast_in_dim3A_1222, %scan3A_543#1 : vector<16xf32>
      %select_n3A_1227 = arith.select %ge3A_1226, %neg3A_1090, %get3A_1085 : vector<16xi1>, vector<16xf32>
      %add3A_1228 = arith.addf %scan3A_1075, %select_n3A_1227 : vector<16xf32>
      %slice3A_1229 = vector.extract_strided_slice %get3A_1096 {offsets = [15], sizes = [1], strides = [1]} : vector<16xf32> to vector<1xf32>
      %squeeze3A_1230 = vector.extract %slice3A_1229[0] : f32 from vector<1xf32>
      %broadcast_in_dim3A_1231 = vector.broadcast %squeeze3A_1230 : f32 to vector<16xf32>
      %ge3A_1232 = arith.cmpf oge, %broadcast_in_dim3A_1231, %scan3A_543#0 : vector<16xf32>
      %select_n3A_1233 = arith.select %ge3A_1232, %neg3A_1087, %get3A_1081 : vector<16xi1>, vector<16xf32>
      %add3A_1234 = arith.addf %scan3A_1076, %select_n3A_1233 : vector<16xf32>
      %ge3A_1235 = arith.cmpf oge, %broadcast_in_dim3A_1231, %scan3A_543#1 : vector<16xf32>
      %select_n3A_1236 = arith.select %ge3A_1235, %neg3A_1090, %get3A_1085 : vector<16xi1>, vector<16xf32>
      %add3A_1237 = arith.addf %scan3A_1077, %select_n3A_1236 : vector<16xf32>
      scf.yield %add3A_1099, %add3A_1102, %add3A_1108, %add3A_1111, %add3A_1117, %add3A_1120, %add3A_1126, %add3A_1129, %add3A_1135, %add3A_1138, %add3A_1144, %add3A_1147, %add3A_1153, %add3A_1156, %add3A_1162, %add3A_1165, %add3A_1171, %add3A_1174, %add3A_1180, %add3A_1183, %add3A_1189, %add3A_1192, %add3A_1198, %add3A_1201, %add3A_1207, %add3A_1210, %add3A_1216, %add3A_1219, %add3A_1225, %add3A_1228, %add3A_1234, %add3A_1237 : vector<16xf32>, vector<16xf32>, vector<16xf32>, vector<16xf32>, vector<16xf32>, vector<16xf32>, vector<16xf32>, vector<16xf32>, vector<16xf32>, vector<16xf32>, vector<16xf32>, vector<16xf32>, vector<16xf32>, vector<16xf32>, vector<16xf32>, vector<16xf32>, vector<16xf32>, vector<16xf32>, vector<16xf32>, vector<16xf32>, vector<16xf32>, vector<16xf32>, vector<16xf32>, vector<16xf32>, vector<16xf32>, vector<16xf32>, vector<16xf32>, vector<16xf32>, vector<16xf32>, vector<16xf32>, vector<16xf32>, vector<16xf32>
    }
    %scan3A_556 = arith.constant 1024 : i32
    "tpu.region"() ({
      %run_scoped3A = tpu.sem_alloc : memref<!tpu.dma_semaphore, #tpu.memory_space<semaphore_mem>>
      %dma_start3A = arith.constant 2048 : i32
      %dma_start3A_1045 = tpu.memref_slice %arg4[%dma_start3A, %add3A_528] : memref<3072x2048xf32, #tpu.memory_space<hbm>> -> memref<1024x32xf32, #tpu.memory_space<hbm>>
      %dma_start3A_1046 = arith.constant 2048 : i32
      %dma_start3A_1047 = tpu.memref_slice %arg4[%dma_start3A_1046, %add3A_528] : memref<3072x2048xf32, #tpu.memory_space<hbm>> -> memref<1024x32xf32, #tpu.memory_space<hbm>>
      tpu.enqueue_dma source(%dma_start3A_1047 : memref<1024x32xf32, #tpu.memory_space<hbm>>) target(%arg7 : memref<1024x32xf32, #tpu.memory_space<vmem>>) target_semaphore(%run_scoped3A : memref<!tpu.dma_semaphore, #tpu.memory_space<semaphore_mem>>)
      %dma_wait3A = arith.constant 2048 : i32
      %dma_wait3A_1048 = tpu.memref_slice %arg4[%dma_wait3A, %add3A_528] : memref<3072x2048xf32, #tpu.memory_space<hbm>> -> memref<1024x32xf32, #tpu.memory_space<hbm>>
      %dma_wait3A_1049 = arith.constant 2048 : i32
      %dma_wait3A_1050 = tpu.memref_slice %arg4[%dma_wait3A_1049, %add3A_528] : memref<3072x2048xf32, #tpu.memory_space<hbm>> -> memref<1024x32xf32, #tpu.memory_space<hbm>>
      tpu.wait_dma2 semaphore(%run_scoped3A : memref<!tpu.dma_semaphore, #tpu.memory_space<semaphore_mem>>) src(%dma_wait3A_1050 : memref<1024x32xf32, #tpu.memory_space<hbm>>) dst(%arg7 : memref<1024x32xf32, #tpu.memory_space<vmem>>)
      tpu.yield
    }) : () -> ()
    %scan3A_557 = arith.constant 0 : i32
    %scan3A_558 = arith.constant 1024 : i32
    %scan3A_559 = arith.addi %scan3A_557, %scan3A_558 : i32
    %scan3A_560 = arith.constant 1 : i32
    %scan3A_561:32 = scf.for %scan3A_1045 = %scan3A_557 to %scan3A_559 step %scan3A_560 iter_args(%scan3A_1046 = %scan3A_555#0, %scan3A_1047 = %scan3A_555#1, %scan3A_1048 = %scan3A_555#2, %scan3A_1049 = %scan3A_555#3, %scan3A_1050 = %scan3A_555#4, %scan3A_1051 = %scan3A_555#5, %scan3A_1052 = %scan3A_555#6, %scan3A_1053 = %scan3A_555#7, %scan3A_1054 = %scan3A_555#8, %scan3A_1055 = %scan3A_555#9, %scan3A_1056 = %scan3A_555#10, %scan3A_1057 = %scan3A_555#11, %scan3A_1058 = %scan3A_555#12, %scan3A_1059 = %scan3A_555#13, %scan3A_1060 = %scan3A_555#14, %scan3A_1061 = %scan3A_555#15, %scan3A_1062 = %scan3A_555#16, %scan3A_1063 = %scan3A_555#17, %scan3A_1064 = %scan3A_555#18, %scan3A_1065 = %scan3A_555#19, %scan3A_1066 = %scan3A_555#20, %scan3A_1067 = %scan3A_555#21, %scan3A_1068 = %scan3A_555#22, %scan3A_1069 = %scan3A_555#23, %scan3A_1070 = %scan3A_555#24, %scan3A_1071 = %scan3A_555#25, %scan3A_1072 = %scan3A_555#26, %scan3A_1073 = %scan3A_555#27, %scan3A_1074 = %scan3A_555#28, %scan3A_1075 = %scan3A_555#29, %scan3A_1076 = %scan3A_555#30, %scan3A_1077 = %scan3A_555#31) -> (vector<16xf32>, vector<16xf32>, vector<16xf32>, vector<16xf32>, vector<16xf32>, vector<16xf32>, vector<16xf32>, vector<16xf32>, vector<16xf32>, vector<16xf32>, vector<16xf32>, vector<16xf32>, vector<16xf32>, vector<16xf32>, vector<16xf32>, vector<16xf32>, vector<16xf32>, vector<16xf32>, vector<16xf32>, vector<16xf32>, vector<16xf32>, vector<16xf32>, vector<16xf32>, vector<16xf32>, vector<16xf32>, vector<16xf32>, vector<16xf32>, vector<16xf32>, vector<16xf32>, vector<16xf32>, vector<16xf32>, vector<16xf32>)  : i32 {
      %get3A_1078 = arith.index_cast %scan3A_1045 : i32 to index
      %get3A_1079 = arith.constant 0 : index
      %get3A_1080 = tpu.vector_load %arg7[%get3A_1078, %get3A_1079] {strides = array<i32>} : memref<1024x32xf32, #tpu.memory_space<vmem>>, vector<1x16xf32>,
      %get3A_1081 = vector.shape_cast %get3A_1080 : vector<1x16xf32> to vector<16xf32>
      %get3A_1082 = arith.index_cast %scan3A_1045 : i32 to index
      %get3A_1083 = arith.constant 16 : index
      %get3A_1084 = tpu.vector_load %arg7[%get3A_1082, %get3A_1083] {strides = array<i32>} : memref<1024x32xf32, #tpu.memory_space<vmem>>, vector<1x16xf32>,
      %get3A_1085 = vector.shape_cast %get3A_1084 : vector<1x16xf32> to vector<16xf32>
      %neg3A = arith.constant 0.000000e+00 : f32
      %neg3A_1086 = vector.broadcast %neg3A : f32 to vector<16xf32>
      %neg3A_1087 = arith.subf %neg3A_1086, %get3A_1081 : vector<16xf32>
      %neg3A_1088 = arith.constant 0.000000e+00 : f32
      %neg3A_1089 = vector.broadcast %neg3A_1088 : f32 to vector<16xf32>
      %neg3A_1090 = arith.subf %neg3A_1089, %get3A_1085 : vector<16xf32>
      %add3A_1091 = arith.constant 2048 : i32
      %add3A_1092 = arith.addi %add3A_1091, %scan3A_1045 : i32
      %get3A_1093 = arith.index_cast %add3A_1092 : i32 to index
      %get3A_1094 = arith.constant 0 : index
      %get3A_1095 = tpu.vector_load %arg6[%get3A_1093, %get3A_1094] {strides = array<i32>} : memref<3072x16xf32, #tpu.memory_space<vmem>>, vector<1x16xf32>,
      %get3A_1096 = vector.shape_cast %get3A_1095 : vector<1x16xf32> to vector<16xf32>
      %slice3A = vector.extract_strided_slice %get3A_1096 {offsets = [0], sizes = [1], strides = [1]} : vector<16xf32> to vector<1xf32>
      %squeeze3A = vector.extract %slice3A[0] : f32 from vector<1xf32>
      %broadcast_in_dim3A_1097 = vector.broadcast %squeeze3A : f32 to vector<16xf32>
      %ge3A = arith.cmpf oge, %broadcast_in_dim3A_1097, %scan3A_543#0 : vector<16xf32>
      %select_n3A_1098 = arith.select %ge3A, %neg3A_1087, %get3A_1081 : vector<16xi1>, vector<16xf32>
      %add3A_1099 = arith.addf %scan3A_1046, %select_n3A_1098 : vector<16xf32>
      %ge3A_1100 = arith.cmpf oge, %broadcast_in_dim3A_1097, %scan3A_543#1 : vector<16xf32>
      %select_n3A_1101 = arith.select %ge3A_1100, %neg3A_1090, %get3A_1085 : vector<16xi1>, vector<16xf32>
      %add3A_1102 = arith.addf %scan3A_1047, %select_n3A_1101 : vector<16xf32>
      %slice3A_1103 = vector.extract_strided_slice %get3A_1096 {offsets = [1], sizes = [1], strides = [1]} : vector<16xf32> to vector<1xf32>
      %squeeze3A_1104 = vector.extract %slice3A_1103[0] : f32 from vector<1xf32>
      %broadcast_in_dim3A_1105 = vector.broadcast %squeeze3A_1104 : f32 to vector<16xf32>
      %ge3A_1106 = arith.cmpf oge, %broadcast_in_dim3A_1105, %scan3A_543#0 : vector<16xf32>
      %select_n3A_1107 = arith.select %ge3A_1106, %neg3A_1087, %get3A_1081 : vector<16xi1>, vector<16xf32>
      %add3A_1108 = arith.addf %scan3A_1048, %select_n3A_1107 : vector<16xf32>
      %ge3A_1109 = arith.cmpf oge, %broadcast_in_dim3A_1105, %scan3A_543#1 : vector<16xf32>
      %select_n3A_1110 = arith.select %ge3A_1109, %neg3A_1090, %get3A_1085 : vector<16xi1>, vector<16xf32>
      %add3A_1111 = arith.addf %scan3A_1049, %select_n3A_1110 : vector<16xf32>
      %slice3A_1112 = vector.extract_strided_slice %get3A_1096 {offsets = [2], sizes = [1], strides = [1]} : vector<16xf32> to vector<1xf32>
      %squeeze3A_1113 = vector.extract %slice3A_1112[0] : f32 from vector<1xf32>
      %broadcast_in_dim3A_1114 = vector.broadcast %squeeze3A_1113 : f32 to vector<16xf32>
      %ge3A_1115 = arith.cmpf oge, %broadcast_in_dim3A_1114, %scan3A_543#0 : vector<16xf32>
      %select_n3A_1116 = arith.select %ge3A_1115, %neg3A_1087, %get3A_1081 : vector<16xi1>, vector<16xf32>
      %add3A_1117 = arith.addf %scan3A_1050, %select_n3A_1116 : vector<16xf32>
      %ge3A_1118 = arith.cmpf oge, %broadcast_in_dim3A_1114, %scan3A_543#1 : vector<16xf32>
      %select_n3A_1119 = arith.select %ge3A_1118, %neg3A_1090, %get3A_1085 : vector<16xi1>, vector<16xf32>
      %add3A_1120 = arith.addf %scan3A_1051, %select_n3A_1119 : vector<16xf32>
      %slice3A_1121 = vector.extract_strided_slice %get3A_1096 {offsets = [3], sizes = [1], strides = [1]} : vector<16xf32> to vector<1xf32>
      %squeeze3A_1122 = vector.extract %slice3A_1121[0] : f32 from vector<1xf32>
      %broadcast_in_dim3A_1123 = vector.broadcast %squeeze3A_1122 : f32 to vector<16xf32>
      %ge3A_1124 = arith.cmpf oge, %broadcast_in_dim3A_1123, %scan3A_543#0 : vector<16xf32>
      %select_n3A_1125 = arith.select %ge3A_1124, %neg3A_1087, %get3A_1081 : vector<16xi1>, vector<16xf32>
      %add3A_1126 = arith.addf %scan3A_1052, %select_n3A_1125 : vector<16xf32>
      %ge3A_1127 = arith.cmpf oge, %broadcast_in_dim3A_1123, %scan3A_543#1 : vector<16xf32>
      %select_n3A_1128 = arith.select %ge3A_1127, %neg3A_1090, %get3A_1085 : vector<16xi1>, vector<16xf32>
      %add3A_1129 = arith.addf %scan3A_1053, %select_n3A_1128 : vector<16xf32>
      %slice3A_1130 = vector.extract_strided_slice %get3A_1096 {offsets = [4], sizes = [1], strides = [1]} : vector<16xf32> to vector<1xf32>
      %squeeze3A_1131 = vector.extract %slice3A_1130[0] : f32 from vector<1xf32>
      %broadcast_in_dim3A_1132 = vector.broadcast %squeeze3A_1131 : f32 to vector<16xf32>
      %ge3A_1133 = arith.cmpf oge, %broadcast_in_dim3A_1132, %scan3A_543#0 : vector<16xf32>
      %select_n3A_1134 = arith.select %ge3A_1133, %neg3A_1087, %get3A_1081 : vector<16xi1>, vector<16xf32>
      %add3A_1135 = arith.addf %scan3A_1054, %select_n3A_1134 : vector<16xf32>
      %ge3A_1136 = arith.cmpf oge, %broadcast_in_dim3A_1132, %scan3A_543#1 : vector<16xf32>
      %select_n3A_1137 = arith.select %ge3A_1136, %neg3A_1090, %get3A_1085 : vector<16xi1>, vector<16xf32>
      %add3A_1138 = arith.addf %scan3A_1055, %select_n3A_1137 : vector<16xf32>
      %slice3A_1139 = vector.extract_strided_slice %get3A_1096 {offsets = [5], sizes = [1], strides = [1]} : vector<16xf32> to vector<1xf32>
      %squeeze3A_1140 = vector.extract %slice3A_1139[0] : f32 from vector<1xf32>
      %broadcast_in_dim3A_1141 = vector.broadcast %squeeze3A_1140 : f32 to vector<16xf32>
      %ge3A_1142 = arith.cmpf oge, %broadcast_in_dim3A_1141, %scan3A_543#0 : vector<16xf32>
      %select_n3A_1143 = arith.select %ge3A_1142, %neg3A_1087, %get3A_1081 : vector<16xi1>, vector<16xf32>
      %add3A_1144 = arith.addf %scan3A_1056, %select_n3A_1143 : vector<16xf32>
      %ge3A_1145 = arith.cmpf oge, %broadcast_in_dim3A_1141, %scan3A_543#1 : vector<16xf32>
      %select_n3A_1146 = arith.select %ge3A_1145, %neg3A_1090, %get3A_1085 : vector<16xi1>, vector<16xf32>
      %add3A_1147 = arith.addf %scan3A_1057, %select_n3A_1146 : vector<16xf32>
      %slice3A_1148 = vector.extract_strided_slice %get3A_1096 {offsets = [6], sizes = [1], strides = [1]} : vector<16xf32> to vector<1xf32>
      %squeeze3A_1149 = vector.extract %slice3A_1148[0] : f32 from vector<1xf32>
      %broadcast_in_dim3A_1150 = vector.broadcast %squeeze3A_1149 : f32 to vector<16xf32>
      %ge3A_1151 = arith.cmpf oge, %broadcast_in_dim3A_1150, %scan3A_543#0 : vector<16xf32>
      %select_n3A_1152 = arith.select %ge3A_1151, %neg3A_1087, %get3A_1081 : vector<16xi1>, vector<16xf32>
      %add3A_1153 = arith.addf %scan3A_1058, %select_n3A_1152 : vector<16xf32>
      %ge3A_1154 = arith.cmpf oge, %broadcast_in_dim3A_1150, %scan3A_543#1 : vector<16xf32>
      %select_n3A_1155 = arith.select %ge3A_1154, %neg3A_1090, %get3A_1085 : vector<16xi1>, vector<16xf32>
      %add3A_1156 = arith.addf %scan3A_1059, %select_n3A_1155 : vector<16xf32>
      %slice3A_1157 = vector.extract_strided_slice %get3A_1096 {offsets = [7], sizes = [1], strides = [1]} : vector<16xf32> to vector<1xf32>
      %squeeze3A_1158 = vector.extract %slice3A_1157[0] : f32 from vector<1xf32>
      %broadcast_in_dim3A_1159 = vector.broadcast %squeeze3A_1158 : f32 to vector<16xf32>
      %ge3A_1160 = arith.cmpf oge, %broadcast_in_dim3A_1159, %scan3A_543#0 : vector<16xf32>
      %select_n3A_1161 = arith.select %ge3A_1160, %neg3A_1087, %get3A_1081 : vector<16xi1>, vector<16xf32>
      %add3A_1162 = arith.addf %scan3A_1060, %select_n3A_1161 : vector<16xf32>
      %ge3A_1163 = arith.cmpf oge, %broadcast_in_dim3A_1159, %scan3A_543#1 : vector<16xf32>
      %select_n3A_1164 = arith.select %ge3A_1163, %neg3A_1090, %get3A_1085 : vector<16xi1>, vector<16xf32>
      %add3A_1165 = arith.addf %scan3A_1061, %select_n3A_1164 : vector<16xf32>
      %slice3A_1166 = vector.extract_strided_slice %get3A_1096 {offsets = [8], sizes = [1], strides = [1]} : vector<16xf32> to vector<1xf32>
      %squeeze3A_1167 = vector.extract %slice3A_1166[0] : f32 from vector<1xf32>
      %broadcast_in_dim3A_1168 = vector.broadcast %squeeze3A_1167 : f32 to vector<16xf32>
      %ge3A_1169 = arith.cmpf oge, %broadcast_in_dim3A_1168, %scan3A_543#0 : vector<16xf32>
      %select_n3A_1170 = arith.select %ge3A_1169, %neg3A_1087, %get3A_1081 : vector<16xi1>, vector<16xf32>
      %add3A_1171 = arith.addf %scan3A_1062, %select_n3A_1170 : vector<16xf32>
      %ge3A_1172 = arith.cmpf oge, %broadcast_in_dim3A_1168, %scan3A_543#1 : vector<16xf32>
      %select_n3A_1173 = arith.select %ge3A_1172, %neg3A_1090, %get3A_1085 : vector<16xi1>, vector<16xf32>
      %add3A_1174 = arith.addf %scan3A_1063, %select_n3A_1173 : vector<16xf32>
      %slice3A_1175 = vector.extract_strided_slice %get3A_1096 {offsets = [9], sizes = [1], strides = [1]} : vector<16xf32> to vector<1xf32>
      %squeeze3A_1176 = vector.extract %slice3A_1175[0] : f32 from vector<1xf32>
      %broadcast_in_dim3A_1177 = vector.broadcast %squeeze3A_1176 : f32 to vector<16xf32>
      %ge3A_1178 = arith.cmpf oge, %broadcast_in_dim3A_1177, %scan3A_543#0 : vector<16xf32>
      %select_n3A_1179 = arith.select %ge3A_1178, %neg3A_1087, %get3A_1081 : vector<16xi1>, vector<16xf32>
      %add3A_1180 = arith.addf %scan3A_1064, %select_n3A_1179 : vector<16xf32>
      %ge3A_1181 = arith.cmpf oge, %broadcast_in_dim3A_1177, %scan3A_543#1 : vector<16xf32>
      %select_n3A_1182 = arith.select %ge3A_1181, %neg3A_1090, %get3A_1085 : vector<16xi1>, vector<16xf32>
      %add3A_1183 = arith.addf %scan3A_1065, %select_n3A_1182 : vector<16xf32>
      %slice3A_1184 = vector.extract_strided_slice %get3A_1096 {offsets = [10], sizes = [1], strides = [1]} : vector<16xf32> to vector<1xf32>
      %squeeze3A_1185 = vector.extract %slice3A_1184[0] : f32 from vector<1xf32>
      %broadcast_in_dim3A_1186 = vector.broadcast %squeeze3A_1185 : f32 to vector<16xf32>
      %ge3A_1187 = arith.cmpf oge, %broadcast_in_dim3A_1186, %scan3A_543#0 : vector<16xf32>
      %select_n3A_1188 = arith.select %ge3A_1187, %neg3A_1087, %get3A_1081 : vector<16xi1>, vector<16xf32>
      %add3A_1189 = arith.addf %scan3A_1066, %select_n3A_1188 : vector<16xf32>
      %ge3A_1190 = arith.cmpf oge, %broadcast_in_dim3A_1186, %scan3A_543#1 : vector<16xf32>
      %select_n3A_1191 = arith.select %ge3A_1190, %neg3A_1090, %get3A_1085 : vector<16xi1>, vector<16xf32>
      %add3A_1192 = arith.addf %scan3A_1067, %select_n3A_1191 : vector<16xf32>
      %slice3A_1193 = vector.extract_strided_slice %get3A_1096 {offsets = [11], sizes = [1], strides = [1]} : vector<16xf32> to vector<1xf32>
      %squeeze3A_1194 = vector.extract %slice3A_1193[0] : f32 from vector<1xf32>
      %broadcast_in_dim3A_1195 = vector.broadcast %squeeze3A_1194 : f32 to vector<16xf32>
      %ge3A_1196 = arith.cmpf oge, %broadcast_in_dim3A_1195, %scan3A_543#0 : vector<16xf32>
      %select_n3A_1197 = arith.select %ge3A_1196, %neg3A_1087, %get3A_1081 : vector<16xi1>, vector<16xf32>
      %add3A_1198 = arith.addf %scan3A_1068, %select_n3A_1197 : vector<16xf32>
      %ge3A_1199 = arith.cmpf oge, %broadcast_in_dim3A_1195, %scan3A_543#1 : vector<16xf32>
      %select_n3A_1200 = arith.select %ge3A_1199, %neg3A_1090, %get3A_1085 : vector<16xi1>, vector<16xf32>
      %add3A_1201 = arith.addf %scan3A_1069, %select_n3A_1200 : vector<16xf32>
      %slice3A_1202 = vector.extract_strided_slice %get3A_1096 {offsets = [12], sizes = [1], strides = [1]} : vector<16xf32> to vector<1xf32>
      %squeeze3A_1203 = vector.extract %slice3A_1202[0] : f32 from vector<1xf32>
      %broadcast_in_dim3A_1204 = vector.broadcast %squeeze3A_1203 : f32 to vector<16xf32>
      %ge3A_1205 = arith.cmpf oge, %broadcast_in_dim3A_1204, %scan3A_543#0 : vector<16xf32>
      %select_n3A_1206 = arith.select %ge3A_1205, %neg3A_1087, %get3A_1081 : vector<16xi1>, vector<16xf32>
      %add3A_1207 = arith.addf %scan3A_1070, %select_n3A_1206 : vector<16xf32>
      %ge3A_1208 = arith.cmpf oge, %broadcast_in_dim3A_1204, %scan3A_543#1 : vector<16xf32>
      %select_n3A_1209 = arith.select %ge3A_1208, %neg3A_1090, %get3A_1085 : vector<16xi1>, vector<16xf32>
      %add3A_1210 = arith.addf %scan3A_1071, %select_n3A_1209 : vector<16xf32>
      %slice3A_1211 = vector.extract_strided_slice %get3A_1096 {offsets = [13], sizes = [1], strides = [1]} : vector<16xf32> to vector<1xf32>
      %squeeze3A_1212 = vector.extract %slice3A_1211[0] : f32 from vector<1xf32>
      %broadcast_in_dim3A_1213 = vector.broadcast %squeeze3A_1212 : f32 to vector<16xf32>
      %ge3A_1214 = arith.cmpf oge, %broadcast_in_dim3A_1213, %scan3A_543#0 : vector<16xf32>
      %select_n3A_1215 = arith.select %ge3A_1214, %neg3A_1087, %get3A_1081 : vector<16xi1>, vector<16xf32>
      %add3A_1216 = arith.addf %scan3A_1072, %select_n3A_1215 : vector<16xf32>
      %ge3A_1217 = arith.cmpf oge, %broadcast_in_dim3A_1213, %scan3A_543#1 : vector<16xf32>
      %select_n3A_1218 = arith.select %ge3A_1217, %neg3A_1090, %get3A_1085 : vector<16xi1>, vector<16xf32>
      %add3A_1219 = arith.addf %scan3A_1073, %select_n3A_1218 : vector<16xf32>
      %slice3A_1220 = vector.extract_strided_slice %get3A_1096 {offsets = [14], sizes = [1], strides = [1]} : vector<16xf32> to vector<1xf32>
      %squeeze3A_1221 = vector.extract %slice3A_1220[0] : f32 from vector<1xf32>
      %broadcast_in_dim3A_1222 = vector.broadcast %squeeze3A_1221 : f32 to vector<16xf32>
      %ge3A_1223 = arith.cmpf oge, %broadcast_in_dim3A_1222, %scan3A_543#0 : vector<16xf32>
      %select_n3A_1224 = arith.select %ge3A_1223, %neg3A_1087, %get3A_1081 : vector<16xi1>, vector<16xf32>
      %add3A_1225 = arith.addf %scan3A_1074, %select_n3A_1224 : vector<16xf32>
      %ge3A_1226 = arith.cmpf oge, %broadcast_in_dim3A_1222, %scan3A_543#1 : vector<16xf32>
      %select_n3A_1227 = arith.select %ge3A_1226, %neg3A_1090, %get3A_1085 : vector<16xi1>, vector<16xf32>
      %add3A_1228 = arith.addf %scan3A_1075, %select_n3A_1227 : vector<16xf32>
      %slice3A_1229 = vector.extract_strided_slice %get3A_1096 {offsets = [15], sizes = [1], strides = [1]} : vector<16xf32> to vector<1xf32>
      %squeeze3A_1230 = vector.extract %slice3A_1229[0] : f32 from vector<1xf32>
      %broadcast_in_dim3A_1231 = vector.broadcast %squeeze3A_1230 : f32 to vector<16xf32>
      %ge3A_1232 = arith.cmpf oge, %broadcast_in_dim3A_1231, %scan3A_543#0 : vector<16xf32>
      %select_n3A_1233 = arith.select %ge3A_1232, %neg3A_1087, %get3A_1081 : vector<16xi1>, vector<16xf32>
      %add3A_1234 = arith.addf %scan3A_1076, %select_n3A_1233 : vector<16xf32>
      %ge3A_1235 = arith.cmpf oge, %broadcast_in_dim3A_1231, %scan3A_543#1 : vector<16xf32>
      %select_n3A_1236 = arith.select %ge3A_1235, %neg3A_1090, %get3A_1085 : vector<16xi1>, vector<16xf32>
      %add3A_1237 = arith.addf %scan3A_1077, %select_n3A_1236 : vector<16xf32>
      scf.yield %add3A_1099, %add3A_1102, %add3A_1108, %add3A_1111, %add3A_1117, %add3A_1120, %add3A_1126, %add3A_1129, %add3A_1135, %add3A_1138, %add3A_1144, %add3A_1147, %add3A_1153, %add3A_1156, %add3A_1162, %add3A_1165, %add3A_1171, %add3A_1174, %add3A_1180, %add3A_1183, %add3A_1189, %add3A_1192, %add3A_1198, %add3A_1201, %add3A_1207, %add3A_1210, %add3A_1216, %add3A_1219, %add3A_1225, %add3A_1228, %add3A_1234, %add3A_1237 : vector<16xf32>, vector<16xf32>, vector<16xf32>, vector<16xf32>, vector<16xf32>, vector<16xf32>, vector<16xf32>, vector<16xf32>, vector<16xf32>, vector<16xf32>, vector<16xf32>, vector<16xf32>, vector<16xf32>, vector<16xf32>, vector<16xf32>, vector<16xf32>, vector<16xf32>, vector<16xf32>, vector<16xf32>, vector<16xf32>, vector<16xf32>, vector<16xf32>, vector<16xf32>, vector<16xf32>, vector<16xf32>, vector<16xf32>, vector<16xf32>, vector<16xf32>, vector<16xf32>, vector<16xf32>, vector<16xf32>, vector<16xf32>
    }
    %scan3A_562 = arith.constant 1024 : i32
    %mul3A_563 = arith.mulf %scan3A_561#0, %get3A_533 : vector<16xf32>
    %gt3A_564 = arith.constant 0.000000e+00 : f32
    %gt3A_565 = vector.broadcast %gt3A_564 : f32 to vector<16xf32>
    %gt3A_566 = arith.cmpf ogt, %mul3A_563, %gt3A_565 : vector<16xf32>
    %jit3A_567 = arith.constant 1.000000e+00 : f32
    %jit3A_568 = arith.constant -1.000000e+00 : f32
    %broadcast_in_dim3A_569 = vector.broadcast %jit3A_567 : f32 to vector<16xf32>
    %broadcast_in_dim3A_570 = vector.broadcast %jit3A_568 : f32 to vector<16xf32>
    %select_n3A_571 = arith.select %gt3A_566, %broadcast_in_dim3A_569, %broadcast_in_dim3A_570 : vector<16xi1>, vector<16xf32>
    %swap3A_572 = arith.constant 0 : i32
    %swap3A_573 = arith.index_cast %swap3A_572 : i32 to index
    %swap3A_574 = arith.constant 0 : index
    %swap3A_575 = tpu.vector_load %arg9[%swap3A_573, %swap3A_574] {strides = array<i32>} : memref<16x32xf32, #tpu.memory_space<vmem>>, vector<1x16xf32>,
    %swap3A_576 = vector.shape_cast %swap3A_575 : vector<1x16xf32> to vector<16xf32>
    %swap3A_577 = vector.shape_cast %select_n3A_571 : vector<16xf32> to vector<1x16xf32>
    tpu.vector_store %arg9[%swap3A_573, %swap3A_574], %swap3A_577 {strides = array<i32>} : memref<16x32xf32, #tpu.memory_space<vmem>>, vector<1x16xf32>,
    %mul3A_578 = arith.mulf %scan3A_561#1, %get3A_538 : vector<16xf32>
    %gt3A_579 = arith.constant 0.000000e+00 : f32
    %gt3A_580 = vector.broadcast %gt3A_579 : f32 to vector<16xf32>
    %gt3A_581 = arith.cmpf ogt, %mul3A_578, %gt3A_580 : vector<16xf32>
    %jit3A_582 = arith.constant 1.000000e+00 : f32
    %jit3A_583 = arith.constant -1.000000e+00 : f32
    %broadcast_in_dim3A_584 = vector.broadcast %jit3A_582 : f32 to vector<16xf32>
    %broadcast_in_dim3A_585 = vector.broadcast %jit3A_583 : f32 to vector<16xf32>
    %select_n3A_586 = arith.select %gt3A_581, %broadcast_in_dim3A_584, %broadcast_in_dim3A_585 : vector<16xi1>, vector<16xf32>
    %swap3A_587 = arith.constant 0 : i32
    %swap3A_588 = arith.index_cast %swap3A_587 : i32 to index
    %swap3A_589 = arith.constant 16 : index
    %swap3A_590 = tpu.vector_load %arg9[%swap3A_588, %swap3A_589] {strides = array<i32>} : memref<16x32xf32, #tpu.memory_space<vmem>>, vector<1x16xf32>,
    %swap3A_591 = vector.shape_cast %swap3A_590 : vector<1x16xf32> to vector<16xf32>
    %swap3A_592 = vector.shape_cast %select_n3A_586 : vector<16xf32> to vector<1x16xf32>
    tpu.vector_store %arg9[%swap3A_588, %swap3A_589], %swap3A_592 {strides = array<i32>} : memref<16x32xf32, #tpu.memory_space<vmem>>, vector<1x16xf32>,
    %mul3A_593 = arith.mulf %scan3A_561#2, %get3A_533 : vector<16xf32>
    %gt3A_594 = arith.constant 0.000000e+00 : f32
    %gt3A_595 = vector.broadcast %gt3A_594 : f32 to vector<16xf32>
    %gt3A_596 = arith.cmpf ogt, %mul3A_593, %gt3A_595 : vector<16xf32>
    %jit3A_597 = arith.constant 1.000000e+00 : f32
    %jit3A_598 = arith.constant -1.000000e+00 : f32
    %broadcast_in_dim3A_599 = vector.broadcast %jit3A_597 : f32 to vector<16xf32>
    %broadcast_in_dim3A_600 = vector.broadcast %jit3A_598 : f32 to vector<16xf32>
    %select_n3A_601 = arith.select %gt3A_596, %broadcast_in_dim3A_599, %broadcast_in_dim3A_600 : vector<16xi1>, vector<16xf32>
    %swap3A_602 = arith.constant 1 : i32
    %swap3A_603 = arith.index_cast %swap3A_602 : i32 to index
    %swap3A_604 = arith.constant 0 : index
    %swap3A_605 = tpu.vector_load %arg9[%swap3A_603, %swap3A_604] {strides = array<i32>} : memref<16x32xf32, #tpu.memory_space<vmem>>, vector<1x16xf32>,
    %swap3A_606 = vector.shape_cast %swap3A_605 : vector<1x16xf32> to vector<16xf32>
    %swap3A_607 = vector.shape_cast %select_n3A_601 : vector<16xf32> to vector<1x16xf32>
    tpu.vector_store %arg9[%swap3A_603, %swap3A_604], %swap3A_607 {strides = array<i32>} : memref<16x32xf32, #tpu.memory_space<vmem>>, vector<1x16xf32>,
    %mul3A_608 = arith.mulf %scan3A_561#3, %get3A_538 : vector<16xf32>
    %gt3A_609 = arith.constant 0.000000e+00 : f32
    %gt3A_610 = vector.broadcast %gt3A_609 : f32 to vector<16xf32>
    %gt3A_611 = arith.cmpf ogt, %mul3A_608, %gt3A_610 : vector<16xf32>
    %jit3A_612 = arith.constant 1.000000e+00 : f32
    %jit3A_613 = arith.constant -1.000000e+00 : f32
    %broadcast_in_dim3A_614 = vector.broadcast %jit3A_612 : f32 to vector<16xf32>
    %broadcast_in_dim3A_615 = vector.broadcast %jit3A_613 : f32 to vector<16xf32>
    %select_n3A_616 = arith.select %gt3A_611, %broadcast_in_dim3A_614, %broadcast_in_dim3A_615 : vector<16xi1>, vector<16xf32>
    %swap3A_617 = arith.constant 1 : i32
    %swap3A_618 = arith.index_cast %swap3A_617 : i32 to index
    %swap3A_619 = arith.constant 16 : index
    %swap3A_620 = tpu.vector_load %arg9[%swap3A_618, %swap3A_619] {strides = array<i32>} : memref<16x32xf32, #tpu.memory_space<vmem>>, vector<1x16xf32>,
    %swap3A_621 = vector.shape_cast %swap3A_620 : vector<1x16xf32> to vector<16xf32>
    %swap3A_622 = vector.shape_cast %select_n3A_616 : vector<16xf32> to vector<1x16xf32>
    tpu.vector_store %arg9[%swap3A_618, %swap3A_619], %swap3A_622 {strides = array<i32>} : memref<16x32xf32, #tpu.memory_space<vmem>>, vector<1x16xf32>,
    %mul3A_623 = arith.mulf %scan3A_561#4, %get3A_533 : vector<16xf32>
    %gt3A_624 = arith.constant 0.000000e+00 : f32
    %gt3A_625 = vector.broadcast %gt3A_624 : f32 to vector<16xf32>
    %gt3A_626 = arith.cmpf ogt, %mul3A_623, %gt3A_625 : vector<16xf32>
    %jit3A_627 = arith.constant 1.000000e+00 : f32
    %jit3A_628 = arith.constant -1.000000e+00 : f32
    %broadcast_in_dim3A_629 = vector.broadcast %jit3A_627 : f32 to vector<16xf32>
    %broadcast_in_dim3A_630 = vector.broadcast %jit3A_628 : f32 to vector<16xf32>
    %select_n3A_631 = arith.select %gt3A_626, %broadcast_in_dim3A_629, %broadcast_in_dim3A_630 : vector<16xi1>, vector<16xf32>
    %swap3A_632 = arith.constant 2 : i32
    %swap3A_633 = arith.index_cast %swap3A_632 : i32 to index
    %swap3A_634 = arith.constant 0 : index
    %swap3A_635 = tpu.vector_load %arg9[%swap3A_633, %swap3A_634] {strides = array<i32>} : memref<16x32xf32, #tpu.memory_space<vmem>>, vector<1x16xf32>,
    %swap3A_636 = vector.shape_cast %swap3A_635 : vector<1x16xf32> to vector<16xf32>
    %swap3A_637 = vector.shape_cast %select_n3A_631 : vector<16xf32> to vector<1x16xf32>
    tpu.vector_store %arg9[%swap3A_633, %swap3A_634], %swap3A_637 {strides = array<i32>} : memref<16x32xf32, #tpu.memory_space<vmem>>, vector<1x16xf32>,
    %mul3A_638 = arith.mulf %scan3A_561#5, %get3A_538 : vector<16xf32>
    %gt3A_639 = arith.constant 0.000000e+00 : f32
    %gt3A_640 = vector.broadcast %gt3A_639 : f32 to vector<16xf32>
    %gt3A_641 = arith.cmpf ogt, %mul3A_638, %gt3A_640 : vector<16xf32>
    %jit3A_642 = arith.constant 1.000000e+00 : f32
    %jit3A_643 = arith.constant -1.000000e+00 : f32
    %broadcast_in_dim3A_644 = vector.broadcast %jit3A_642 : f32 to vector<16xf32>
    %broadcast_in_dim3A_645 = vector.broadcast %jit3A_643 : f32 to vector<16xf32>
    %select_n3A_646 = arith.select %gt3A_641, %broadcast_in_dim3A_644, %broadcast_in_dim3A_645 : vector<16xi1>, vector<16xf32>
    %swap3A_647 = arith.constant 2 : i32
    %swap3A_648 = arith.index_cast %swap3A_647 : i32 to index
    %swap3A_649 = arith.constant 16 : index
    %swap3A_650 = tpu.vector_load %arg9[%swap3A_648, %swap3A_649] {strides = array<i32>} : memref<16x32xf32, #tpu.memory_space<vmem>>, vector<1x16xf32>,
    %swap3A_651 = vector.shape_cast %swap3A_650 : vector<1x16xf32> to vector<16xf32>
    %swap3A_652 = vector.shape_cast %select_n3A_646 : vector<16xf32> to vector<1x16xf32>
    tpu.vector_store %arg9[%swap3A_648, %swap3A_649], %swap3A_652 {strides = array<i32>} : memref<16x32xf32, #tpu.memory_space<vmem>>, vector<1x16xf32>,
    %mul3A_653 = arith.mulf %scan3A_561#6, %get3A_533 : vector<16xf32>
    %gt3A_654 = arith.constant 0.000000e+00 : f32
    %gt3A_655 = vector.broadcast %gt3A_654 : f32 to vector<16xf32>
    %gt3A_656 = arith.cmpf ogt, %mul3A_653, %gt3A_655 : vector<16xf32>
    %jit3A_657 = arith.constant 1.000000e+00 : f32
    %jit3A_658 = arith.constant -1.000000e+00 : f32
    %broadcast_in_dim3A_659 = vector.broadcast %jit3A_657 : f32 to vector<16xf32>
    %broadcast_in_dim3A_660 = vector.broadcast %jit3A_658 : f32 to vector<16xf32>
    %select_n3A_661 = arith.select %gt3A_656, %broadcast_in_dim3A_659, %broadcast_in_dim3A_660 : vector<16xi1>, vector<16xf32>
    %swap3A_662 = arith.constant 3 : i32
    %swap3A_663 = arith.index_cast %swap3A_662 : i32 to index
    %swap3A_664 = arith.constant 0 : index
    %swap3A_665 = tpu.vector_load %arg9[%swap3A_663, %swap3A_664] {strides = array<i32>} : memref<16x32xf32, #tpu.memory_space<vmem>>, vector<1x16xf32>,
    %swap3A_666 = vector.shape_cast %swap3A_665 : vector<1x16xf32> to vector<16xf32>
    %swap3A_667 = vector.shape_cast %select_n3A_661 : vector<16xf32> to vector<1x16xf32>
    tpu.vector_store %arg9[%swap3A_663, %swap3A_664], %swap3A_667 {strides = array<i32>} : memref<16x32xf32, #tpu.memory_space<vmem>>, vector<1x16xf32>,
    %mul3A_668 = arith.mulf %scan3A_561#7, %get3A_538 : vector<16xf32>
    %gt3A_669 = arith.constant 0.000000e+00 : f32
    %gt3A_670 = vector.broadcast %gt3A_669 : f32 to vector<16xf32>
    %gt3A_671 = arith.cmpf ogt, %mul3A_668, %gt3A_670 : vector<16xf32>
    %jit3A_672 = arith.constant 1.000000e+00 : f32
    %jit3A_673 = arith.constant -1.000000e+00 : f32
    %broadcast_in_dim3A_674 = vector.broadcast %jit3A_672 : f32 to vector<16xf32>
    %broadcast_in_dim3A_675 = vector.broadcast %jit3A_673 : f32 to vector<16xf32>
    %select_n3A_676 = arith.select %gt3A_671, %broadcast_in_dim3A_674, %broadcast_in_dim3A_675 : vector<16xi1>, vector<16xf32>
    %swap3A_677 = arith.constant 3 : i32
    %swap3A_678 = arith.index_cast %swap3A_677 : i32 to index
    %swap3A_679 = arith.constant 16 : index
    %swap3A_680 = tpu.vector_load %arg9[%swap3A_678, %swap3A_679] {strides = array<i32>} : memref<16x32xf32, #tpu.memory_space<vmem>>, vector<1x16xf32>,
    %swap3A_681 = vector.shape_cast %swap3A_680 : vector<1x16xf32> to vector<16xf32>
    %swap3A_682 = vector.shape_cast %select_n3A_676 : vector<16xf32> to vector<1x16xf32>
    tpu.vector_store %arg9[%swap3A_678, %swap3A_679], %swap3A_682 {strides = array<i32>} : memref<16x32xf32, #tpu.memory_space<vmem>>, vector<1x16xf32>,
    %mul3A_683 = arith.mulf %scan3A_561#8, %get3A_533 : vector<16xf32>
    %gt3A_684 = arith.constant 0.000000e+00 : f32
    %gt3A_685 = vector.broadcast %gt3A_684 : f32 to vector<16xf32>
    %gt3A_686 = arith.cmpf ogt, %mul3A_683, %gt3A_685 : vector<16xf32>
    %jit3A_687 = arith.constant 1.000000e+00 : f32
    %jit3A_688 = arith.constant -1.000000e+00 : f32
    %broadcast_in_dim3A_689 = vector.broadcast %jit3A_687 : f32 to vector<16xf32>
    %broadcast_in_dim3A_690 = vector.broadcast %jit3A_688 : f32 to vector<16xf32>
    %select_n3A_691 = arith.select %gt3A_686, %broadcast_in_dim3A_689, %broadcast_in_dim3A_690 : vector<16xi1>, vector<16xf32>
    %swap3A_692 = arith.constant 4 : i32
    %swap3A_693 = arith.index_cast %swap3A_692 : i32 to index
    %swap3A_694 = arith.constant 0 : index
    %swap3A_695 = tpu.vector_load %arg9[%swap3A_693, %swap3A_694] {strides = array<i32>} : memref<16x32xf32, #tpu.memory_space<vmem>>, vector<1x16xf32>,
    %swap3A_696 = vector.shape_cast %swap3A_695 : vector<1x16xf32> to vector<16xf32>
    %swap3A_697 = vector.shape_cast %select_n3A_691 : vector<16xf32> to vector<1x16xf32>
    tpu.vector_store %arg9[%swap3A_693, %swap3A_694], %swap3A_697 {strides = array<i32>} : memref<16x32xf32, #tpu.memory_space<vmem>>, vector<1x16xf32>,
    %mul3A_698 = arith.mulf %scan3A_561#9, %get3A_538 : vector<16xf32>
    %gt3A_699 = arith.constant 0.000000e+00 : f32
    %gt3A_700 = vector.broadcast %gt3A_699 : f32 to vector<16xf32>
    %gt3A_701 = arith.cmpf ogt, %mul3A_698, %gt3A_700 : vector<16xf32>
    %jit3A_702 = arith.constant 1.000000e+00 : f32
    %jit3A_703 = arith.constant -1.000000e+00 : f32
    %broadcast_in_dim3A_704 = vector.broadcast %jit3A_702 : f32 to vector<16xf32>
    %broadcast_in_dim3A_705 = vector.broadcast %jit3A_703 : f32 to vector<16xf32>
    %select_n3A_706 = arith.select %gt3A_701, %broadcast_in_dim3A_704, %broadcast_in_dim3A_705 : vector<16xi1>, vector<16xf32>
    %swap3A_707 = arith.constant 4 : i32
    %swap3A_708 = arith.index_cast %swap3A_707 : i32 to index
    %swap3A_709 = arith.constant 16 : index
    %swap3A_710 = tpu.vector_load %arg9[%swap3A_708, %swap3A_709] {strides = array<i32>} : memref<16x32xf32, #tpu.memory_space<vmem>>, vector<1x16xf32>,
    %swap3A_711 = vector.shape_cast %swap3A_710 : vector<1x16xf32> to vector<16xf32>
    %swap3A_712 = vector.shape_cast %select_n3A_706 : vector<16xf32> to vector<1x16xf32>
    tpu.vector_store %arg9[%swap3A_708, %swap3A_709], %swap3A_712 {strides = array<i32>} : memref<16x32xf32, #tpu.memory_space<vmem>>, vector<1x16xf32>,
    %mul3A_713 = arith.mulf %scan3A_561#10, %get3A_533 : vector<16xf32>
    %gt3A_714 = arith.constant 0.000000e+00 : f32
    %gt3A_715 = vector.broadcast %gt3A_714 : f32 to vector<16xf32>
    %gt3A_716 = arith.cmpf ogt, %mul3A_713, %gt3A_715 : vector<16xf32>
    %jit3A_717 = arith.constant 1.000000e+00 : f32
    %jit3A_718 = arith.constant -1.000000e+00 : f32
    %broadcast_in_dim3A_719 = vector.broadcast %jit3A_717 : f32 to vector<16xf32>
    %broadcast_in_dim3A_720 = vector.broadcast %jit3A_718 : f32 to vector<16xf32>
    %select_n3A_721 = arith.select %gt3A_716, %broadcast_in_dim3A_719, %broadcast_in_dim3A_720 : vector<16xi1>, vector<16xf32>
    %swap3A_722 = arith.constant 5 : i32
    %swap3A_723 = arith.index_cast %swap3A_722 : i32 to index
    %swap3A_724 = arith.constant 0 : index
    %swap3A_725 = tpu.vector_load %arg9[%swap3A_723, %swap3A_724] {strides = array<i32>} : memref<16x32xf32, #tpu.memory_space<vmem>>, vector<1x16xf32>,
    %swap3A_726 = vector.shape_cast %swap3A_725 : vector<1x16xf32> to vector<16xf32>
    %swap3A_727 = vector.shape_cast %select_n3A_721 : vector<16xf32> to vector<1x16xf32>
    tpu.vector_store %arg9[%swap3A_723, %swap3A_724], %swap3A_727 {strides = array<i32>} : memref<16x32xf32, #tpu.memory_space<vmem>>, vector<1x16xf32>,
    %mul3A_728 = arith.mulf %scan3A_561#11, %get3A_538 : vector<16xf32>
    %gt3A_729 = arith.constant 0.000000e+00 : f32
    %gt3A_730 = vector.broadcast %gt3A_729 : f32 to vector<16xf32>
    %gt3A_731 = arith.cmpf ogt, %mul3A_728, %gt3A_730 : vector<16xf32>
    %jit3A_732 = arith.constant 1.000000e+00 : f32
    %jit3A_733 = arith.constant -1.000000e+00 : f32
    %broadcast_in_dim3A_734 = vector.broadcast %jit3A_732 : f32 to vector<16xf32>
    %broadcast_in_dim3A_735 = vector.broadcast %jit3A_733 : f32 to vector<16xf32>
    %select_n3A_736 = arith.select %gt3A_731, %broadcast_in_dim3A_734, %broadcast_in_dim3A_735 : vector<16xi1>, vector<16xf32>
    %swap3A_737 = arith.constant 5 : i32
    %swap3A_738 = arith.index_cast %swap3A_737 : i32 to index
    %swap3A_739 = arith.constant 16 : index
    %swap3A_740 = tpu.vector_load %arg9[%swap3A_738, %swap3A_739] {strides = array<i32>} : memref<16x32xf32, #tpu.memory_space<vmem>>, vector<1x16xf32>,
    %swap3A_741 = vector.shape_cast %swap3A_740 : vector<1x16xf32> to vector<16xf32>
    %swap3A_742 = vector.shape_cast %select_n3A_736 : vector<16xf32> to vector<1x16xf32>
    tpu.vector_store %arg9[%swap3A_738, %swap3A_739], %swap3A_742 {strides = array<i32>} : memref<16x32xf32, #tpu.memory_space<vmem>>, vector<1x16xf32>,
    %mul3A_743 = arith.mulf %scan3A_561#12, %get3A_533 : vector<16xf32>
    %gt3A_744 = arith.constant 0.000000e+00 : f32
    %gt3A_745 = vector.broadcast %gt3A_744 : f32 to vector<16xf32>
    %gt3A_746 = arith.cmpf ogt, %mul3A_743, %gt3A_745 : vector<16xf32>
    %jit3A_747 = arith.constant 1.000000e+00 : f32
    %jit3A_748 = arith.constant -1.000000e+00 : f32
    %broadcast_in_dim3A_749 = vector.broadcast %jit3A_747 : f32 to vector<16xf32>
    %broadcast_in_dim3A_750 = vector.broadcast %jit3A_748 : f32 to vector<16xf32>
    %select_n3A_751 = arith.select %gt3A_746, %broadcast_in_dim3A_749, %broadcast_in_dim3A_750 : vector<16xi1>, vector<16xf32>
    %swap3A_752 = arith.constant 6 : i32
    %swap3A_753 = arith.index_cast %swap3A_752 : i32 to index
    %swap3A_754 = arith.constant 0 : index
    %swap3A_755 = tpu.vector_load %arg9[%swap3A_753, %swap3A_754] {strides = array<i32>} : memref<16x32xf32, #tpu.memory_space<vmem>>, vector<1x16xf32>,
    %swap3A_756 = vector.shape_cast %swap3A_755 : vector<1x16xf32> to vector<16xf32>
    %swap3A_757 = vector.shape_cast %select_n3A_751 : vector<16xf32> to vector<1x16xf32>
    tpu.vector_store %arg9[%swap3A_753, %swap3A_754], %swap3A_757 {strides = array<i32>} : memref<16x32xf32, #tpu.memory_space<vmem>>, vector<1x16xf32>,
    %mul3A_758 = arith.mulf %scan3A_561#13, %get3A_538 : vector<16xf32>
    %gt3A_759 = arith.constant 0.000000e+00 : f32
    %gt3A_760 = vector.broadcast %gt3A_759 : f32 to vector<16xf32>
    %gt3A_761 = arith.cmpf ogt, %mul3A_758, %gt3A_760 : vector<16xf32>
    %jit3A_762 = arith.constant 1.000000e+00 : f32
    %jit3A_763 = arith.constant -1.000000e+00 : f32
    %broadcast_in_dim3A_764 = vector.broadcast %jit3A_762 : f32 to vector<16xf32>
    %broadcast_in_dim3A_765 = vector.broadcast %jit3A_763 : f32 to vector<16xf32>
    %select_n3A_766 = arith.select %gt3A_761, %broadcast_in_dim3A_764, %broadcast_in_dim3A_765 : vector<16xi1>, vector<16xf32>
    %swap3A_767 = arith.constant 6 : i32
    %swap3A_768 = arith.index_cast %swap3A_767 : i32 to index
    %swap3A_769 = arith.constant 16 : index
    %swap3A_770 = tpu.vector_load %arg9[%swap3A_768, %swap3A_769] {strides = array<i32>} : memref<16x32xf32, #tpu.memory_space<vmem>>, vector<1x16xf32>,
    %swap3A_771 = vector.shape_cast %swap3A_770 : vector<1x16xf32> to vector<16xf32>
    %swap3A_772 = vector.shape_cast %select_n3A_766 : vector<16xf32> to vector<1x16xf32>
    tpu.vector_store %arg9[%swap3A_768, %swap3A_769], %swap3A_772 {strides = array<i32>} : memref<16x32xf32, #tpu.memory_space<vmem>>, vector<1x16xf32>,
    %mul3A_773 = arith.mulf %scan3A_561#14, %get3A_533 : vector<16xf32>
    %gt3A_774 = arith.constant 0.000000e+00 : f32
    %gt3A_775 = vector.broadcast %gt3A_774 : f32 to vector<16xf32>
    %gt3A_776 = arith.cmpf ogt, %mul3A_773, %gt3A_775 : vector<16xf32>
    %jit3A_777 = arith.constant 1.000000e+00 : f32
    %jit3A_778 = arith.constant -1.000000e+00 : f32
    %broadcast_in_dim3A_779 = vector.broadcast %jit3A_777 : f32 to vector<16xf32>
    %broadcast_in_dim3A_780 = vector.broadcast %jit3A_778 : f32 to vector<16xf32>
    %select_n3A_781 = arith.select %gt3A_776, %broadcast_in_dim3A_779, %broadcast_in_dim3A_780 : vector<16xi1>, vector<16xf32>
    %swap3A_782 = arith.constant 7 : i32
    %swap3A_783 = arith.index_cast %swap3A_782 : i32 to index
    %swap3A_784 = arith.constant 0 : index
    %swap3A_785 = tpu.vector_load %arg9[%swap3A_783, %swap3A_784] {strides = array<i32>} : memref<16x32xf32, #tpu.memory_space<vmem>>, vector<1x16xf32>,
    %swap3A_786 = vector.shape_cast %swap3A_785 : vector<1x16xf32> to vector<16xf32>
    %swap3A_787 = vector.shape_cast %select_n3A_781 : vector<16xf32> to vector<1x16xf32>
    tpu.vector_store %arg9[%swap3A_783, %swap3A_784], %swap3A_787 {strides = array<i32>} : memref<16x32xf32, #tpu.memory_space<vmem>>, vector<1x16xf32>,
    %mul3A_788 = arith.mulf %scan3A_561#15, %get3A_538 : vector<16xf32>
    %gt3A_789 = arith.constant 0.000000e+00 : f32
    %gt3A_790 = vector.broadcast %gt3A_789 : f32 to vector<16xf32>
    %gt3A_791 = arith.cmpf ogt, %mul3A_788, %gt3A_790 : vector<16xf32>
    %jit3A_792 = arith.constant 1.000000e+00 : f32
    %jit3A_793 = arith.constant -1.000000e+00 : f32
    %broadcast_in_dim3A_794 = vector.broadcast %jit3A_792 : f32 to vector<16xf32>
    %broadcast_in_dim3A_795 = vector.broadcast %jit3A_793 : f32 to vector<16xf32>
    %select_n3A_796 = arith.select %gt3A_791, %broadcast_in_dim3A_794, %broadcast_in_dim3A_795 : vector<16xi1>, vector<16xf32>
    %swap3A_797 = arith.constant 7 : i32
    %swap3A_798 = arith.index_cast %swap3A_797 : i32 to index
    %swap3A_799 = arith.constant 16 : index
    %swap3A_800 = tpu.vector_load %arg9[%swap3A_798, %swap3A_799] {strides = array<i32>} : memref<16x32xf32, #tpu.memory_space<vmem>>, vector<1x16xf32>,
    %swap3A_801 = vector.shape_cast %swap3A_800 : vector<1x16xf32> to vector<16xf32>
    %swap3A_802 = vector.shape_cast %select_n3A_796 : vector<16xf32> to vector<1x16xf32>
    tpu.vector_store %arg9[%swap3A_798, %swap3A_799], %swap3A_802 {strides = array<i32>} : memref<16x32xf32, #tpu.memory_space<vmem>>, vector<1x16xf32>,
    %mul3A_803 = arith.mulf %scan3A_561#16, %get3A_533 : vector<16xf32>
    %gt3A_804 = arith.constant 0.000000e+00 : f32
    %gt3A_805 = vector.broadcast %gt3A_804 : f32 to vector<16xf32>
    %gt3A_806 = arith.cmpf ogt, %mul3A_803, %gt3A_805 : vector<16xf32>
    %jit3A_807 = arith.constant 1.000000e+00 : f32
    %jit3A_808 = arith.constant -1.000000e+00 : f32
    %broadcast_in_dim3A_809 = vector.broadcast %jit3A_807 : f32 to vector<16xf32>
    %broadcast_in_dim3A_810 = vector.broadcast %jit3A_808 : f32 to vector<16xf32>
    %select_n3A_811 = arith.select %gt3A_806, %broadcast_in_dim3A_809, %broadcast_in_dim3A_810 : vector<16xi1>, vector<16xf32>
    %swap3A_812 = arith.constant 8 : i32
    %swap3A_813 = arith.index_cast %swap3A_812 : i32 to index
    %swap3A_814 = arith.constant 0 : index
    %swap3A_815 = tpu.vector_load %arg9[%swap3A_813, %swap3A_814] {strides = array<i32>} : memref<16x32xf32, #tpu.memory_space<vmem>>, vector<1x16xf32>,
    %swap3A_816 = vector.shape_cast %swap3A_815 : vector<1x16xf32> to vector<16xf32>
    %swap3A_817 = vector.shape_cast %select_n3A_811 : vector<16xf32> to vector<1x16xf32>
    tpu.vector_store %arg9[%swap3A_813, %swap3A_814], %swap3A_817 {strides = array<i32>} : memref<16x32xf32, #tpu.memory_space<vmem>>, vector<1x16xf32>,
    %mul3A_818 = arith.mulf %scan3A_561#17, %get3A_538 : vector<16xf32>
    %gt3A_819 = arith.constant 0.000000e+00 : f32
    %gt3A_820 = vector.broadcast %gt3A_819 : f32 to vector<16xf32>
    %gt3A_821 = arith.cmpf ogt, %mul3A_818, %gt3A_820 : vector<16xf32>
    %jit3A_822 = arith.constant 1.000000e+00 : f32
    %jit3A_823 = arith.constant -1.000000e+00 : f32
    %broadcast_in_dim3A_824 = vector.broadcast %jit3A_822 : f32 to vector<16xf32>
    %broadcast_in_dim3A_825 = vector.broadcast %jit3A_823 : f32 to vector<16xf32>
    %select_n3A_826 = arith.select %gt3A_821, %broadcast_in_dim3A_824, %broadcast_in_dim3A_825 : vector<16xi1>, vector<16xf32>
    %swap3A_827 = arith.constant 8 : i32
    %swap3A_828 = arith.index_cast %swap3A_827 : i32 to index
    %swap3A_829 = arith.constant 16 : index
    %swap3A_830 = tpu.vector_load %arg9[%swap3A_828, %swap3A_829] {strides = array<i32>} : memref<16x32xf32, #tpu.memory_space<vmem>>, vector<1x16xf32>,
    %swap3A_831 = vector.shape_cast %swap3A_830 : vector<1x16xf32> to vector<16xf32>
    %swap3A_832 = vector.shape_cast %select_n3A_826 : vector<16xf32> to vector<1x16xf32>
    tpu.vector_store %arg9[%swap3A_828, %swap3A_829], %swap3A_832 {strides = array<i32>} : memref<16x32xf32, #tpu.memory_space<vmem>>, vector<1x16xf32>,
    %mul3A_833 = arith.mulf %scan3A_561#18, %get3A_533 : vector<16xf32>
    %gt3A_834 = arith.constant 0.000000e+00 : f32
    %gt3A_835 = vector.broadcast %gt3A_834 : f32 to vector<16xf32>
    %gt3A_836 = arith.cmpf ogt, %mul3A_833, %gt3A_835 : vector<16xf32>
    %jit3A_837 = arith.constant 1.000000e+00 : f32
    %jit3A_838 = arith.constant -1.000000e+00 : f32
    %broadcast_in_dim3A_839 = vector.broadcast %jit3A_837 : f32 to vector<16xf32>
    %broadcast_in_dim3A_840 = vector.broadcast %jit3A_838 : f32 to vector<16xf32>
    %select_n3A_841 = arith.select %gt3A_836, %broadcast_in_dim3A_839, %broadcast_in_dim3A_840 : vector<16xi1>, vector<16xf32>
    %swap3A_842 = arith.constant 9 : i32
    %swap3A_843 = arith.index_cast %swap3A_842 : i32 to index
    %swap3A_844 = arith.constant 0 : index
    %swap3A_845 = tpu.vector_load %arg9[%swap3A_843, %swap3A_844] {strides = array<i32>} : memref<16x32xf32, #tpu.memory_space<vmem>>, vector<1x16xf32>,
    %swap3A_846 = vector.shape_cast %swap3A_845 : vector<1x16xf32> to vector<16xf32>
    %swap3A_847 = vector.shape_cast %select_n3A_841 : vector<16xf32> to vector<1x16xf32>
    tpu.vector_store %arg9[%swap3A_843, %swap3A_844], %swap3A_847 {strides = array<i32>} : memref<16x32xf32, #tpu.memory_space<vmem>>, vector<1x16xf32>,
    %mul3A_848 = arith.mulf %scan3A_561#19, %get3A_538 : vector<16xf32>
    %gt3A_849 = arith.constant 0.000000e+00 : f32
    %gt3A_850 = vector.broadcast %gt3A_849 : f32 to vector<16xf32>
    %gt3A_851 = arith.cmpf ogt, %mul3A_848, %gt3A_850 : vector<16xf32>
    %jit3A_852 = arith.constant 1.000000e+00 : f32
    %jit3A_853 = arith.constant -1.000000e+00 : f32
    %broadcast_in_dim3A_854 = vector.broadcast %jit3A_852 : f32 to vector<16xf32>
    %broadcast_in_dim3A_855 = vector.broadcast %jit3A_853 : f32 to vector<16xf32>
    %select_n3A_856 = arith.select %gt3A_851, %broadcast_in_dim3A_854, %broadcast_in_dim3A_855 : vector<16xi1>, vector<16xf32>
    %swap3A_857 = arith.constant 9 : i32
    %swap3A_858 = arith.index_cast %swap3A_857 : i32 to index
    %swap3A_859 = arith.constant 16 : index
    %swap3A_860 = tpu.vector_load %arg9[%swap3A_858, %swap3A_859] {strides = array<i32>} : memref<16x32xf32, #tpu.memory_space<vmem>>, vector<1x16xf32>,
    %swap3A_861 = vector.shape_cast %swap3A_860 : vector<1x16xf32> to vector<16xf32>
    %swap3A_862 = vector.shape_cast %select_n3A_856 : vector<16xf32> to vector<1x16xf32>
    tpu.vector_store %arg9[%swap3A_858, %swap3A_859], %swap3A_862 {strides = array<i32>} : memref<16x32xf32, #tpu.memory_space<vmem>>, vector<1x16xf32>,
    %mul3A_863 = arith.mulf %scan3A_561#20, %get3A_533 : vector<16xf32>
    %gt3A_864 = arith.constant 0.000000e+00 : f32
    %gt3A_865 = vector.broadcast %gt3A_864 : f32 to vector<16xf32>
    %gt3A_866 = arith.cmpf ogt, %mul3A_863, %gt3A_865 : vector<16xf32>
    %jit3A_867 = arith.constant 1.000000e+00 : f32
    %jit3A_868 = arith.constant -1.000000e+00 : f32
    %broadcast_in_dim3A_869 = vector.broadcast %jit3A_867 : f32 to vector<16xf32>
    %broadcast_in_dim3A_870 = vector.broadcast %jit3A_868 : f32 to vector<16xf32>
    %select_n3A_871 = arith.select %gt3A_866, %broadcast_in_dim3A_869, %broadcast_in_dim3A_870 : vector<16xi1>, vector<16xf32>
    %swap3A_872 = arith.constant 10 : i32
    %swap3A_873 = arith.index_cast %swap3A_872 : i32 to index
    %swap3A_874 = arith.constant 0 : index
    %swap3A_875 = tpu.vector_load %arg9[%swap3A_873, %swap3A_874] {strides = array<i32>} : memref<16x32xf32, #tpu.memory_space<vmem>>, vector<1x16xf32>,
    %swap3A_876 = vector.shape_cast %swap3A_875 : vector<1x16xf32> to vector<16xf32>
    %swap3A_877 = vector.shape_cast %select_n3A_871 : vector<16xf32> to vector<1x16xf32>
    tpu.vector_store %arg9[%swap3A_873, %swap3A_874], %swap3A_877 {strides = array<i32>} : memref<16x32xf32, #tpu.memory_space<vmem>>, vector<1x16xf32>,
    %mul3A_878 = arith.mulf %scan3A_561#21, %get3A_538 : vector<16xf32>
    %gt3A_879 = arith.constant 0.000000e+00 : f32
    %gt3A_880 = vector.broadcast %gt3A_879 : f32 to vector<16xf32>
    %gt3A_881 = arith.cmpf ogt, %mul3A_878, %gt3A_880 : vector<16xf32>
    %jit3A_882 = arith.constant 1.000000e+00 : f32
    %jit3A_883 = arith.constant -1.000000e+00 : f32
    %broadcast_in_dim3A_884 = vector.broadcast %jit3A_882 : f32 to vector<16xf32>
    %broadcast_in_dim3A_885 = vector.broadcast %jit3A_883 : f32 to vector<16xf32>
    %select_n3A_886 = arith.select %gt3A_881, %broadcast_in_dim3A_884, %broadcast_in_dim3A_885 : vector<16xi1>, vector<16xf32>
    %swap3A_887 = arith.constant 10 : i32
    %swap3A_888 = arith.index_cast %swap3A_887 : i32 to index
    %swap3A_889 = arith.constant 16 : index
    %swap3A_890 = tpu.vector_load %arg9[%swap3A_888, %swap3A_889] {strides = array<i32>} : memref<16x32xf32, #tpu.memory_space<vmem>>, vector<1x16xf32>,
    %swap3A_891 = vector.shape_cast %swap3A_890 : vector<1x16xf32> to vector<16xf32>
    %swap3A_892 = vector.shape_cast %select_n3A_886 : vector<16xf32> to vector<1x16xf32>
    tpu.vector_store %arg9[%swap3A_888, %swap3A_889], %swap3A_892 {strides = array<i32>} : memref<16x32xf32, #tpu.memory_space<vmem>>, vector<1x16xf32>,
    %mul3A_893 = arith.mulf %scan3A_561#22, %get3A_533 : vector<16xf32>
    %gt3A_894 = arith.constant 0.000000e+00 : f32
    %gt3A_895 = vector.broadcast %gt3A_894 : f32 to vector<16xf32>
    %gt3A_896 = arith.cmpf ogt, %mul3A_893, %gt3A_895 : vector<16xf32>
    %jit3A_897 = arith.constant 1.000000e+00 : f32
    %jit3A_898 = arith.constant -1.000000e+00 : f32
    %broadcast_in_dim3A_899 = vector.broadcast %jit3A_897 : f32 to vector<16xf32>
    %broadcast_in_dim3A_900 = vector.broadcast %jit3A_898 : f32 to vector<16xf32>
    %select_n3A_901 = arith.select %gt3A_896, %broadcast_in_dim3A_899, %broadcast_in_dim3A_900 : vector<16xi1>, vector<16xf32>
    %swap3A_902 = arith.constant 11 : i32
    %swap3A_903 = arith.index_cast %swap3A_902 : i32 to index
    %swap3A_904 = arith.constant 0 : index
    %swap3A_905 = tpu.vector_load %arg9[%swap3A_903, %swap3A_904] {strides = array<i32>} : memref<16x32xf32, #tpu.memory_space<vmem>>, vector<1x16xf32>,
    %swap3A_906 = vector.shape_cast %swap3A_905 : vector<1x16xf32> to vector<16xf32>
    %swap3A_907 = vector.shape_cast %select_n3A_901 : vector<16xf32> to vector<1x16xf32>
    tpu.vector_store %arg9[%swap3A_903, %swap3A_904], %swap3A_907 {strides = array<i32>} : memref<16x32xf32, #tpu.memory_space<vmem>>, vector<1x16xf32>,
    %mul3A_908 = arith.mulf %scan3A_561#23, %get3A_538 : vector<16xf32>
    %gt3A_909 = arith.constant 0.000000e+00 : f32
    %gt3A_910 = vector.broadcast %gt3A_909 : f32 to vector<16xf32>
    %gt3A_911 = arith.cmpf ogt, %mul3A_908, %gt3A_910 : vector<16xf32>
    %jit3A_912 = arith.constant 1.000000e+00 : f32
    %jit3A_913 = arith.constant -1.000000e+00 : f32
    %broadcast_in_dim3A_914 = vector.broadcast %jit3A_912 : f32 to vector<16xf32>
    %broadcast_in_dim3A_915 = vector.broadcast %jit3A_913 : f32 to vector<16xf32>
    %select_n3A_916 = arith.select %gt3A_911, %broadcast_in_dim3A_914, %broadcast_in_dim3A_915 : vector<16xi1>, vector<16xf32>
    %swap3A_917 = arith.constant 11 : i32
    %swap3A_918 = arith.index_cast %swap3A_917 : i32 to index
    %swap3A_919 = arith.constant 16 : index
    %swap3A_920 = tpu.vector_load %arg9[%swap3A_918, %swap3A_919] {strides = array<i32>} : memref<16x32xf32, #tpu.memory_space<vmem>>, vector<1x16xf32>,
    %swap3A_921 = vector.shape_cast %swap3A_920 : vector<1x16xf32> to vector<16xf32>
    %swap3A_922 = vector.shape_cast %select_n3A_916 : vector<16xf32> to vector<1x16xf32>
    tpu.vector_store %arg9[%swap3A_918, %swap3A_919], %swap3A_922 {strides = array<i32>} : memref<16x32xf32, #tpu.memory_space<vmem>>, vector<1x16xf32>,
    %mul3A_923 = arith.mulf %scan3A_561#24, %get3A_533 : vector<16xf32>
    %gt3A_924 = arith.constant 0.000000e+00 : f32
    %gt3A_925 = vector.broadcast %gt3A_924 : f32 to vector<16xf32>
    %gt3A_926 = arith.cmpf ogt, %mul3A_923, %gt3A_925 : vector<16xf32>
    %jit3A_927 = arith.constant 1.000000e+00 : f32
    %jit3A_928 = arith.constant -1.000000e+00 : f32
    %broadcast_in_dim3A_929 = vector.broadcast %jit3A_927 : f32 to vector<16xf32>
    %broadcast_in_dim3A_930 = vector.broadcast %jit3A_928 : f32 to vector<16xf32>
    %select_n3A_931 = arith.select %gt3A_926, %broadcast_in_dim3A_929, %broadcast_in_dim3A_930 : vector<16xi1>, vector<16xf32>
    %swap3A_932 = arith.constant 12 : i32
    %swap3A_933 = arith.index_cast %swap3A_932 : i32 to index
    %swap3A_934 = arith.constant 0 : index
    %swap3A_935 = tpu.vector_load %arg9[%swap3A_933, %swap3A_934] {strides = array<i32>} : memref<16x32xf32, #tpu.memory_space<vmem>>, vector<1x16xf32>,
    %swap3A_936 = vector.shape_cast %swap3A_935 : vector<1x16xf32> to vector<16xf32>
    %swap3A_937 = vector.shape_cast %select_n3A_931 : vector<16xf32> to vector<1x16xf32>
    tpu.vector_store %arg9[%swap3A_933, %swap3A_934], %swap3A_937 {strides = array<i32>} : memref<16x32xf32, #tpu.memory_space<vmem>>, vector<1x16xf32>,
    %mul3A_938 = arith.mulf %scan3A_561#25, %get3A_538 : vector<16xf32>
    %gt3A_939 = arith.constant 0.000000e+00 : f32
    %gt3A_940 = vector.broadcast %gt3A_939 : f32 to vector<16xf32>
    %gt3A_941 = arith.cmpf ogt, %mul3A_938, %gt3A_940 : vector<16xf32>
    %jit3A_942 = arith.constant 1.000000e+00 : f32
    %jit3A_943 = arith.constant -1.000000e+00 : f32
    %broadcast_in_dim3A_944 = vector.broadcast %jit3A_942 : f32 to vector<16xf32>
    %broadcast_in_dim3A_945 = vector.broadcast %jit3A_943 : f32 to vector<16xf32>
    %select_n3A_946 = arith.select %gt3A_941, %broadcast_in_dim3A_944, %broadcast_in_dim3A_945 : vector<16xi1>, vector<16xf32>
    %swap3A_947 = arith.constant 12 : i32
    %swap3A_948 = arith.index_cast %swap3A_947 : i32 to index
    %swap3A_949 = arith.constant 16 : index
    %swap3A_950 = tpu.vector_load %arg9[%swap3A_948, %swap3A_949] {strides = array<i32>} : memref<16x32xf32, #tpu.memory_space<vmem>>, vector<1x16xf32>,
    %swap3A_951 = vector.shape_cast %swap3A_950 : vector<1x16xf32> to vector<16xf32>
    %swap3A_952 = vector.shape_cast %select_n3A_946 : vector<16xf32> to vector<1x16xf32>
    tpu.vector_store %arg9[%swap3A_948, %swap3A_949], %swap3A_952 {strides = array<i32>} : memref<16x32xf32, #tpu.memory_space<vmem>>, vector<1x16xf32>,
    %mul3A_953 = arith.mulf %scan3A_561#26, %get3A_533 : vector<16xf32>
    %gt3A_954 = arith.constant 0.000000e+00 : f32
    %gt3A_955 = vector.broadcast %gt3A_954 : f32 to vector<16xf32>
    %gt3A_956 = arith.cmpf ogt, %mul3A_953, %gt3A_955 : vector<16xf32>
    %jit3A_957 = arith.constant 1.000000e+00 : f32
    %jit3A_958 = arith.constant -1.000000e+00 : f32
    %broadcast_in_dim3A_959 = vector.broadcast %jit3A_957 : f32 to vector<16xf32>
    %broadcast_in_dim3A_960 = vector.broadcast %jit3A_958 : f32 to vector<16xf32>
    %select_n3A_961 = arith.select %gt3A_956, %broadcast_in_dim3A_959, %broadcast_in_dim3A_960 : vector<16xi1>, vector<16xf32>
    %swap3A_962 = arith.constant 13 : i32
    %swap3A_963 = arith.index_cast %swap3A_962 : i32 to index
    %swap3A_964 = arith.constant 0 : index
    %swap3A_965 = tpu.vector_load %arg9[%swap3A_963, %swap3A_964] {strides = array<i32>} : memref<16x32xf32, #tpu.memory_space<vmem>>, vector<1x16xf32>,
    %swap3A_966 = vector.shape_cast %swap3A_965 : vector<1x16xf32> to vector<16xf32>
    %swap3A_967 = vector.shape_cast %select_n3A_961 : vector<16xf32> to vector<1x16xf32>
    tpu.vector_store %arg9[%swap3A_963, %swap3A_964], %swap3A_967 {strides = array<i32>} : memref<16x32xf32, #tpu.memory_space<vmem>>, vector<1x16xf32>,
    %mul3A_968 = arith.mulf %scan3A_561#27, %get3A_538 : vector<16xf32>
    %gt3A_969 = arith.constant 0.000000e+00 : f32
    %gt3A_970 = vector.broadcast %gt3A_969 : f32 to vector<16xf32>
    %gt3A_971 = arith.cmpf ogt, %mul3A_968, %gt3A_970 : vector<16xf32>
    %jit3A_972 = arith.constant 1.000000e+00 : f32
    %jit3A_973 = arith.constant -1.000000e+00 : f32
    %broadcast_in_dim3A_974 = vector.broadcast %jit3A_972 : f32 to vector<16xf32>
    %broadcast_in_dim3A_975 = vector.broadcast %jit3A_973 : f32 to vector<16xf32>
    %select_n3A_976 = arith.select %gt3A_971, %broadcast_in_dim3A_974, %broadcast_in_dim3A_975 : vector<16xi1>, vector<16xf32>
    %swap3A_977 = arith.constant 13 : i32
    %swap3A_978 = arith.index_cast %swap3A_977 : i32 to index
    %swap3A_979 = arith.constant 16 : index
    %swap3A_980 = tpu.vector_load %arg9[%swap3A_978, %swap3A_979] {strides = array<i32>} : memref<16x32xf32, #tpu.memory_space<vmem>>, vector<1x16xf32>,
    %swap3A_981 = vector.shape_cast %swap3A_980 : vector<1x16xf32> to vector<16xf32>
    %swap3A_982 = vector.shape_cast %select_n3A_976 : vector<16xf32> to vector<1x16xf32>
    tpu.vector_store %arg9[%swap3A_978, %swap3A_979], %swap3A_982 {strides = array<i32>} : memref<16x32xf32, #tpu.memory_space<vmem>>, vector<1x16xf32>,
    %mul3A_983 = arith.mulf %scan3A_561#28, %get3A_533 : vector<16xf32>
    %gt3A_984 = arith.constant 0.000000e+00 : f32
    %gt3A_985 = vector.broadcast %gt3A_984 : f32 to vector<16xf32>
    %gt3A_986 = arith.cmpf ogt, %mul3A_983, %gt3A_985 : vector<16xf32>
    %jit3A_987 = arith.constant 1.000000e+00 : f32
    %jit3A_988 = arith.constant -1.000000e+00 : f32
    %broadcast_in_dim3A_989 = vector.broadcast %jit3A_987 : f32 to vector<16xf32>
    %broadcast_in_dim3A_990 = vector.broadcast %jit3A_988 : f32 to vector<16xf32>
    %select_n3A_991 = arith.select %gt3A_986, %broadcast_in_dim3A_989, %broadcast_in_dim3A_990 : vector<16xi1>, vector<16xf32>
    %swap3A_992 = arith.constant 14 : i32
    %swap3A_993 = arith.index_cast %swap3A_992 : i32 to index
    %swap3A_994 = arith.constant 0 : index
    %swap3A_995 = tpu.vector_load %arg9[%swap3A_993, %swap3A_994] {strides = array<i32>} : memref<16x32xf32, #tpu.memory_space<vmem>>, vector<1x16xf32>,
    %swap3A_996 = vector.shape_cast %swap3A_995 : vector<1x16xf32> to vector<16xf32>
    %swap3A_997 = vector.shape_cast %select_n3A_991 : vector<16xf32> to vector<1x16xf32>
    tpu.vector_store %arg9[%swap3A_993, %swap3A_994], %swap3A_997 {strides = array<i32>} : memref<16x32xf32, #tpu.memory_space<vmem>>, vector<1x16xf32>,
    %mul3A_998 = arith.mulf %scan3A_561#29, %get3A_538 : vector<16xf32>
    %gt3A_999 = arith.constant 0.000000e+00 : f32
    %gt3A_1000 = vector.broadcast %gt3A_999 : f32 to vector<16xf32>
    %gt3A_1001 = arith.cmpf ogt, %mul3A_998, %gt3A_1000 : vector<16xf32>
    %jit3A_1002 = arith.constant 1.000000e+00 : f32
    %jit3A_1003 = arith.constant -1.000000e+00 : f32
    %broadcast_in_dim3A_1004 = vector.broadcast %jit3A_1002 : f32 to vector<16xf32>
    %broadcast_in_dim3A_1005 = vector.broadcast %jit3A_1003 : f32 to vector<16xf32>
    %select_n3A_1006 = arith.select %gt3A_1001, %broadcast_in_dim3A_1004, %broadcast_in_dim3A_1005 : vector<16xi1>, vector<16xf32>
    %swap3A_1007 = arith.constant 14 : i32
    %swap3A_1008 = arith.index_cast %swap3A_1007 : i32 to index
    %swap3A_1009 = arith.constant 16 : index
    %swap3A_1010 = tpu.vector_load %arg9[%swap3A_1008, %swap3A_1009] {strides = array<i32>} : memref<16x32xf32, #tpu.memory_space<vmem>>, vector<1x16xf32>,
    %swap3A_1011 = vector.shape_cast %swap3A_1010 : vector<1x16xf32> to vector<16xf32>
    %swap3A_1012 = vector.shape_cast %select_n3A_1006 : vector<16xf32> to vector<1x16xf32>
    tpu.vector_store %arg9[%swap3A_1008, %swap3A_1009], %swap3A_1012 {strides = array<i32>} : memref<16x32xf32, #tpu.memory_space<vmem>>, vector<1x16xf32>,
    %mul3A_1013 = arith.mulf %scan3A_561#30, %get3A_533 : vector<16xf32>
    %gt3A_1014 = arith.constant 0.000000e+00 : f32
    %gt3A_1015 = vector.broadcast %gt3A_1014 : f32 to vector<16xf32>
    %gt3A_1016 = arith.cmpf ogt, %mul3A_1013, %gt3A_1015 : vector<16xf32>
    %jit3A_1017 = arith.constant 1.000000e+00 : f32
    %jit3A_1018 = arith.constant -1.000000e+00 : f32
    %broadcast_in_dim3A_1019 = vector.broadcast %jit3A_1017 : f32 to vector<16xf32>
    %broadcast_in_dim3A_1020 = vector.broadcast %jit3A_1018 : f32 to vector<16xf32>
    %select_n3A_1021 = arith.select %gt3A_1016, %broadcast_in_dim3A_1019, %broadcast_in_dim3A_1020 : vector<16xi1>, vector<16xf32>
    %swap3A_1022 = arith.constant 15 : i32
    %swap3A_1023 = arith.index_cast %swap3A_1022 : i32 to index
    %swap3A_1024 = arith.constant 0 : index
    %swap3A_1025 = tpu.vector_load %arg9[%swap3A_1023, %swap3A_1024] {strides = array<i32>} : memref<16x32xf32, #tpu.memory_space<vmem>>, vector<1x16xf32>,
    %swap3A_1026 = vector.shape_cast %swap3A_1025 : vector<1x16xf32> to vector<16xf32>
    %swap3A_1027 = vector.shape_cast %select_n3A_1021 : vector<16xf32> to vector<1x16xf32>
    tpu.vector_store %arg9[%swap3A_1023, %swap3A_1024], %swap3A_1027 {strides = array<i32>} : memref<16x32xf32, #tpu.memory_space<vmem>>, vector<1x16xf32>,
    %mul3A_1028 = arith.mulf %scan3A_561#31, %get3A_538 : vector<16xf32>
    %gt3A_1029 = arith.constant 0.000000e+00 : f32
    %gt3A_1030 = vector.broadcast %gt3A_1029 : f32 to vector<16xf32>
    %gt3A_1031 = arith.cmpf ogt, %mul3A_1028, %gt3A_1030 : vector<16xf32>
    %jit3A_1032 = arith.constant 1.000000e+00 : f32
    %jit3A_1033 = arith.constant -1.000000e+00 : f32
    %broadcast_in_dim3A_1034 = vector.broadcast %jit3A_1032 : f32 to vector<16xf32>
    %broadcast_in_dim3A_1035 = vector.broadcast %jit3A_1033 : f32 to vector<16xf32>
    %select_n3A_1036 = arith.select %gt3A_1031, %broadcast_in_dim3A_1034, %broadcast_in_dim3A_1035 : vector<16xi1>, vector<16xf32>
    %swap3A_1037 = arith.constant 15 : i32
    %swap3A_1038 = arith.index_cast %swap3A_1037 : i32 to index
    %swap3A_1039 = arith.constant 16 : index
    %swap3A_1040 = tpu.vector_load %arg9[%swap3A_1038, %swap3A_1039] {strides = array<i32>} : memref<16x32xf32, #tpu.memory_space<vmem>>, vector<1x16xf32>,
    %swap3A_1041 = vector.shape_cast %swap3A_1040 : vector<1x16xf32> to vector<16xf32>
    %swap3A_1042 = vector.shape_cast %select_n3A_1036 : vector<16xf32> to vector<1x16xf32>
    tpu.vector_store %arg9[%swap3A_1038, %swap3A_1039], %swap3A_1042 {strides = array<i32>} : memref<16x32xf32, #tpu.memory_space<vmem>>, vector<1x16xf32>,
    %sub3A_1043 = arith.constant 0 : i32
    %sub3A_1044 = arith.subi %add3A_528, %sub3A_1043 : i32
    "tpu.region"() ({
      %run_scoped3A = tpu.sem_alloc : memref<!tpu.dma_semaphore, #tpu.memory_space<semaphore_mem>>
      %dma_start3A = arith.constant 0 : i32
      %dma_start3A_1045 = tpu.memref_slice %arg5[%dma_start3A, %sub3A_1044] : memref<16x2048xf32, #tpu.memory_space<hbm>> -> memref<16x32xf32, #tpu.memory_space<hbm>>
      %dma_start3A_1046 = arith.constant 0 : i32
      %dma_start3A_1047 = tpu.memref_slice %arg5[%dma_start3A_1046, %sub3A_1044] : memref<16x2048xf32, #tpu.memory_space<hbm>> -> memref<16x32xf32, #tpu.memory_space<hbm>>
      tpu.enqueue_dma source(%arg9 : memref<16x32xf32, #tpu.memory_space<vmem>>) target(%dma_start3A_1047 : memref<16x32xf32, #tpu.memory_space<hbm>>) target_semaphore(%run_scoped3A : memref<!tpu.dma_semaphore, #tpu.memory_space<semaphore_mem>>)
      %dma_wait3A = arith.constant 0 : i32
      %dma_wait3A_1048 = tpu.memref_slice %arg5[%dma_wait3A, %sub3A_1044] : memref<16x2048xf32, #tpu.memory_space<hbm>> -> memref<16x32xf32, #tpu.memory_space<hbm>>
      %dma_wait3A_1049 = arith.constant 0 : i32
      %dma_wait3A_1050 = tpu.memref_slice %arg5[%dma_wait3A_1049, %sub3A_1044] : memref<16x2048xf32, #tpu.memory_space<hbm>> -> memref<16x32xf32, #tpu.memory_space<hbm>>
      tpu.wait_dma2 semaphore(%run_scoped3A : memref<!tpu.dma_semaphore, #tpu.memory_space<semaphore_mem>>) src(%arg9 : memref<16x32xf32, #tpu.memory_space<vmem>>) dst(%dma_wait3A_1050 : memref<16x32xf32, #tpu.memory_space<hbm>>)
      tpu.yield
    }) : () -> ()
    return
  }
}

</mosaic_0001>

<sc_bundles>
// kernel: kernel.3.cloned.1.call-start
scs
__scs_entry_jumppad:
0x0: {  	(pc) =	sbr.rel $0x88, $3  }
0x1: {  	(tag) =	ssettag $0x0;
	lr =	simm.s32 $0x1  }
0x2: {  	[smem:$0x3F9E] =	sst lr;
	_ =	strace $0xD0000000  }
0x3: {  	_ = 	snop  }
0x4: {  	_ = 	snop  }
0x5: {  	_ = 	snop  }
0x6: {  	_ = 	snop  }
0x7: {  	_ = 	snop  }
__scs_overlays_trampoline_lowered:
0x8: {  	[smem:$0x3FAD] =	sst s0  }
0x9: {  	[smem:$0x3FAE] =	sst s1  }
0xa: {  	[smem:$0x3FAF] =	sst s2  }
0xb: {  	[smem:$0x3FB0] =	sst s3  }
0xc: {  	[smem:$0x3FB1] =	sst s4  }
0xd: {  	[smem:$0x3FB2] =	sst s5  }
0xe: {  	[smem:$0x3FB3] =	sst s6  }
0xf: {  	[smem:$0x3FB4] =	sst s7  }
0x10: {  	[smem:$0x3FB5] =	sst s8  }
0x11: {  	[smem:$0x3FB6] =	sst s9;
	s0 =	simm.s32 @!p0 $0x0  }
0x12: {  	s1 =	sld [smem:$0x3F9C];
	s0 =	simm.s32 @p0 $0x1  }
0x13: {  	[smem:$0x3FB7] =	sst s0;
	s0 =	simm.s32 @!p1 $0x0  }
0x14: {  	s2 =	sld [smem:$0x3F9B];
	s0 =	simm.s32 @p1 $0x1  }
0x15: {  	[smem:$0x3FB8] =	sst s0;
	s0 =	simm.s32 @!p2 $0x0  }
0x16: {  	s3 =	sld [smem:$0x3FDB];
	s0 =	simm.s32 @p2 $0x1  }
0x17: {  	s4 =	simm.s32 $0x1BF5;
	[smem:$0x3FBA] =	sst s0  }
0x18: {  	s0 =	sld [smem:$0x3F9D];
	_ =	swait.ge [sflag:s4], $0x0  }
0x19: {  	s7 =	sld [smem:$0x3F9E]  }
0x1a: {  	s8 =	sadd.s32 $0xFFFFE003, lr  }
0x1b: {  	s9 =	sadd.s32 $0xFFFFFEF7, lr;
	s5 =	simm.s32 $0xFFFFFFFF;
	p2 =	slt.u32 s8, $0xFFFFF086  }
0x1c: {  	p1 =	slt.u32 s9, $0xF7A;
	s5 =	simm.s32 @!p2 $0x0  }
0x1d: {  	s5 =	simm.s32 @p1 $0x1;
	p0 =	seq.s32 s7, s2  }
0x1e: {  	s7 =	smul.u32 @!p0 $0xF7A, s2;
	p2 =	seq.s32 @!p0 s5, $0x0  }
0x1f: {  	s9 =	smul.u32 $0xF7A, s1;
	s8 =	simm.s32 @!p0 $0x1BF5;
	p2 =	por !p2, p0  }
0x20: {  	[sflag:s8] =	ssyncset.s32 @!p0 $0xFFFFF086;
	s6 =	sadd.s32 @!p0 s3, s7;
	s7 =	simm.s32 @!p0 $0x108  }
0x21: {  	s3 =	sadd.s32 s3, s9;
	s6 =	sadd.s32 @!p0 $0x88, s6;
	s7 =	simm.s32 @p2 $0x1082  }
0x22: {  	[simem:s7], [sflag:s8] =	dma.local @!p0 [hbm:s6], $0xF7A  }
0x23: {  	s9 =	sor.u32 $0xD0000000, s2;
	s6 =	simm.s32 $0x108;
	_ =	swait.ge @!p0 [sflag:s8], $0x0  }
0x24: {  	s3 =	sadd.s32 $0x88, s3;
	s6 =	simm.s32 @!p1 $0x1082;
	[sflag:s4] =	ssyncset.s32 $0xFFFFF086  }
0x25: {  	[simem:s6], [sflag:s4] =	dma.local [hbm:s3], $0xF7A  }
0x26: {  	[smem:$0x3F9E] =	sst s1;
	(tag) =	ssettag s2;
	_ =	strace s9  }
0x27: {  	s1 =	sld [smem:$0x3FAE]  }
0x28: {  	s2 =	sld [smem:$0x3FAF]  }
0x29: {  	s4 =	sld [smem:$0x3FB1]  }
0x2a: {  	p0 =	seq.s32 s5, $0x0;
	s5 =	sld [smem:$0x3FB2]  }
0x2b: {  	s6 =	sld [smem:$0x3FB3]  }
0x2c: {  	s7 =	sld [smem:$0x3FB4]  }
0x2d: {  	s3 =	simm.s32 $0x108;
	s8 =	sld [smem:$0x3FB5]  }
0x2e: {  	s3 =	simm.s32 @!p0 $0x1082;
	s9 =	sld [smem:$0x3FB6]  }
0x2f: {  	lr =	sadd.s32 s0, s3;
	s0 =	sld [smem:$0x3FAD]  }
0x30: {  	s3 =	sld [smem:$0x3FB0]  }
0x31: {  	[smem:$0x3FB9] =	sst s10  }
0x32: {  	s10 =	sld [smem:$0x3FB7];
	_ =	sdelay $0x3  }
0x33: {  	p0 =	seq.s32 s10, $0x1;
	s10 =	sld [smem:$0x3FB9];
	_ =	sdelay $0x3  }
0x34: {  	[smem:$0x3FB9] =	sst s10  }
0x35: {  	s10 =	sld [smem:$0x3FB8];
	_ =	sdelay $0x3  }
0x36: {  	p1 =	seq.s32 s10, $0x1;
	s10 =	sld [smem:$0x3FB9];
	_ =	sdelay $0x3  }
0x37: {  	[smem:$0x3FB9] =	sst s10  }
0x38: {  	s10 =	sld [smem:$0x3FBA]  }
0x39: {  	_ = 	snop;
	(pc) =	sbr.ind lr, $3  }
0x3a: {  	_ = 	snop  }
0x3b: {  	_ = 	snop  }
0x3c: {  	p2 =	seq.s32 s10, $0x1;
	s10 =	sld [smem:$0x3FB9]  }
0x3d: {  	_ =	shalt  }
0x3e: {  	_ =	shalt  }
0x3f: {  	_ =	shalt  }
0x40: {  	_ =	shalt  }
0x41: {  	_ =	shalt  }
0x42: {  	_ =	shalt  }
0x43: {  	_ =	shalt  }
0x44: {  	_ =	shalt  }
0x45: {  	_ =	shalt  }
0x46: {  	_ =	shalt  }
0x47: {  	_ =	shalt  }
0x48: {  	_ =	shalt  }
0x49: {  	_ =	shalt  }
0x4a: {  	_ =	shalt  }
0x4b: {  	_ =	shalt  }
0x4c: {  	_ =	shalt  }
0x4d: {  	_ =	shalt  }
0x4e: {  	_ =	shalt  }
0x4f: {  	_ =	shalt  }
0x50: {  	_ =	shalt  }
0x51: {  	_ =	shalt  }
0x52: {  	_ =	shalt  }
0x53: {  	_ =	shalt  }
0x54: {  	_ =	shalt  }
0x55: {  	_ =	shalt  }
0x56: {  	_ =	shalt  }
0x57: {  	_ =	shalt  }
0x58: {  	_ =	shalt  }
0x59: {  	_ =	shalt  }
0x5a: {  	_ =	shalt  }
0x5b: {  	_ =	shalt  }
0x5c: {  	_ =	shalt  }
0x5d: {  	_ =	shalt  }
0x5e: {  	_ =	shalt  }
0x5f: {  	_ =	shalt  }
0x60: {  	_ =	shalt  }
0x61: {  	_ =	shalt  }
0x62: {  	_ =	shalt  }
0x63: {  	_ =	shalt  }
0x64: {  	_ =	shalt  }
0x65: {  	_ =	shalt  }
0x66: {  	_ =	shalt  }
0x67: {  	_ =	shalt  }
0x68: {  	_ =	shalt  }
0x69: {  	_ =	shalt  }
0x6a: {  	_ =	shalt  }
0x6b: {  	_ =	shalt  }
0x6c: {  	_ =	shalt  }
0x6d: {  	_ =	shalt  }
0x6e: {  	_ =	shalt  }
0x6f: {  	_ =	shalt  }
0x70: {  	_ =	shalt  }
0x71: {  	_ =	shalt  }
0x72: {  	_ =	shalt  }
0x73: {  	_ =	shalt  }
0x74: {  	_ =	shalt  }
0x75: {  	_ =	shalt  }
0x76: {  	_ =	shalt  }
0x77: {  	_ =	shalt  }
0x78: {  	_ =	shalt  }
0x79: {  	_ =	shalt  }
0x7a: {  	_ =	shalt  }
0x7b: {  	_ =	shalt  }
0x7c: {  	_ =	shalt  }
0x7d: {  	_ =	shalt  }
0x7e: {  	_ =	shalt  }
0x7f: {  	_ =	shalt  }
0x80: {  	_ =	shalt  }
0x81: {  	_ =	shalt  }
0x82: {  	_ =	shalt  }
0x83: {  	_ =	shalt  }
0x84: {  	_ =	shalt  }
0x85: {  	_ =	shalt  }
0x86: {  	_ =	shalt  }
0x87: {  	_ =	shalt  }
.Lfunc_end0:
.L_simem_size_0:
called_computation_lowered:
.L_overlay_start_0:
0x88: {  	s2 =	sld [smem:$0x3FD9]  }
0x89: {  	s3 =	sld [smem:$0x3FFE];
	_ =	sdelay $0x1  }
0x8a: {  	s1 =	srdreg.scid  }
0x8b: {  	s0 =	sand.u32 $0x1, s1  }
0x8c: {  	s16 =	sshll.u32 s0, $0xA;
	s2 =	sadd.s32 s3, s2  }
0x8d: {  	s2 =	sadd.s32 s2, s16  }
0x8e: {  	[smem:$0x3FC5] =	sst s2  }
0x8f: {  	_ = 	snop  }
0x90: {  	(tm) =	ssettm $0x1  }
0x91: {  	s17 =	sld [smem:$0x3FFB];
	_ =	sdelay $0x3  }
0x92: {  	_ =	strace s17  }
0x93: {  	s2 =	sld [smem:$0x3FFC];
	_ =	sdelay $0x3  }
0x94: {  	_ =	strace s2  }
0x95: {  	s2 =	sld [smem:$0x3FFD];
	_ =	sdelay $0x3  }
0x96: {  	_ =	strace s2  }
0x97: {  	_ =	strace $0x8FFFFFFF  }
0x98: {  	s18 =	sld [smem:$0x3FDB];
	_ =	sdelay $0x1  }
0x99: {  	s19 =	simm.s32 $_scs_section_size  }
0x9a: {  	s4 =	simm.s32 $_size__tile_overlayer_lowered;
	s5 =	simm.s32 $_tile_overlayer_lowered  }
0x9b: {  	s22 =	simm.s32 $0x1BFF;
	s21 =	sshll.u32 s5, $0x1;
	s2 =	sadd.s32 s19, s18  }
0x9c: {  	s6 =	simm.s32 $0x0;
	s20 =	sshll.u32 s4, $0x1;
	s4 =	sadd.s32 s21, s2  }
0x9d: {  	[timem:s6], [sflag:s22] =	dma.local [hbm:s4], s20  }
0x9e: {  	_ =	swait.ge [sflag:s22], s20  }
0x9f: {  	s3 =	ssub.s32 $0x0, s20;
	[sflag:s22] =	ssyncset.done $0x0  }
0xa0: {  	[sflag:s22] =	ssyncadd.s32 s3;
	_ =	sdelay $0x1  }
0xa1: {  	s23 =	simm.s32 $0x1B8B  }
0xa2: {  	_ =	swait.ge [sflag:s23], $0x1  }
0xa3: {  	[sflag:s23] =	ssyncset.done $0x0  }
0xa4: {  	s25 =	simm.s32 $0x1B8E;
	s24 =	sld [smem:$0x3FFE];
	[sflag:s23] =	ssyncadd.s32 $0xFFFFFFFF  }
0xa5: {  	s26 =	simm.s32 $execute0_lowered;
	[smem:$0x3FD2] =	sst s25  }
0xa6: {  	s4 =	sshll.u32 s26, $0x1;
	_ =	strace $0x80000046;
	[dreg:$0x1] =	wrdreg $0xFFFFFFFF  }
0xa7: {  	s28 =	simm.s32 $_size_execute0_lowered;
	s2 =	sadd.s32 s2, s4;
	[dreg:$0x0] =	wrdreg $0x0  }
0xa8: {  	s4 =	sshll.u32 s28, $0x1;
	[dreg:$0x2] =	wrdreg s2  }
0xa9: {  	[dreg:$0x3] =	wrdreg s4  }
0xaa: {  	[dreg:$0x4] =	wrdreg $0xC0  }
0xab: {  	_ =	task [dreg:s6], $0x5FFFF  }
0xac: {  	[dreg:$0x1] =	wrdreg $0xFFFFFFFF  }
0xad: {  	[dreg:$0x0] =	wrdreg $0x60  }
0xae: {  	[dreg:$0x2] =	wrdreg s24  }
0xaf: {  	[dreg:$0x3] =	wrdreg $0x9  }
0xb0: {  	_ =	task.clear_ibuf [dreg:s6], $0x4FFFF;
	_ =	strace $0x90000046  }
0xb1: {  	s29 =	simm.s32 $0x9;
	_ =	strace $0x80000048  }
0xb2: {  	_ =	swait.ge [sflag:s29], $0x1  }
0xb3: {  	[sflag:s29] =	ssyncadd.s32 $0xFFFFFFFF  }
0xb4: {  	_ =	strace $0x90000048  }
0xb5: {  	_ =	sfence  }
0xb6: {  	s30 =	sld [smem:$0x0];
	_ =	sdelay $0x2  }
0xb7: {  	s31 =	sshll.u32 s1, $0xD;
	s1 =	sshrl.u32 s1, $0x2  }
0xb8: {  	s3 =	sand.u32 $0x4000, s31;
	s1 =	sadd.s32 s1, s30  }
0xb9: {  	s0 =	sor.u32 s3, s0;
	s1 =	sshll.u32 s1, $0x11  }
0xba: {  	s0 =	sor.u32 s1, s0  }
0xbb: {  	s0 =	sadd.s32 $0x8F2B, s0  }
0xbc: {  	[sflag:s0] =	ssyncadd.remote.s32 $0x1  }
0xbd: {  	_ =	sfence.sel $0xFFFF  }
0xbe: {  	[dreg:$0x0] =	wrdreg $0xFFFFFFFF;
	(pc) =	sbr.abs _section_cstart, $3  }
0xbf: {  	[dreg:$0x1] =	wrdreg $0xFFFFFFFF  }
0xc0: {  	_ =	task.clear_ibuf [dreg:s6], $0x2FFFF;
	_ =	strace $0x9FFFFFFF  }
0xc1: {  	(tm) =	ssettm $0x7FFFFFFF  }
tec
execute0_lowered:
.L_overlay_start_1:
0x0: {  	(tag) =	ssettag $0x1  }
0x1: {  	s4 =	rddreg [dreg:$0x0]  }
0x2: {  	s0 =	rddreg [dreg:$0x1];
	s1 =	simm.s32 $0x0;
	s5 =	srdreg.scid  }
0x3: {  	s2 =	stileid.u32;
	s16 =	simm.s32 $0x20;
	s17 =	simm.s32 $0x800  }
0x4: {  	s18 =	simm.s32 $0x14000;
	s19 =	simm.s32 $0xC000;
	s20 =	simm.s32 $0x16000  }
0x5: {  	s21 =	simm.s32 $0x0;
	[smem:$0x7FF] =	sst s1;
	s3 =	sadd.s32 $0x600, s4  }
0x6: {  	s9 =	sadd.s32 $0x1E00, s4;
	s5 =	sand.u32 $0x1, s5;
	s7 =	sshll.u32 s2, $0x3  }
0x7: {  	s10 =	sadd.s32 $0x11E00, s4;
	s6 =	ssub.s32 $0x2, s5;
	s5 =	sshll.u32 s5, $0x2  }
0x8: {  	s13 =	sadd.s32 $0xD1E00, s4;
	s8 =	sshrl.u32 s6, $0x1;
	s11 =	sor.u32 s5, s7  }
0x9: {  	_ =	strace $0x80000047;
	s14 =	ssub.s32 s6, s8;
	s4 =	sadd.s32 s10, s11  }
0xa: {  	s5 =	sadd.s32 s9, s11;
	s15 =	sor.u32 $0x80, s11;
	s8 =	sadd.s32 s13, s11  }
0xb: {  	s6 =	sadd.s32 $0x40000, s4;
	s7 =	sadd.s32 $0x80000, s4;
	s9 =	sadd.s32 s9, s15  }
0xc: {  	s10 =	sadd.s32 s10, s15;
	s11 =	sadd.s32 $0x40080, s4;
	s12 =	sadd.s32 $0x80080, s4  }
0xd: {  	v0 =	vimm.f32 $0.0e+00;
	v1 =	vimm.f32 $-1.000000000e+00;
	s13 =	sadd.s32 s13, s15;
	s14 =	smax.u32 s14, $0x1;
	s15 =	simm.s32 $0x1  }
.LBB2_1:
0xe: {  	[tilespmem:s1], [sflag:$0x1] =	stream.linear.gather [hbm4b:s3+s1], $0xC000, $0x38;
	[tilespmem:$0x16200] =	vst v63  }
0xf: {  	_ =	swait.ge [sflag:s15], $0xC000  }
0x10: {  	[sflag:s15] =	ssyncset.done $0x0  }
0x11: {  	s22 =	simm.s32 $0x0;
	s23 =	simm.s32 $0x40;
	[sflag:s15] =	ssyncadd.s32 $0xFFFF4000  }
.LBB2_2:
0x12: {  	p0 =	sne.s32 s23, $0x2FFC0;
	v2 =	vld [tilespmem:s22+$0x0];
	_ =	sdelay $0x4  }
0x13: {  	v2 =	vmul.f32 $2.550000000e+02, v2;
	_ =	sdelay $0x1  }
0x14: {  	v3 =	vtrunc.f32 v2  }
0x15: {  	v3 =	vcvt.f32.s32 v3;
	_ =	sdelay $0x1  }
0x16: {  	v4 =	vcvt.s32.f32 v3;
	_ =	sdelay $0x1  }
0x17: {  	v2 =	vsub.f32 v2, v4  }
0x18: {  	v3 =	vand.u32 $0x1, v3  }
0x19: {  	vm1 =	veq.s32 v3, $0x1;
	vm0 =	veq.f32 v2, $5.000000000e-01  }
0x1a: {  	vm2 =	vgt.f32 v2, $5.000000000e-01;
	vm0 =	vmand vm0, vm1  }
0x1b: {  	vm0 =	vmor vm2, vm0  }
0x1c: {  	v2 =	vsel vm0, $0x3F800000, v0  }
.Ltmp0:
0x1d: {  	v2 =	vadd.f32 v4, v2;
	(pc) =	sbr.rel @p0 .LBB2_2-.Ltmp0, $4  }
0x1e: {  	_ = 	snop  }
0x1f: {  	v2 =	vmax.f32 v2, $0.0e+00  }
0x20: {  	v2 =	vmin.f32 v2, $2.550000000e+02  }
0x21: {  	[tilespmem:s22+$0x0] =	vst v2;
	s22 =	sshra.s32 s23, $0x2;
	s23 =	sadd.s32 $0x40, s23  }
0x22: {  	v2 =	vld [tilespmem:s22+$0x0];
	_ =	sdelay $0x4  }
0x23: {  	v2 =	vmul.f32 $2.550000000e+02, v2;
	_ =	sdelay $0x1  }
0x24: {  	v3 =	vtrunc.f32 v2  }
0x25: {  	v3 =	vcvt.f32.s32 v3;
	_ =	sdelay $0x1  }
0x26: {  	v4 =	vcvt.s32.f32 v3;
	_ =	sdelay $0x1  }
0x27: {  	v2 =	vsub.f32 v2, v4  }
0x28: {  	v3 =	vand.u32 $0x1, v3  }
0x29: {  	vm1 =	veq.s32 v3, $0x1;
	vm0 =	veq.f32 v2, $5.000000000e-01  }
0x2a: {  	vm2 =	vgt.f32 v2, $5.000000000e-01;
	vm0 =	vmand vm0, vm1  }
0x2b: {  	vm0 =	vmor vm2, vm0  }
0x2c: {  	v2 =	vsel vm0, $0x3F800000, v0  }
0x2d: {  	v2 =	vadd.f32 v4, v2;
	_ =	sdelay $0x1  }
0x2e: {  	v2 =	vmax.f32 v2, $0.0e+00  }
0x2f: {  	v2 =	vmin.f32 v2, $2.550000000e+02  }
0x30: {  	[tilespmem:s22+$0x0] =	vst v2  }
0x31: {  	[tilespmem:s18], [sflag:$0x1] =	stream.strided.gather [hbm4b:s5+s16], $0x2000, s17, s16, $0x38;
	[tilespmem:$0x16200] =	vst v63  }
0x32: {  	_ =	swait.ge [sflag:s15], $0x2000  }
0x33: {  	[sflag:s15] =	ssyncset.done $0x0  }
0x34: {  	[sflag:s15] =	ssyncadd.s32 $0xFFFFE000  }
0x35: {  	v3 =	vld [tilespmem:$0x14000]  }
0x36: {  	s23 =	simm.s32 $0x0;
	v2 =	vld [tilespmem:$0x14010]  }
0x37: {  	v6 =	vld [tilespmem:s23+$0x14010]  }
0x38: {  	v5 =	vimm.f32 $0.0e+00;
	v4 =	vimm.f32 $0.0e+00;
	s22 =	simm.s32 $0x80;
	v7 =	vld [tilespmem:s23+$0x14000]  }
.LBB2_4:
0x39: {  	_ = 	snop  }
0x3a: {  	p0 =	sne.s32 s22, $0x7F80  }
.Ltmp1:
0x3b: {  	_ = 	snop;
	(pc) =	sbr.rel @p0 .LBB2_4-.Ltmp1, $4  }
0x3c: {  	_ = 	snop  }
0x3d: {  	s23 =	sshra.s32 s22, $0x2;
	vm0 =	veq.f32 v6, v2;
	vm1 =	veq.f32 v7, v3  }
0x3e: {  	v6 =	vld [tilespmem:s23+$0x14010];
	v8 =	vsel vm0, $0x3F800000, v0;
	v9 =	vsel vm1, $0x3F800000, v0  }
0x3f: {  	s22 =	sadd.s32 $0x80, s22;
	v7 =	vld [tilespmem:s23+$0x14000];
	v4 =	vadd.f32 v8, v4;
	v5 =	vadd.f32 v9, v5  }
0x40: {  	[tilespmem:s19], [sflag:$0x1] =	stream.strided.gather [hbm4b:s4+s16], $0x8000, s17, s16, $0x38;
	[tilespmem:$0x16200] =	vst v63  }
0x41: {  	_ =	swait.ge [sflag:s15], $0x8000  }
0x42: {  	[sflag:s15] =	ssyncset.done $0x0  }
0x43: {  	s22 =	simm.s32 $0x0;
	[sflag:s15] =	ssyncadd.s32 $0xFFFF8000  }
0x44: {  	v15 =	vld [tilespmem:s22+$0x0];
	_ =	sdelay $0x1  }
0x45: {  	v27 =	vimm.f32 $0.0e+00;
	v28 =	vimm.f32 $0.0e+00;
	v29 =	vimm.f32 $0.0e+00  }
0x46: {  	v30 =	vimm.f32 $0.0e+00;
	v31 =	vimm.f32 $0.0e+00;
	vm0 =	veq.f32 v6, v2  }
0x47: {  	v32 =	vimm.f32 $0.0e+00;
	vm1 =	veq.f32 v7, v3;
	v6 =	vsel vm0, $0x3F800000, v0  }
0x48: {  	s22 =	simm.s32 $0xC010;
	v7 =	vsel vm1, $0x3F800000, v0;
	v4 =	vadd.f32 v6, v4;
	v6 =	vbroadcast v15, $0x0  }
0x49: {  	v37 =	vld [tilespmem:s22+$0xFFFFFFF0];
	v5 =	vadd.f32 v7, v5;
	v7 =	vbroadcast v15, $0x5;
	v14 =	vbroadcast v15, $0x2  }
0x4a: {  	v33 =	vimm.f32 $0.0e+00;
	v36 =	vld [tilespmem:s22+$0x0];
	v8 =	vbroadcast v15, $0x9;
	v10 =	vbroadcast v15, $0x4  }
0x4b: {  	v34 =	vimm.f32 $0.0e+00;
	v17 =	vbroadcast v15, $0xD;
	v16 =	vbroadcast v15, $0x3  }
0x4c: {  	v35 =	vimm.f32 $0.0e+00;
	v18 =	vbroadcast v15, $0x6;
	v11 =	vbroadcast v15, $0x8  }
0x4d: {  	v41 =	vimm.f32 $0.0e+00;
	v9 =	vbroadcast v15, $0xC;
	v12 =	vbroadcast v15, $0xA  }
0x4e: {  	v40 =	vimm.f32 $0.0e+00;
	v19 =	vbroadcast v15, $0x7;
	v43 =	vbroadcast v15, $0xB  }
0x4f: {  	v42 =	vbroadcast v15, $0xE;
	v38 =	vsub.f32 $0.0e+00, v37;
	v39 =	vsub.f32 $0.0e+00, v36  }
0x50: {  	vm0 =	vge.f32 v7, v4;
	vm1 =	vge.f32 v6, v4;
	vm6 =	vge.f32 v10, v4  }
0x51: {  	vm2 =	vge.f32 v17, v5;
	vm4 =	vge.f32 v8, v4;
	vm3 =	vge.f32 v9, v4  }
0x52: {  	vm5 =	vge.f32 v8, v5;
	vm7 =	vge.f32 v12, v5;
	vm8 =	vge.f32 v9, v5  }
0x53: {  	vm12 =	vge.f32 v12, v4;
	vm9 =	vge.f32 v18, v4;
	vm13 =	vge.f32 v11, v4  }
0x54: {  	vm10 =	vge.f32 v19, v5;
	vm11 =	vge.f32 v16, v4;
	vm15 =	vge.f32 v17, v4  }
0x55: {  	v8 =	vsel vm4, v39, v36;
	v13 =	vsel vm5, v38, v37;
	v9 =	vsel vm8, v38, v37  }
0x56: {  	vm5 =	vge.f32 v10, v5;
	v21 =	vsel vm7, v38, v37;
	vm4 =	vge.f32 v6, v5  }
0x57: {  	v6 =	vsel vm9, v39, v36;
	v20 =	vsel vm12, v39, v36;
	vm7 =	vge.f32 v14, v5  }
0x58: {  	vm8 =	vge.f32 v14, v4;
	vm9 =	vge.f32 v16, v5;
	vm12 =	vge.f32 v7, v5  }
0x59: {  	v44 =	vsel vm3, v39, v36;
	v45 =	vsel vm0, v39, v36;
	vm3 =	vge.f32 v18, v5  }
0x5a: {  	v47 =	vsel vm2, v38, v37;
	v8 =	vadd.f32 v8, v27;
	v9 =	vadd.f32 v9, v27  }
0x5b: {  	v12 =	vsel vm5, v38, v37;
	v10 =	vadd.f32 v6, v27;
	vm5 =	vge.f32 v11, v5  }
0x5c: {  	v6 =	vbroadcast v15, $0xF;
	v11 =	vadd.f32 v13, v27;
	v13 =	vsel vm6, v39, v36  }
0x5d: {  	vm6 =	vge.f32 v19, v4;
	v7 =	vsel vm9, v38, v37;
	v19 =	vsel vm11, v39, v36  }
0x5e: {  	v22 =	vsel vm8, v39, v36;
	v23 =	vsel vm7, v38, v37;
	v16 =	vadd.f32 v20, v27  }
0x5f: {  	v21 =	vadd.f32 v21, v27;
	v25 =	vsel vm12, v38, v37;
	v26 =	vadd.f32 v12, v27  }
0x60: {  	v12 =	vsel vm13, v39, v36;
	v13 =	vadd.f32 v13, v27;
	v14 =	vadd.f32 v7, v27  }
0x61: {  	v7 =	vbroadcast v15, $0x1;
	v15 =	vsel vm1, v39, v36;
	v17 =	vadd.f32 v22, v27  }
0x62: {  	v24 =	vsel vm6, v39, v36;
	v19 =	vadd.f32 v19, v27;
	v23 =	vadd.f32 v23, v27  }
0x63: {  	v22 =	vsel vm3, v38, v37;
	v25 =	vadd.f32 v25, v27;
	v12 =	vadd.f32 v12, v27  }
0x64: {  	vm0 =	vge.f32 v6, v5;
	vm1 =	vge.f32 v6, v4;
	v15 =	vadd.f32 v15, v27  }
0x65: {  	v6 =	vsel vm10, v38, v37;
	v18 =	vadd.f32 v24, v27;
	v22 =	vadd.f32 v22, v27  }
0x66: {  	vm14 =	vge.f32 v7, v5;
	v20 =	vadd.f32 v6, v27;
	v6 =	vsel vm15, v39, v36  }
0x67: {  	vm3 =	vge.f32 v7, v4;
	v7 =	vsel vm5, v38, v37;
	vm5 =	vge.f32 v43, v5  }
0x68: {  	v46 =	vsel vm5, v38, v37;
	v24 =	vadd.f32 v6, v27;
	v6 =	vsel vm4, v38, v37  }
0x69: {  	s24 =	simm.s32 $0x40;
	v48 =	vsel vm14, v38, v37;
	v7 =	vadd.f32 v7, v27;
	v6 =	vadd.f32 v6, v27  }
.LBB2_6:
0x6a: {  	s23 =	smov.u32 s24  }
0x6b: {  	s25 =	sshra.s32 s24, $0x2;
	v27 =	vadd.f32 v48, v27;
	v28 =	vadd.f32 v45, v28;
	vm2 =	vge.f32 v43, v4;
	s22 =	sadd.s32 $0x20, s22;
	s23 =	sadd.s32 $0x40, s24  }
0x6c: {  	p0 =	sne.s32 s24, $0xFFC0;
	v29 =	vadd.f32 v44, v29;
	v44 =	vsel vm1, v39, v36;
	v43 =	vsel vm2, v39, v36;
	v48 =	vld [tilespmem:s25+$0x0]  }
0x6d: {  	v45 =	vsel vm3, v39, v36;
	v31 =	vadd.f32 v44, v31;
	v30 =	vadd.f32 v43, v30  }
0x6e: {  	v32 =	vadd.f32 v47, v32;
	vm1 =	vge.f32 v42, v5;
	v44 =	vsel vm0, v38, v37;
	v43 =	vld [tilespmem:s22+$0x0]  }
0x6f: {  	v33 =	vadd.f32 v46, v33;
	vm0 =	vge.f32 v42, v4;
	v34 =	vadd.f32 v44, v34;
	v47 =	vld [tilespmem:s22+$0xFFFFFFF0]  }
0x70: {  	v35 =	vadd.f32 v45, v35;
	v37 =	vsel vm1, v38, v37;
	v36 =	vsel vm0, v39, v36  }
0x71: {  	v41 =	vadd.f32 v36, v41;
	v42 =	vbroadcast v48, $0x0;
	v44 =	vbroadcast v48, $0x5  }
0x72: {  	v40 =	vadd.f32 v37, v40;
	v45 =	vbroadcast v48, $0x2;
	v46 =	vbroadcast v48, $0x9  }
0x73: {  	v49 =	vbroadcast v48, $0x4;
	v50 =	vbroadcast v48, $0xD;
	vm0 =	vge.f32 v44, v4;
	v36 =	vmovc v43  }
0x74: {  	v51 =	vbroadcast v48, $0x3;
	v52 =	vbroadcast v48, $0x6;
	v38 =	vsub.f32 $0.0e+00, v47;
	v37 =	vmovc v47  }
0x75: {  	vm1 =	vge.f32 v42, v4;
	v43 =	vbroadcast v48, $0x8;
	v47 =	vbroadcast v48, $0xC  }
0x76: {  	v53 =	vbroadcast v48, $0xA;
	vm6 =	vge.f32 v49, v4;
	vm2 =	vge.f32 v50, v5  }
0x77: {  	vm4 =	vge.f32 v46, v4;
	v39 =	vsub.f32 $0.0e+00, v36;
	vm3 =	vge.f32 v47, v4  }
0x78: {  	vm5 =	vge.f32 v46, v5;
	vm7 =	vge.f32 v53, v5;
	vm8 =	vge.f32 v47, v5  }
0x79: {  	v46 =	vsel vm5, v38, v37;
	v47 =	vsel vm4, v39, v36;
	v54 =	vsel vm8, v38, v37  }
0x7a: {  	v8 =	vadd.f32 v47, v8;
	vm8 =	vge.f32 v53, v4;
	v9 =	vadd.f32 v54, v9  }
0x7b: {  	vm9 =	vge.f32 v52, v4;
	vm5 =	vge.f32 v49, v5;
	v47 =	vsel vm7, v38, v37  }
0x7c: {  	vm4 =	vge.f32 v42, v5;
	v42 =	vsel vm9, v39, v36;
	v49 =	vbroadcast v48, $0x7  }
0x7d: {  	v53 =	vsel vm5, v38, v37;
	v10 =	vadd.f32 v42, v10;
	vm5 =	vge.f32 v43, v5  }
0x7e: {  	vm7 =	vge.f32 v43, v4;
	v26 =	vadd.f32 v53, v26;
	v53 =	vbroadcast v48, $0xF  }
0x7f: {  	v11 =	vadd.f32 v46, v11;
	v42 =	vsel vm7, v39, v36;
	v46 =	vsel vm8, v39, v36  }
0x80: {  	v43 =	vsel vm6, v39, v36;
	vm7 =	vge.f32 v49, v4;
	v12 =	vadd.f32 v42, v12  }
0x81: {  	vm8 =	vge.f32 v45, v5;
	v13 =	vadd.f32 v43, v13;
	v43 =	vbroadcast v48, $0xB  }
0x82: {  	vm10 =	vge.f32 v51, v5;
	vm9 =	vge.f32 v45, v4;
	vm11 =	vge.f32 v49, v5  }
0x83: {  	vm12 =	vge.f32 v51, v4;
	vm6 =	vge.f32 v44, v5;
	v44 =	vsel vm3, v39, v36  }
0x84: {  	v45 =	vsel vm10, v38, v37;
	v49 =	vsel vm12, v39, v36;
	v42 =	vbroadcast v48, $0xE  }
0x85: {  	v14 =	vadd.f32 v45, v14;
	v45 =	vsel vm0, v39, v36;
	vm0 =	vge.f32 v53, v5  }
0x86: {  	v51 =	vsel vm1, v39, v36;
	v54 =	vsel vm9, v39, v36;
	v48 =	vbroadcast v48, $0x1  }
0x87: {  	v55 =	vsel vm8, v38, v37;
	v56 =	vsel vm7, v39, v36;
	vm1 =	vge.f32 v53, v4  }
0x88: {  	vm3 =	vge.f32 v52, v5;
	v52 =	vsel vm11, v38, v37;
	vm7 =	vge.f32 v48, v5  }
0x89: {  	v15 =	vadd.f32 v51, v15;
	v16 =	vadd.f32 v46, v16;
	vm8 =	vge.f32 v50, v4  }
0x8a: {  	v17 =	vadd.f32 v54, v17;
	v46 =	vsel vm3, v38, v37;
	v18 =	vadd.f32 v56, v18  }
0x8b: {  	v19 =	vadd.f32 v49, v19;
	v20 =	vadd.f32 v52, v20;
	v49 =	vsel vm8, v39, v36  }
.Ltmp2:
0x8c: {  	v21 =	vadd.f32 v47, v21;
	v50 =	vsel vm5, v38, v37;
	vm3 =	vge.f32 v48, v4;
	(pc) =	sbr.rel @p0 .LBB2_6-.Ltmp2, $4  }
0x8d: {  	v47 =	vsel vm6, v38, v37;
	v22 =	vadd.f32 v46, v22;
	vm5 =	vge.f32 v43, v5  }
0x8e: {  	v23 =	vadd.f32 v55, v23;
	v46 =	vsel vm5, v38, v37;
	v24 =	vadd.f32 v49, v24  }
0x8f: {  	v25 =	vadd.f32 v47, v25;
	v47 =	vsel vm2, v38, v37;
	v48 =	vsel vm4, v38, v37  }
0x90: {  	s24 =	smov.u32 s23;
	v7 =	vadd.f32 v50, v7;
	v6 =	vadd.f32 v48, v6;
	v48 =	vsel vm7, v38, v37  }
0x91: {  	[tilespmem:s19], [sflag:$0x1] =	stream.strided.gather [hbm4b:s6+s16], $0x8000, s17, s16, $0x38;
	[tilespmem:$0x16200] =	vst v63  }
0x92: {  	_ =	swait.ge [sflag:s15], $0x8000  }
0x93: {  	[sflag:s15] =	ssyncset.done $0x0  }
0x94: {  	s22 =	simm.s32 $0x0;
	[sflag:s15] =	ssyncadd.s32 $0xFFFF8000  }
0x95: {  	v27 =	vadd.f32 v48, v27;
	v28 =	vadd.f32 v45, v28;
	vm2 =	vge.f32 v43, v4;
	v48 =	vld [tilespmem:s22+$0x4000]  }
0x96: {  	v29 =	vadd.f32 v44, v29;
	v54 =	vsel vm1, v39, v36;
	v55 =	vsel vm3, v39, v36  }
0x97: {  	v32 =	vadd.f32 v47, v32;
	vm1 =	vge.f32 v42, v5;
	v56 =	vsel vm0, v38, v37  }
0x98: {  	v33 =	vadd.f32 v46, v33;
	vm0 =	vge.f32 v42, v4;
	v43 =	vsel vm2, v39, v36  }
0x99: {  	v31 =	vadd.f32 v54, v31;
	v57 =	vsel vm1, v38, v37;
	v58 =	vsel vm0, v39, v36;
	s22 =	simm.s32 $0xC010  }
0x9a: {  	v30 =	vadd.f32 v43, v30;
	v42 =	vld [tilespmem:s22+$0xFFFFFFF0];
	v59 =	vbroadcast v48, $0x0;
	v39 =	vbroadcast v48, $0x5  }
0x9b: {  	v37 =	vadd.f32 v57, v40;
	v43 =	vld [tilespmem:s22+$0x0];
	v40 =	vbroadcast v48, $0x2;
	v60 =	vbroadcast v48, $0x9  }
0x9c: {  	v34 =	vadd.f32 v56, v34;
	v61 =	vbroadcast v48, $0x4;
	v49 =	vbroadcast v48, $0xD  }
0x9d: {  	v35 =	vadd.f32 v55, v35;
	v62 =	vbroadcast v48, $0x3;
	v50 =	vbroadcast v48, $0x6  }
0x9e: {  	v36 =	vadd.f32 v58, v41;
	v51 =	vbroadcast v48, $0x8;
	v52 =	vbroadcast v48, $0xC  }
0x9f: {  	v53 =	vbroadcast v48, $0xA;
	v57 =	vbroadcast v48, $0x7;
	v45 =	vsub.f32 $0.0e+00, v42  }
0xa0: {  	v46 =	vsub.f32 $0.0e+00, v43;
	vm0 =	vge.f32 v39, v4;
	vm2 =	vge.f32 v59, v4  }
0xa1: {  	vm6 =	vge.f32 v61, v4;
	vm1 =	vge.f32 v49, v5;
	vm3 =	vge.f32 v60, v4  }
0xa2: {  	vm4 =	vge.f32 v52, v4;
	vm5 =	vge.f32 v60, v5;
	vm7 =	vge.f32 v53, v5  }
0xa3: {  	vm8 =	vge.f32 v52, v5;
	vm15 =	vge.f32 v53, v4;
	vm9 =	vge.f32 v50, v4  }
0xa4: {  	vm10 =	vge.f32 v57, v5;
	vm11 =	vge.f32 v62, v4;
	vm12 =	vge.f32 v39, v5  }
0xa5: {  	v41 =	vsel vm5, v45, v42;
	v63 =	vsel vm3, v46, v43;
	v54 =	vsel vm8, v45, v42  }
0xa6: {  	vm5 =	vge.f32 v61, v5;
	v52 =	vsel vm7, v45, v42;
	vm3 =	vge.f32 v59, v5  }
0xa7: {  	v56 =	vsel vm9, v46, v43;
	vm7 =	vge.f32 v51, v4;
	vm8 =	vge.f32 v40, v4  }
0xa8: {  	vm9 =	vge.f32 v62, v5;
	v44 =	vsel vm4, v46, v43;
	v61 =	vsel vm11, v46, v43  }
0xa9: {  	v47 =	vsel vm0, v46, v43;
	v62 =	vsel vm2, v46, v43;
	vm4 =	vge.f32 v50, v5  }
0xaa: {  	v8 =	vadd.f32 v63, v8;
	v9 =	vadd.f32 v54, v9;
	v58 =	vsel vm5, v45, v42  }
0xab: {  	v10 =	vadd.f32 v56, v10;
	vm5 =	vge.f32 v51, v5;
	v51 =	vbroadcast v48, $0xF  }
0xac: {  	v59 =	vsel vm7, v46, v43;
	v38 =	vadd.f32 v41, v11;
	v54 =	vsel vm15, v46, v43  }
0xad: {  	v11 =	vsel vm6, v46, v43;
	vm6 =	vge.f32 v57, v4;
	vm7 =	vge.f32 v40, v5  }
0xae: {  	v41 =	vbroadcast v48, $0xB;
	v60 =	vsel vm9, v45, v42;
	v15 =	vadd.f32 v62, v15  }
0xaf: {  	v63 =	vsel vm8, v46, v43;
	v19 =	vadd.f32 v61, v19;
	v21 =	vadd.f32 v52, v21  }
0xb0: {  	v62 =	vsel vm12, v45, v42;
	v26 =	vadd.f32 v58, v26;
	v12 =	vadd.f32 v59, v12  }
0xb1: {  	v13 =	vadd.f32 v11, v13;
	v11 =	vbroadcast v48, $0xE;
	v14 =	vadd.f32 v60, v14  }
0xb2: {  	v48 =	vbroadcast v48, $0x1;
	v55 =	vsel vm7, v45, v42;
	v56 =	vsel vm6, v46, v43  }
0xb3: {  	v58 =	vsel vm10, v45, v42;
	v16 =	vadd.f32 v54, v16;
	vm7 =	vge.f32 v49, v4  }
0xb4: {  	v17 =	vadd.f32 v63, v17;
	v59 =	vsel vm4, v45, v42;
	v61 =	vsel vm5, v45, v42  }
0xb5: {  	v63 =	vsel vm3, v45, v42;
	v25 =	vadd.f32 v62, v25;
	v49 =	vsel vm1, v45, v42  }
0xb6: {  	vm0 =	vge.f32 v51, v5;
	vm2 =	vge.f32 v51, v4;
	v18 =	vadd.f32 v56, v18  }
0xb7: {  	v20 =	vadd.f32 v58, v20;
	v60 =	vsel vm7, v46, v43;
	v22 =	vadd.f32 v59, v22  }
0xb8: {  	vm5 =	vge.f32 v41, v5;
	v23 =	vadd.f32 v55, v23;
	v39 =	vadd.f32 v63, v6  }
0xb9: {  	v40 =	vadd.f32 v61, v7;
	vm6 =	vge.f32 v48, v5;
	vm4 =	vge.f32 v48, v4  }
0xba: {  	s24 =	simm.s32 $0x40;
	v48 =	vsel vm5, v45, v42;
	v24 =	vadd.f32 v60, v24;
	v6 =	vsel vm6, v45, v42  }
.LBB2_8:
0xbb: {  	s23 =	smov.u32 s24  }
0xbc: {  	s25 =	sshra.s32 s24, $0x2;
	v27 =	vadd.f32 v6, v27;
	v28 =	vadd.f32 v47, v28;
	vm1 =	vge.f32 v41, v4;
	s22 =	sadd.s32 $0x20, s22;
	s23 =	sadd.s32 $0x40, s24  }
0xbd: {  	p0 =	sne.s32 s24, $0xFFC0;
	v29 =	vadd.f32 v44, v29;
	v41 =	vsel vm2, v46, v43;
	v7 =	vsel vm1, v46, v43;
	v6 =	vld [tilespmem:s25+$0x4000]  }
0xbe: {  	v44 =	vsel vm4, v46, v43;
	v31 =	vadd.f32 v41, v31;
	v30 =	vadd.f32 v7, v30  }
0xbf: {  	v32 =	vadd.f32 v49, v32;
	vm1 =	vge.f32 v11, v5;
	v41 =	vsel vm0, v45, v42;
	v7 =	vld [tilespmem:s22+$0x0]  }
0xc0: {  	v33 =	vadd.f32 v48, v33;
	vm0 =	vge.f32 v11, v4;
	v34 =	vadd.f32 v41, v34;
	v47 =	vld [tilespmem:s22+$0xFFFFFFF0]  }
0xc1: {  	v35 =	vadd.f32 v44, v35;
	v11 =	vsel vm1, v45, v42;
	v41 =	vsel vm0, v46, v43  }
0xc2: {  	v36 =	vadd.f32 v41, v36;
	v44 =	vbroadcast v6, $0x0;
	v48 =	vbroadcast v6, $0x5  }
0xc3: {  	v37 =	vadd.f32 v11, v37;
	v49 =	vbroadcast v6, $0x2;
	v41 =	vbroadcast v6, $0x9  }
0xc4: {  	v11 =	vbroadcast v6, $0x4;
	v50 =	vbroadcast v6, $0xD;
	vm0 =	vge.f32 v48, v4;
	v43 =	vmovc v7  }
0xc5: {  	v51 =	vbroadcast v6, $0x6;
	v7 =	vbroadcast v6, $0x3;
	v45 =	vsub.f32 $0.0e+00, v47;
	v42 =	vmovc v47  }
0xc6: {  	v52 =	vbroadcast v6, $0xC;
	vm2 =	vge.f32 v44, v4;
	v47 =	vbroadcast v6, $0x8  }
0xc7: {  	v53 =	vbroadcast v6, $0xA;
	vm6 =	vge.f32 v11, v4;
	vm1 =	vge.f32 v50, v5  }
0xc8: {  	vm3 =	vge.f32 v41, v4;
	vm4 =	vge.f32 v52, v4;
	v46 =	vsub.f32 $0.0e+00, v43  }
0xc9: {  	vm5 =	vge.f32 v41, v5;
	vm7 =	vge.f32 v53, v5;
	vm8 =	vge.f32 v52, v5  }
0xca: {  	v41 =	vsel vm5, v45, v42;
	v52 =	vsel vm3, v46, v43;
	v54 =	vsel vm8, v45, v42  }
0xcb: {  	vm8 =	vge.f32 v53, v4;
	v8 =	vadd.f32 v52, v8;
	v9 =	vadd.f32 v54, v9  }
0xcc: {  	vm9 =	vge.f32 v51, v4;
	vm5 =	vge.f32 v11, v5;
	v52 =	vsel vm7, v45, v42  }
0xcd: {  	vm3 =	vge.f32 v44, v5;
	v11 =	vsel vm9, v46, v43;
	v44 =	vbroadcast v6, $0x7  }
0xce: {  	v53 =	vsel vm5, v45, v42;
	v10 =	vadd.f32 v11, v10;
	vm5 =	vge.f32 v47, v5  }
0xcf: {  	vm7 =	vge.f32 v47, v4;
	v26 =	vadd.f32 v53, v26;
	v53 =	vbroadcast v6, $0xF  }
0xd0: {  	v38 =	vadd.f32 v41, v38;
	v54 =	vsel vm8, v46, v43;
	v11 =	vsel vm7, v46, v43  }
0xd1: {  	v41 =	vsel vm6, v46, v43;
	vm7 =	vge.f32 v44, v4;
	v12 =	vadd.f32 v11, v12  }
0xd2: {  	vm8 =	vge.f32 v49, v5;
	v13 =	vadd.f32 v41, v13;
	v41 =	vbroadcast v6, $0xB  }
0xd3: {  	vm10 =	vge.f32 v7, v5;
	vm9 =	vge.f32 v49, v4;
	vm11 =	vge.f32 v44, v5  }
0xd4: {  	vm12 =	vge.f32 v7, v4;
	vm6 =	vge.f32 v48, v5;
	v44 =	vsel vm4, v46, v43  }
0xd5: {  	v7 =	vsel vm10, v45, v42;
	v48 =	vsel vm12, v46, v43;
	v11 =	vbroadcast v6, $0xE  }
0xd6: {  	v14 =	vadd.f32 v7, v14;
	v47 =	vsel vm0, v46, v43;
	vm0 =	vge.f32 v53, v5  }
0xd7: {  	v7 =	vsel vm2, v46, v43;
	v49 =	vsel vm9, v46, v43;
	v6 =	vbroadcast v6, $0x1  }
0xd8: {  	v55 =	vsel vm8, v45, v42;
	v56 =	vsel vm7, v46, v43;
	vm2 =	vge.f32 v53, v4  }
0xd9: {  	vm4 =	vge.f32 v51, v5;
	v51 =	vsel vm11, v45, v42;
	vm7 =	vge.f32 v6, v5  }
0xda: {  	v15 =	vadd.f32 v7, v15;
	v16 =	vadd.f32 v54, v16;
	vm8 =	vge.f32 v50, v4  }
0xdb: {  	v17 =	vadd.f32 v49, v17;
	v7 =	vsel vm4, v45, v42;
	v18 =	vadd.f32 v56, v18  }
0xdc: {  	v19 =	vadd.f32 v48, v19;
	v49 =	vsel vm8, v46, v43;
	v20 =	vadd.f32 v51, v20  }
.Ltmp3:
0xdd: {  	v50 =	vsel vm5, v45, v42;
	v21 =	vadd.f32 v52, v21;
	vm4 =	vge.f32 v6, v4;
	(pc) =	sbr.rel @p0 .LBB2_8-.Ltmp3, $4  }
0xde: {  	v22 =	vadd.f32 v7, v22;
	vm5 =	vge.f32 v41, v5;
	v6 =	vsel vm6, v45, v42  }
0xdf: {  	v23 =	vadd.f32 v55, v23;
	v24 =	vadd.f32 v49, v24;
	v48 =	vsel vm5, v45, v42  }
0xe0: {  	v7 =	vsel vm3, v45, v42;
	v49 =	vsel vm1, v45, v42;
	v25 =	vadd.f32 v6, v25  }
0xe1: {  	s24 =	smov.u32 s23;
	v40 =	vadd.f32 v50, v40;
	v39 =	vadd.f32 v7, v39;
	v6 =	vsel vm7, v45, v42  }
0xe2: {  	[tilespmem:s19], [sflag:$0x1] =	stream.strided.gather [hbm4b:s7+s16], $0x8000, s17, s16, $0x38;
	[tilespmem:$0x16200] =	vst v63  }
0xe3: {  	_ =	swait.ge [sflag:s15], $0x8000  }
0xe4: {  	[sflag:s15] =	ssyncset.done $0x0  }
0xe5: {  	s22 =	simm.s32 $0x0;
	[sflag:s15] =	ssyncadd.s32 $0xFFFF8000  }
0xe6: {  	v27 =	vadd.f32 v6, v27;
	v28 =	vadd.f32 v47, v28;
	v47 =	vld [tilespmem:s22+$0x8000]  }
0xe7: {  	vm1 =	vge.f32 v41, v4;
	v29 =	vadd.f32 v44, v29;
	v7 =	vsel vm2, v46, v43  }
0xe8: {  	v62 =	vsel vm4, v46, v43;
	v6 =	vsel vm1, v46, v43;
	v31 =	vadd.f32 v7, v31  }
0xe9: {  	vm1 =	vge.f32 v11, v5;
	v30 =	vadd.f32 v6, v30;
	v6 =	vsel vm0, v45, v42  }
0xea: {  	v41 =	vadd.f32 v62, v35;
	vm0 =	vge.f32 v11, v4;
	v34 =	vadd.f32 v6, v34  }
0xeb: {  	v6 =	vsel vm1, v45, v42;
	v7 =	vsel vm0, v46, v43;
	v11 =	vbroadcast v47, $0x0  }
0xec: {  	s22 =	simm.s32 $0xC010;
	v35 =	vadd.f32 v7, v36;
	v63 =	vbroadcast v47, $0x5;
	v57 =	vbroadcast v47, $0x2  }
0xed: {  	v36 =	vadd.f32 v6, v37;
	v44 =	vld [tilespmem:s22+$0xFFFFFFF0];
	v6 =	vbroadcast v47, $0x9;
	v58 =	vbroadcast v47, $0x4  }
0xee: {  	v42 =	vld [tilespmem:s22+$0x0];
	v52 =	vbroadcast v47, $0xD;
	v50 =	vbroadcast v47, $0x3  }
0xef: {  	v53 =	vbroadcast v47, $0x6;
	v59 =	vbroadcast v47, $0x8  }
0xf0: {  	v32 =	vadd.f32 v49, v32;
	v7 =	vbroadcast v47, $0xC;
	v51 =	vbroadcast v47, $0xA  }
0xf1: {  	v33 =	vadd.f32 v48, v33;
	v60 =	vbroadcast v47, $0x7;
	v49 =	vbroadcast v47, $0xB  }
0xf2: {  	v48 =	vbroadcast v47, $0xE;
	v56 =	vbroadcast v47, $0x1;
	v43 =	vsub.f32 $0.0e+00, v44  }
0xf3: {  	v45 =	vsub.f32 $0.0e+00, v42;
	vm0 =	vge.f32 v63, v4;
	vm2 =	vge.f32 v11, v4  }
0xf4: {  	vm6 =	vge.f32 v58, v4;
	vm1 =	vge.f32 v52, v5;
	vm3 =	vge.f32 v6, v4  }
0xf5: {  	vm4 =	vge.f32 v7, v4;
	vm5 =	vge.f32 v6, v5;
	vm7 =	vge.f32 v51, v5  }
0xf6: {  	vm8 =	vge.f32 v7, v5;
	vm15 =	vge.f32 v51, v4;
	vm9 =	vge.f32 v53, v4  }
0xf7: {  	vm10 =	vge.f32 v60, v5;
	vm11 =	vge.f32 v50, v4;
	vm12 =	vge.f32 v63, v5  }
0xf8: {  	v54 =	vsel vm5, v43, v44;
	v6 =	vsel vm3, v45, v42;
	v55 =	vsel vm8, v43, v44  }
0xf9: {  	vm5 =	vge.f32 v58, v5;
	vm3 =	vge.f32 v11, v5;
	v61 =	vsel vm15, v45, v42  }
0xfa: {  	v62 =	vsel vm6, v45, v42;
	vm6 =	vge.f32 v60, v4;
	vm8 =	vge.f32 v57, v4  }
0xfb: {  	v51 =	vsel vm0, v45, v42;
	v7 =	vadd.f32 v6, v8;
	v6 =	vadd.f32 v55, v9  }
0xfc: {  	v55 =	vsel vm7, v43, v44;
	v8 =	vsel vm9, v45, v42;
	v9 =	vsel vm5, v43, v44  }
0xfd: {  	vm5 =	vge.f32 v59, v5;
	vm7 =	vge.f32 v59, v4;
	v37 =	vadd.f32 v62, v13  }
0xfe: {  	vm9 =	vge.f32 v50, v5;
	v50 =	vsel vm4, v45, v42;
	v13 =	vsel vm11, v45, v42  }
0xff: {  	v58 =	vsel vm6, v45, v42;
	vm6 =	vge.f32 v56, v5;
	vm4 =	vge.f32 v53, v5  }
0x100: {  	v11 =	vadd.f32 v8, v10;
	v26 =	vadd.f32 v9, v26;
	v10 =	vbroadcast v47, $0xF  }
0x101: {  	v9 =	vsel vm7, v45, v42;
	v8 =	vadd.f32 v54, v38;
	vm7 =	vge.f32 v57, v5  }
0x102: {  	v63 =	vsel vm5, v43, v44;
	vm5 =	vge.f32 v49, v5;
	v9 =	vadd.f32 v9, v12  }
0x103: {  	v12 =	vsel vm9, v43, v44;
	v57 =	vsel vm7, v43, v44;
	vm7 =	vge.f32 v52, v4  }
0x104: {  	v38 =	vadd.f32 v12, v14;
	vm0 =	vge.f32 v10, v5;
	v12 =	vsel vm2, v45, v42  }
0x105: {  	v14 =	vsel vm8, v45, v42;
	vm2 =	vge.f32 v10, v4;
	v47 =	vadd.f32 v12, v15  }
0x106: {  	v10 =	vsel vm10, v43, v44;
	v12 =	vadd.f32 v61, v16;
	v46 =	vadd.f32 v14, v17  }
0x107: {  	v16 =	vsel vm4, v43, v44;
	v14 =	vadd.f32 v58, v18;
	v18 =	vadd.f32 v13, v19  }
0x108: {  	v15 =	vadd.f32 v10, v20;
	v10 =	vsel vm7, v45, v42;
	vm4 =	vge.f32 v56, v4  }
0x109: {  	v13 =	vadd.f32 v55, v21;
	v19 =	vsel vm12, v43, v44;
	v20 =	vadd.f32 v57, v23  }
0x10a: {  	v23 =	vsel vm5, v43, v44;
	v17 =	vadd.f32 v16, v22;
	v10 =	vadd.f32 v10, v24  }
0x10b: {  	v16 =	vsel vm3, v43, v44;
	v19 =	vadd.f32 v19, v25;
	v24 =	vsel vm1, v43, v44  }
0x10c: {  	s24 =	simm.s32 $0x40;
	v22 =	vsel vm6, v43, v44;
	v21 =	vadd.f32 v16, v39;
	v16 =	vadd.f32 v63, v40  }
.LBB2_10:
0x10d: {  	s23 =	smov.u32 s24  }
0x10e: {  	s25 =	sshra.s32 s24, $0x2;
	v27 =	vadd.f32 v22, v27;
	v28 =	vadd.f32 v51, v28;
	vm1 =	vge.f32 v49, v4;
	s22 =	sadd.s32 $0x20, s22;
	s23 =	sadd.s32 $0x40, s24  }
0x10f: {  	p0 =	sne.s32 s24, $0xFFC0;
	v29 =	vadd.f32 v50, v29;
	v39 =	vsel vm2, v45, v42;
	v25 =	vsel vm1, v45, v42;
	v22 =	vld [tilespmem:s25+$0x8000]  }
0x110: {  	v40 =	vsel vm4, v45, v42;
	v31 =	vadd.f32 v39, v31;
	v30 =	vadd.f32 v25, v30  }
0x111: {  	v32 =	vadd.f32 v24, v32;
	v24 =	vsel vm0, v43, v44;
	vm1 =	vge.f32 v48, v5;
	v25 =	vld [tilespmem:s22+$0x0]  }
0x112: {  	v33 =	vadd.f32 v23, v33;
	vm0 =	vge.f32 v48, v4;
	v34 =	vadd.f32 v24, v34;
	v39 =	vld [tilespmem:s22+$0xFFFFFFF0]  }
0x113: {  	v41 =	vadd.f32 v40, v41;
	v24 =	vsel vm0, v45, v42;
	v23 =	vsel vm1, v43, v44  }
0x114: {  	v35 =	vadd.f32 v24, v35;
	v40 =	vbroadcast v22, $0x0;
	v48 =	vbroadcast v22, $0x5  }
0x115: {  	v36 =	vadd.f32 v23, v36;
	v24 =	vbroadcast v22, $0x2;
	v49 =	vbroadcast v22, $0x9  }
0x116: {  	v23 =	vbroadcast v22, $0x4;
	v52 =	vbroadcast v22, $0xD;
	vm0 =	vge.f32 v48, v4;
	v42 =	vmovc v25  }
0x117: {  	v53 =	vbroadcast v22, $0x6;
	v25 =	vbroadcast v22, $0x3;
	v43 =	vsub.f32 $0.0e+00, v39;
	v44 =	vmovc v39  }
0x118: {  	v50 =	vbroadcast v22, $0xC;
	vm2 =	vge.f32 v40, v4;
	v39 =	vbroadcast v22, $0x8  }
0x119: {  	v51 =	vbroadcast v22, $0xA;
	vm6 =	vge.f32 v23, v4;
	vm1 =	vge.f32 v52, v5  }
0x11a: {  	vm3 =	vge.f32 v49, v4;
	vm4 =	vge.f32 v50, v4;
	v45 =	vsub.f32 $0.0e+00, v42  }
0x11b: {  	vm5 =	vge.f32 v49, v5;
	vm7 =	vge.f32 v51, v5;
	vm8 =	vge.f32 v50, v5  }
0x11c: {  	v49 =	vsel vm5, v43, v44;
	v50 =	vsel vm3, v45, v42;
	v54 =	vsel vm8, v43, v44  }
0x11d: {  	vm8 =	vge.f32 v51, v4;
	v7 =	vadd.f32 v50, v7;
	v6 =	vadd.f32 v54, v6  }
0x11e: {  	vm9 =	vge.f32 v53, v4;
	vm5 =	vge.f32 v23, v5;
	v23 =	vsel vm7, v43, v44  }
0x11f: {  	vm3 =	vge.f32 v40, v5;
	v40 =	vsel vm9, v45, v42;
	v50 =	vbroadcast v22, $0x7  }
0x120: {  	v51 =	vsel vm5, v43, v44;
	v11 =	vadd.f32 v40, v11;
	vm5 =	vge.f32 v39, v5  }
0x121: {  	vm7 =	vge.f32 v39, v4;
	v39 =	vbroadcast v22, $0xF;
	v26 =	vadd.f32 v51, v26  }
0x122: {  	v40 =	vsel vm7, v45, v42;
	v8 =	vadd.f32 v49, v8;
	v54 =	vsel vm8, v45, v42  }
0x123: {  	v49 =	vsel vm6, v45, v42;
	v9 =	vadd.f32 v40, v9;
	vm7 =	vge.f32 v50, v4  }
0x124: {  	vm8 =	vge.f32 v24, v5;
	v37 =	vadd.f32 v49, v37;
	v49 =	vbroadcast v22, $0xB  }
0x125: {  	vm10 =	vge.f32 v25, v5;
	vm9 =	vge.f32 v24, v4;
	vm11 =	vge.f32 v50, v5  }
0x126: {  	vm12 =	vge.f32 v25, v4;
	vm6 =	vge.f32 v48, v5;
	v50 =	vsel vm4, v45, v42  }
0x127: {  	v25 =	vsel vm12, v45, v42;
	v24 =	vsel vm10, v43, v44;
	v48 =	vbroadcast v22, $0xE  }
0x128: {  	v38 =	vadd.f32 v24, v38;
	v51 =	vsel vm0, v45, v42;
	vm0 =	vge.f32 v39, v5  }
0x129: {  	v24 =	vsel vm2, v45, v42;
	v22 =	vbroadcast v22, $0x1;
	v40 =	vsel vm9, v45, v42  }
0x12a: {  	v55 =	vsel vm8, v43, v44;
	vm2 =	vge.f32 v39, v4;
	v56 =	vsel vm7, v45, v42  }
0x12b: {  	vm4 =	vge.f32 v53, v5;
	vm7 =	vge.f32 v22, v5;
	v39 =	vsel vm11, v43, v44  }
0x12c: {  	v12 =	vadd.f32 v54, v12;
	vm8 =	vge.f32 v52, v4;
	v47 =	vadd.f32 v24, v47  }
0x12d: {  	v46 =	vadd.f32 v40, v46;
	v24 =	vsel vm4, v43, v44;
	v14 =	vadd.f32 v56, v14  }
0x12e: {  	v18 =	vadd.f32 v25, v18;
	v25 =	vsel vm8, v45, v42;
	v15 =	vadd.f32 v39, v15  }
.Ltmp4:
0x12f: {  	v13 =	vadd.f32 v23, v13;
	vm4 =	vge.f32 v22, v4;
	v39 =	vsel vm5, v43, v44;
	(pc) =	sbr.rel @p0 .LBB2_10-.Ltmp4, $4  }
0x130: {  	v22 =	vsel vm6, v43, v44;
	v17 =	vadd.f32 v24, v17;
	vm5 =	vge.f32 v49, v5  }
0x131: {  	v20 =	vadd.f32 v55, v20;
	v10 =	vadd.f32 v25, v10;
	v23 =	vsel vm5, v43, v44  }
0x132: {  	v25 =	vsel vm3, v43, v44;
	v19 =	vadd.f32 v22, v19;
	v24 =	vsel vm1, v43, v44  }
0x133: {  	s24 =	smov.u32 s23;
	v21 =	vadd.f32 v25, v21;
	v22 =	vsel vm7, v43, v44;
	v16 =	vadd.f32 v39, v16  }
0x134: {  	v25 =	vadd.f32 v22, v27;
	v61 =	vadd.f32 v51, v28;
	vm1 =	vge.f32 v49, v4  }
0x135: {  	v28 =	vadd.f32 v50, v29;
	v63 =	vsel vm2, v45, v42;
	v39 =	vsel vm4, v45, v42  }
0x136: {  	v24 =	vadd.f32 v24, v32;
	vm6 =	vge.f32 v48, v5;
	v20 =	vmul.f32 v20, v3  }
0x137: {  	vm7 =	vge.f32 v48, v4;
	v48 =	vmul.f32 v38, v3;
	v51 =	vmul.f32 v26, v3  }
0x138: {  	v5 =	vsel vm0, v43, v44;
	v19 =	vmul.f32 v19, v3;
	v17 =	vmul.f32 v17, v3  }
0x139: {  	v23 =	vadd.f32 v23, v33;
	v15 =	vmul.f32 v15, v3;
	v8 =	vmul.f32 v8, v3  }
0x13a: {  	v6 =	vmul.f32 v6, v3;
	v62 =	vsel vm1, v45, v42;
	v22 =	vadd.f32 v63, v31  }
0x13b: {  	v4 =	vadd.f32 v5, v34;
	v5 =	vadd.f32 v39, v41;
	v40 =	vsel vm7, v45, v42  }
0x13c: {  	v21 =	vmul.f32 v21, v3;
	v41 =	vsel vm6, v43, v44;
	v42 =	vmul.f32 v47, v2  }
0x13d: {  	v60 =	vmul.f32 v16, v3;
	v31 =	vadd.f32 v41, v36;
	v43 =	vmul.f32 v25, v3  }
0x13e: {  	vm12 =	vgt.f32 v20, $0.0e+00;
	vm14 =	vgt.f32 v48, $0.0e+00;
	vm4 =	vgt.f32 v51, $0.0e+00  }
0x13f: {  	vm6 =	vgt.f32 v19, $0.0e+00;
	vm8 =	vgt.f32 v21, $0.0e+00;
	v49 =	vsel vm12, $0x3F800000, v1  }
0x140: {  	vm9 =	vgt.f32 v42, $0.0e+00;
	v5 =	vmul.f32 v5, v2;
	v52 =	vsel vm14, $0x3F800000, v1;
	[tilespmem:$0x16040] =	vst v49  }
0x141: {  	v54 =	vsel vm4, $0x3F800000, v1;
	v56 =	vsel vm6, $0x3F800000, v1;
	vm12 =	vgt.f32 v60, $0.0e+00;
	[tilespmem:$0x16060] =	vst v52  }
0x142: {  	vm14 =	vgt.f32 v8, $0.0e+00;
	[tilespmem:$0x16080] =	vst v54;
	vm11 =	vgt.f32 v5, $0.0e+00;
	v5 =	vmul.f32 v46, v2  }
0x143: {  	v8 =	vmul.f32 v13, v3;
	v44 =	vsel vm8, $0x3F800000, v1;
	v45 =	vsel vm9, $0x3F800000, v1;
	[tilespmem:$0x160A0] =	vst v56  }
0x144: {  	vm10 =	vgt.f32 v43, $0.0e+00;
	[tilespmem:$0x16000] =	vst v44;
	vm13 =	vgt.f32 v5, $0.0e+00;
	v5 =	vmul.f32 v18, v2  }
0x145: {  	vm8 =	vgt.f32 v17, $0.0e+00;
	v63 =	vsel vm12, $0x3F800000, v1;
	[tilespmem:$0x16010] =	vst v45;
	v21 =	vsel vm10, $0x3F800000, v1  }
0x146: {  	v58 =	vsel vm8, $0x3F800000, v1;
	[tilespmem:$0x16100] =	vst v63;
	vm15 =	vgt.f32 v5, $0.0e+00;
	v5 =	vmul.f32 v37, v2  }
0x147: {  	vm10 =	vgt.f32 v15, $0.0e+00;
	vm4 =	vgt.f32 v8, $0.0e+00;
	v8 =	vmul.f32 v23, v3;
	[tilespmem:$0x16020] =	vst v21  }
0x148: {  	v47 =	vsel vm11, $0x3F800000, v1;
	[tilespmem:$0x160C0] =	vst v58;
	vm5 =	vgt.f32 v5, $0.0e+00;
	v5 =	vmul.f32 v61, v2  }
0x149: {  	vm8 =	vgt.f32 v6, $0.0e+00;
	v6 =	vmul.f32 v24, v3;
	[tilespmem:$0x16030] =	vst v47;
	v50 =	vsel vm13, $0x3F800000, v1  }
0x14a: {  	[tilespmem:$0x16050] =	vst v50;
	v53 =	vsel vm15, $0x3F800000, v1;
	vm7 =	vgt.f32 v5, $0.0e+00;
	v5 =	vmul.f32 v11, v2  }
0x14b: {  	[tilespmem:$0x16070] =	vst v53;
	v61 =	vsel vm10, $0x3F800000, v1;
	vm10 =	vgt.f32 v6, $0.0e+00;
	v6 =	vmul.f32 v31, v3  }
0x14c: {  	v55 =	vsel vm5, $0x3F800000, v1;
	[tilespmem:$0x160E0] =	vst v61;
	vm9 =	vgt.f32 v5, $0.0e+00;
	v5 =	vmul.f32 v14, v2  }
0x14d: {  	v3 =	vmul.f32 v4, v3;
	[tilespmem:$0x16090] =	vst v55;
	vm12 =	vgt.f32 v6, $0.0e+00;
	v57 =	vsel vm7, $0x3F800000, v1  }
0x14e: {  	v4 =	vsel vm12, $0x3F800000, v1;
	[tilespmem:$0x160B0] =	vst v57;
	vm11 =	vgt.f32 v5, $0.0e+00;
	v5 =	vmul.f32 v9, v2  }
0x14f: {  	v30 =	vadd.f32 v62, v30;
	[tilespmem:$0x161C0] =	vst v4;
	v59 =	vsel vm9, $0x3F800000, v1  }
0x150: {  	[tilespmem:$0x160D0] =	vst v59;
	v62 =	vsel vm11, $0x3F800000, v1;
	vm13 =	vgt.f32 v5, $0.0e+00;
	v5 =	vmul.f32 v7, v2  }
0x151: {  	[tilespmem:$0x160F0] =	vst v62;
	v7 =	vsel vm13, $0x3F800000, v1  }
0x152: {  	[tilespmem:$0x16110] =	vst v7;
	v7 =	vsel vm14, $0x3F800000, v1;
	vm15 =	vgt.f32 v5, $0.0e+00;
	v5 =	vmul.f32 v12, v2  }
0x153: {  	vm14 =	vgt.f32 v3, $0.0e+00;
	[tilespmem:$0x16120] =	vst v7;
	v7 =	vsel vm15, $0x3F800000, v1  }
0x154: {  	v3 =	vsel vm14, $0x3F800000, v1;
	[tilespmem:$0x16130] =	vst v7;
	vm5 =	vgt.f32 v5, $0.0e+00;
	v5 =	vmul.f32 v30, v2  }
0x155: {  	vm6 =	vgt.f32 v8, $0.0e+00;
	v7 =	vsel vm4, $0x3F800000, v1;
	[tilespmem:$0x161E0] =	vst v3  }
0x156: {  	[tilespmem:$0x16140] =	vst v7;
	v7 =	vsel vm5, $0x3F800000, v1;
	vm7 =	vgt.f32 v5, $0.0e+00;
	v5 =	vmul.f32 v28, v2  }
0x157: {  	v29 =	vadd.f32 v40, v35;
	[tilespmem:$0x16150] =	vst v7;
	v7 =	vsel vm6, $0x3F800000, v1  }
0x158: {  	[tilespmem:$0x16160] =	vst v7;
	v7 =	vsel vm7, $0x3F800000, v1;
	vm9 =	vgt.f32 v5, $0.0e+00;
	v5 =	vmul.f32 v10, v2  }
0x159: {  	[tilespmem:$0x16170] =	vst v7;
	v7 =	vsel vm8, $0x3F800000, v1  }
0x15a: {  	[tilespmem:$0x16180] =	vst v7;
	v7 =	vsel vm9, $0x3F800000, v1;
	vm11 =	vgt.f32 v5, $0.0e+00;
	v5 =	vmul.f32 v29, v2  }
0x15b: {  	[tilespmem:$0x16190] =	vst v7;
	v7 =	vsel vm10, $0x3F800000, v1;
	v2 =	vmul.f32 v22, v2  }
0x15c: {  	[tilespmem:$0x161A0] =	vst v7;
	v7 =	vsel vm11, $0x3F800000, v1;
	vm13 =	vgt.f32 v5, $0.0e+00  }
0x15d: {  	[tilespmem:$0x161B0] =	vst v7;
	vm15 =	vgt.f32 v2, $0.0e+00;
	v4 =	vsel vm13, $0x3F800000, v1  }
0x15e: {  	v2 =	vsel vm15, $0x3F800000, v1;
	[tilespmem:$0x161D0] =	vst v4  }
0x15f: {  	[tilespmem:$0x161F0] =	vst v2  }
0x160: {  	[hbm4b:s8+s16] =	stream.strided.scatter [tilespmem:s20], [sflag:$0x1], $0x200, s17, s16, $0x38;
	[tilespmem:$0x16200] =	vst v63  }
0x161: {  	_ =	swait.ge [sflag:s15], $0x200  }
0x162: {  	[sflag:s15] =	ssyncset.done $0x0  }
0x163: {  	[sflag:s15] =	ssyncadd.s32 $0xFFFFFE00  }
0x164: {  	[tilespmem:s18], [sflag:$0x1] =	stream.strided.gather [hbm4b:s9+s16], $0x2000, s17, s16, $0x38;
	[tilespmem:$0x16200] =	vst v63  }
0x165: {  	_ =	swait.ge [sflag:s15], $0x2000  }
0x166: {  	[sflag:s15] =	ssyncset.done $0x0  }
0x167: {  	[sflag:s15] =	ssyncadd.s32 $0xFFFFE000  }
0x168: {  	v3 =	vld [tilespmem:$0x14000]  }
0x169: {  	s23 =	simm.s32 $0x0;
	v2 =	vld [tilespmem:$0x14010]  }
0x16a: {  	v6 =	vld [tilespmem:s23+$0x14010]  }
0x16b: {  	s22 =	simm.s32 $0x80;
	v5 =	vimm.f32 $0.0e+00;
	v4 =	vimm.f32 $0.0e+00;
	v7 =	vld [tilespmem:s23+$0x14000]  }
.LBB2_12:
0x16c: {  	_ = 	snop  }
0x16d: {  	p0 =	sne.s32 s22, $0x7F80  }
.Ltmp5:
0x16e: {  	_ = 	snop;
	(pc) =	sbr.rel @p0 .LBB2_12-.Ltmp5, $4  }
0x16f: {  	_ = 	snop  }
0x170: {  	s23 =	sshra.s32 s22, $0x2;
	vm0 =	veq.f32 v6, v2;
	vm1 =	veq.f32 v7, v3  }
0x171: {  	v6 =	vld [tilespmem:s23+$0x14010];
	v8 =	vsel vm0, $0x3F800000, v0;
	v9 =	vsel vm1, $0x3F800000, v0  }
0x172: {  	s22 =	sadd.s32 $0x80, s22;
	v7 =	vld [tilespmem:s23+$0x14000];
	v4 =	vadd.f32 v8, v4;
	v5 =	vadd.f32 v9, v5  }
0x173: {  	[tilespmem:s19], [sflag:$0x1] =	stream.strided.gather [hbm4b:s10+s16], $0x8000, s17, s16, $0x38;
	[tilespmem:$0x16200] =	vst v63  }
0x174: {  	_ =	swait.ge [sflag:s15], $0x8000  }
0x175: {  	[sflag:s15] =	ssyncset.done $0x0  }
0x176: {  	s22 =	simm.s32 $0x0;
	[sflag:s15] =	ssyncadd.s32 $0xFFFF8000  }
0x177: {  	v15 =	vld [tilespmem:s22+$0x0];
	_ =	sdelay $0x1  }
0x178: {  	v27 =	vimm.f32 $0.0e+00;
	v28 =	vimm.f32 $0.0e+00;
	v29 =	vimm.f32 $0.0e+00  }
0x179: {  	v30 =	vimm.f32 $0.0e+00;
	v31 =	vimm.f32 $0.0e+00;
	vm0 =	veq.f32 v6, v2  }
0x17a: {  	v32 =	vimm.f32 $0.0e+00;
	vm1 =	veq.f32 v7, v3;
	v6 =	vsel vm0, $0x3F800000, v0  }
0x17b: {  	s22 =	simm.s32 $0xC010;
	v7 =	vsel vm1, $0x3F800000, v0;
	v4 =	vadd.f32 v6, v4;
	v6 =	vbroadcast v15, $0x0  }
0x17c: {  	v37 =	vld [tilespmem:s22+$0xFFFFFFF0];
	v5 =	vadd.f32 v7, v5;
	v7 =	vbroadcast v15, $0x5;
	v14 =	vbroadcast v15, $0x2  }
0x17d: {  	v33 =	vimm.f32 $0.0e+00;
	v36 =	vld [tilespmem:s22+$0x0];
	v8 =	vbroadcast v15, $0x9;
	v10 =	vbroadcast v15, $0x4  }
0x17e: {  	v34 =	vimm.f32 $0.0e+00;
	v17 =	vbroadcast v15, $0xD;
	v16 =	vbroadcast v15, $0x3  }
0x17f: {  	v35 =	vimm.f32 $0.0e+00;
	v18 =	vbroadcast v15, $0x6;
	v11 =	vbroadcast v15, $0x8  }
0x180: {  	v41 =	vimm.f32 $0.0e+00;
	v9 =	vbroadcast v15, $0xC;
	v12 =	vbroadcast v15, $0xA  }
0x181: {  	v40 =	vimm.f32 $0.0e+00;
	v19 =	vbroadcast v15, $0x7;
	v43 =	vbroadcast v15, $0xB  }
0x182: {  	v42 =	vbroadcast v15, $0xE;
	v38 =	vsub.f32 $0.0e+00, v37;
	v39 =	vsub.f32 $0.0e+00, v36  }
0x183: {  	vm0 =	vge.f32 v7, v4;
	vm1 =	vge.f32 v6, v4;
	vm6 =	vge.f32 v10, v4  }
0x184: {  	vm2 =	vge.f32 v17, v5;
	vm4 =	vge.f32 v8, v4;
	vm3 =	vge.f32 v9, v4  }
0x185: {  	vm5 =	vge.f32 v8, v5;
	vm7 =	vge.f32 v12, v5;
	vm8 =	vge.f32 v9, v5  }
0x186: {  	vm12 =	vge.f32 v12, v4;
	vm9 =	vge.f32 v18, v4;
	vm13 =	vge.f32 v11, v4  }
0x187: {  	vm10 =	vge.f32 v19, v5;
	vm11 =	vge.f32 v16, v4;
	vm15 =	vge.f32 v17, v4  }
0x188: {  	v8 =	vsel vm4, v39, v36;
	v13 =	vsel vm5, v38, v37;
	v9 =	vsel vm8, v38, v37  }
0x189: {  	vm5 =	vge.f32 v10, v5;
	v21 =	vsel vm7, v38, v37;
	vm4 =	vge.f32 v6, v5  }
0x18a: {  	v6 =	vsel vm9, v39, v36;
	v20 =	vsel vm12, v39, v36;
	vm7 =	vge.f32 v14, v5  }
0x18b: {  	vm8 =	vge.f32 v14, v4;
	vm9 =	vge.f32 v16, v5;
	vm12 =	vge.f32 v7, v5  }
0x18c: {  	v44 =	vsel vm3, v39, v36;
	v45 =	vsel vm0, v39, v36;
	vm3 =	vge.f32 v18, v5  }
0x18d: {  	v47 =	vsel vm2, v38, v37;
	v8 =	vadd.f32 v8, v27;
	v9 =	vadd.f32 v9, v27  }
0x18e: {  	v12 =	vsel vm5, v38, v37;
	v10 =	vadd.f32 v6, v27;
	vm5 =	vge.f32 v11, v5  }
0x18f: {  	v6 =	vbroadcast v15, $0xF;
	v11 =	vadd.f32 v13, v27;
	v13 =	vsel vm6, v39, v36  }
0x190: {  	vm6 =	vge.f32 v19, v4;
	v7 =	vsel vm9, v38, v37;
	v19 =	vsel vm11, v39, v36  }
0x191: {  	v22 =	vsel vm8, v39, v36;
	v23 =	vsel vm7, v38, v37;
	v16 =	vadd.f32 v20, v27  }
0x192: {  	v21 =	vadd.f32 v21, v27;
	v25 =	vsel vm12, v38, v37;
	v26 =	vadd.f32 v12, v27  }
0x193: {  	v12 =	vsel vm13, v39, v36;
	v13 =	vadd.f32 v13, v27;
	v14 =	vadd.f32 v7, v27  }
0x194: {  	v7 =	vbroadcast v15, $0x1;
	v15 =	vsel vm1, v39, v36;
	v17 =	vadd.f32 v22, v27  }
0x195: {  	v24 =	vsel vm6, v39, v36;
	v19 =	vadd.f32 v19, v27;
	v23 =	vadd.f32 v23, v27  }
0x196: {  	v22 =	vsel vm3, v38, v37;
	v25 =	vadd.f32 v25, v27;
	v12 =	vadd.f32 v12, v27  }
0x197: {  	vm0 =	vge.f32 v6, v5;
	vm1 =	vge.f32 v6, v4;
	v15 =	vadd.f32 v15, v27  }
0x198: {  	v6 =	vsel vm10, v38, v37;
	v18 =	vadd.f32 v24, v27;
	v22 =	vadd.f32 v22, v27  }
0x199: {  	vm14 =	vge.f32 v7, v5;
	v20 =	vadd.f32 v6, v27;
	v6 =	vsel vm15, v39, v36  }
0x19a: {  	vm3 =	vge.f32 v7, v4;
	v7 =	vsel vm5, v38, v37;
	vm5 =	vge.f32 v43, v5  }
0x19b: {  	v46 =	vsel vm5, v38, v37;
	v24 =	vadd.f32 v6, v27;
	v6 =	vsel vm4, v38, v37  }
0x19c: {  	s24 =	simm.s32 $0x40;
	v48 =	vsel vm14, v38, v37;
	v7 =	vadd.f32 v7, v27;
	v6 =	vadd.f32 v6, v27  }
.LBB2_14:
0x19d: {  	s23 =	smov.u32 s24  }
0x19e: {  	s25 =	sshra.s32 s24, $0x2;
	v27 =	vadd.f32 v48, v27;
	v28 =	vadd.f32 v45, v28;
	vm2 =	vge.f32 v43, v4;
	s22 =	sadd.s32 $0x20, s22;
	s23 =	sadd.s32 $0x40, s24  }
0x19f: {  	p0 =	sne.s32 s24, $0xFFC0;
	v29 =	vadd.f32 v44, v29;
	v44 =	vsel vm1, v39, v36;
	v43 =	vsel vm2, v39, v36;
	v48 =	vld [tilespmem:s25+$0x0]  }
0x1a0: {  	v45 =	vsel vm3, v39, v36;
	v31 =	vadd.f32 v44, v31;
	v30 =	vadd.f32 v43, v30  }
0x1a1: {  	v32 =	vadd.f32 v47, v32;
	vm1 =	vge.f32 v42, v5;
	v44 =	vsel vm0, v38, v37;
	v43 =	vld [tilespmem:s22+$0x0]  }
0x1a2: {  	v33 =	vadd.f32 v46, v33;
	vm0 =	vge.f32 v42, v4;
	v34 =	vadd.f32 v44, v34;
	v47 =	vld [tilespmem:s22+$0xFFFFFFF0]  }
0x1a3: {  	v35 =	vadd.f32 v45, v35;
	v37 =	vsel vm1, v38, v37;
	v36 =	vsel vm0, v39, v36  }
0x1a4: {  	v41 =	vadd.f32 v36, v41;
	v42 =	vbroadcast v48, $0x0;
	v44 =	vbroadcast v48, $0x5  }
0x1a5: {  	v40 =	vadd.f32 v37, v40;
	v45 =	vbroadcast v48, $0x2;
	v46 =	vbroadcast v48, $0x9  }
0x1a6: {  	v49 =	vbroadcast v48, $0x4;
	v50 =	vbroadcast v48, $0xD;
	vm0 =	vge.f32 v44, v4;
	v36 =	vmovc v43  }
0x1a7: {  	v51 =	vbroadcast v48, $0x3;
	v52 =	vbroadcast v48, $0x6;
	v38 =	vsub.f32 $0.0e+00, v47;
	v37 =	vmovc v47  }
0x1a8: {  	vm1 =	vge.f32 v42, v4;
	v43 =	vbroadcast v48, $0x8;
	v47 =	vbroadcast v48, $0xC  }
0x1a9: {  	v53 =	vbroadcast v48, $0xA;
	vm6 =	vge.f32 v49, v4;
	vm2 =	vge.f32 v50, v5  }
0x1aa: {  	vm4 =	vge.f32 v46, v4;
	v39 =	vsub.f32 $0.0e+00, v36;
	vm3 =	vge.f32 v47, v4  }
0x1ab: {  	vm5 =	vge.f32 v46, v5;
	vm7 =	vge.f32 v53, v5;
	vm8 =	vge.f32 v47, v5  }
0x1ac: {  	v46 =	vsel vm5, v38, v37;
	v47 =	vsel vm4, v39, v36;
	v54 =	vsel vm8, v38, v37  }
0x1ad: {  	v8 =	vadd.f32 v47, v8;
	vm8 =	vge.f32 v53, v4;
	v9 =	vadd.f32 v54, v9  }
0x1ae: {  	vm9 =	vge.f32 v52, v4;
	vm5 =	vge.f32 v49, v5;
	v47 =	vsel vm7, v38, v37  }
0x1af: {  	vm4 =	vge.f32 v42, v5;
	v42 =	vsel vm9, v39, v36;
	v49 =	vbroadcast v48, $0x7  }
0x1b0: {  	v53 =	vsel vm5, v38, v37;
	v10 =	vadd.f32 v42, v10;
	vm5 =	vge.f32 v43, v5  }
0x1b1: {  	vm7 =	vge.f32 v43, v4;
	v26 =	vadd.f32 v53, v26;
	v53 =	vbroadcast v48, $0xF  }
0x1b2: {  	v11 =	vadd.f32 v46, v11;
	v42 =	vsel vm7, v39, v36;
	v46 =	vsel vm8, v39, v36  }
0x1b3: {  	v43 =	vsel vm6, v39, v36;
	vm7 =	vge.f32 v49, v4;
	v12 =	vadd.f32 v42, v12  }
0x1b4: {  	vm8 =	vge.f32 v45, v5;
	v13 =	vadd.f32 v43, v13;
	v43 =	vbroadcast v48, $0xB  }
0x1b5: {  	vm10 =	vge.f32 v51, v5;
	vm9 =	vge.f32 v45, v4;
	vm11 =	vge.f32 v49, v5  }
0x1b6: {  	vm12 =	vge.f32 v51, v4;
	vm6 =	vge.f32 v44, v5;
	v44 =	vsel vm3, v39, v36  }
0x1b7: {  	v45 =	vsel vm10, v38, v37;
	v49 =	vsel vm12, v39, v36;
	v42 =	vbroadcast v48, $0xE  }
0x1b8: {  	v14 =	vadd.f32 v45, v14;
	v45 =	vsel vm0, v39, v36;
	vm0 =	vge.f32 v53, v5  }
0x1b9: {  	v51 =	vsel vm1, v39, v36;
	v54 =	vsel vm9, v39, v36;
	v48 =	vbroadcast v48, $0x1  }
0x1ba: {  	v55 =	vsel vm8, v38, v37;
	v56 =	vsel vm7, v39, v36;
	vm1 =	vge.f32 v53, v4  }
0x1bb: {  	vm3 =	vge.f32 v52, v5;
	v52 =	vsel vm11, v38, v37;
	vm7 =	vge.f32 v48, v5  }
0x1bc: {  	v15 =	vadd.f32 v51, v15;
	v16 =	vadd.f32 v46, v16;
	vm8 =	vge.f32 v50, v4  }
0x1bd: {  	v17 =	vadd.f32 v54, v17;
	v46 =	vsel vm3, v38, v37;
	v18 =	vadd.f32 v56, v18  }
0x1be: {  	v19 =	vadd.f32 v49, v19;
	v20 =	vadd.f32 v52, v20;
	v49 =	vsel vm8, v39, v36  }
.Ltmp6:
0x1bf: {  	v21 =	vadd.f32 v47, v21;
	v50 =	vsel vm5, v38, v37;
	vm3 =	vge.f32 v48, v4;
	(pc) =	sbr.rel @p0 .LBB2_14-.Ltmp6, $4  }
0x1c0: {  	v47 =	vsel vm6, v38, v37;
	v22 =	vadd.f32 v46, v22;
	vm5 =	vge.f32 v43, v5  }
0x1c1: {  	v23 =	vadd.f32 v55, v23;
	v46 =	vsel vm5, v38, v37;
	v24 =	vadd.f32 v49, v24  }
0x1c2: {  	v25 =	vadd.f32 v47, v25;
	v47 =	vsel vm2, v38, v37;
	v48 =	vsel vm4, v38, v37  }
0x1c3: {  	s24 =	smov.u32 s23;
	v7 =	vadd.f32 v50, v7;
	v6 =	vadd.f32 v48, v6;
	v48 =	vsel vm7, v38, v37  }
0x1c4: {  	[tilespmem:s19], [sflag:$0x1] =	stream.strided.gather [hbm4b:s11+s16], $0x8000, s17, s16, $0x38;
	[tilespmem:$0x16200] =	vst v63  }
0x1c5: {  	_ =	swait.ge [sflag:s15], $0x8000  }
0x1c6: {  	[sflag:s15] =	ssyncset.done $0x0  }
0x1c7: {  	s22 =	simm.s32 $0x0;
	[sflag:s15] =	ssyncadd.s32 $0xFFFF8000  }
0x1c8: {  	v27 =	vadd.f32 v48, v27;
	v28 =	vadd.f32 v45, v28;
	vm2 =	vge.f32 v43, v4;
	v48 =	vld [tilespmem:s22+$0x4000]  }
0x1c9: {  	v29 =	vadd.f32 v44, v29;
	v54 =	vsel vm1, v39, v36;
	v55 =	vsel vm3, v39, v36  }
0x1ca: {  	v32 =	vadd.f32 v47, v32;
	vm1 =	vge.f32 v42, v5;
	v56 =	vsel vm0, v38, v37  }
0x1cb: {  	v33 =	vadd.f32 v46, v33;
	vm0 =	vge.f32 v42, v4;
	v43 =	vsel vm2, v39, v36  }
0x1cc: {  	v31 =	vadd.f32 v54, v31;
	v57 =	vsel vm1, v38, v37;
	v58 =	vsel vm0, v39, v36;
	s22 =	simm.s32 $0xC010  }
0x1cd: {  	v30 =	vadd.f32 v43, v30;
	v42 =	vld [tilespmem:s22+$0xFFFFFFF0];
	v59 =	vbroadcast v48, $0x0;
	v39 =	vbroadcast v48, $0x5  }
0x1ce: {  	v37 =	vadd.f32 v57, v40;
	v43 =	vld [tilespmem:s22+$0x0];
	v40 =	vbroadcast v48, $0x2;
	v60 =	vbroadcast v48, $0x9  }
0x1cf: {  	v34 =	vadd.f32 v56, v34;
	v61 =	vbroadcast v48, $0x4;
	v49 =	vbroadcast v48, $0xD  }
0x1d0: {  	v35 =	vadd.f32 v55, v35;
	v62 =	vbroadcast v48, $0x3;
	v50 =	vbroadcast v48, $0x6  }
0x1d1: {  	v36 =	vadd.f32 v58, v41;
	v51 =	vbroadcast v48, $0x8;
	v52 =	vbroadcast v48, $0xC  }
0x1d2: {  	v53 =	vbroadcast v48, $0xA;
	v57 =	vbroadcast v48, $0x7;
	v45 =	vsub.f32 $0.0e+00, v42  }
0x1d3: {  	v46 =	vsub.f32 $0.0e+00, v43;
	vm0 =	vge.f32 v39, v4;
	vm2 =	vge.f32 v59, v4  }
0x1d4: {  	vm6 =	vge.f32 v61, v4;
	vm1 =	vge.f32 v49, v5;
	vm3 =	vge.f32 v60, v4  }
0x1d5: {  	vm4 =	vge.f32 v52, v4;
	vm5 =	vge.f32 v60, v5;
	vm7 =	vge.f32 v53, v5  }
0x1d6: {  	vm8 =	vge.f32 v52, v5;
	vm15 =	vge.f32 v53, v4;
	vm9 =	vge.f32 v50, v4  }
0x1d7: {  	vm10 =	vge.f32 v57, v5;
	vm11 =	vge.f32 v62, v4;
	vm12 =	vge.f32 v39, v5  }
0x1d8: {  	v41 =	vsel vm5, v45, v42;
	v63 =	vsel vm3, v46, v43;
	v54 =	vsel vm8, v45, v42  }
0x1d9: {  	vm5 =	vge.f32 v61, v5;
	v52 =	vsel vm7, v45, v42;
	vm3 =	vge.f32 v59, v5  }
0x1da: {  	v56 =	vsel vm9, v46, v43;
	vm7 =	vge.f32 v51, v4;
	vm8 =	vge.f32 v40, v4  }
0x1db: {  	vm9 =	vge.f32 v62, v5;
	v44 =	vsel vm4, v46, v43;
	v61 =	vsel vm11, v46, v43  }
0x1dc: {  	v47 =	vsel vm0, v46, v43;
	v62 =	vsel vm2, v46, v43;
	vm4 =	vge.f32 v50, v5  }
0x1dd: {  	v8 =	vadd.f32 v63, v8;
	v9 =	vadd.f32 v54, v9;
	v58 =	vsel vm5, v45, v42  }
0x1de: {  	v10 =	vadd.f32 v56, v10;
	vm5 =	vge.f32 v51, v5;
	v51 =	vbroadcast v48, $0xF  }
0x1df: {  	v59 =	vsel vm7, v46, v43;
	v38 =	vadd.f32 v41, v11;
	v54 =	vsel vm15, v46, v43  }
0x1e0: {  	v11 =	vsel vm6, v46, v43;
	vm6 =	vge.f32 v57, v4;
	vm7 =	vge.f32 v40, v5  }
0x1e1: {  	v41 =	vbroadcast v48, $0xB;
	v60 =	vsel vm9, v45, v42;
	v15 =	vadd.f32 v62, v15  }
0x1e2: {  	v63 =	vsel vm8, v46, v43;
	v19 =	vadd.f32 v61, v19;
	v21 =	vadd.f32 v52, v21  }
0x1e3: {  	v62 =	vsel vm12, v45, v42;
	v26 =	vadd.f32 v58, v26;
	v12 =	vadd.f32 v59, v12  }
0x1e4: {  	v13 =	vadd.f32 v11, v13;
	v11 =	vbroadcast v48, $0xE;
	v14 =	vadd.f32 v60, v14  }
0x1e5: {  	v48 =	vbroadcast v48, $0x1;
	v55 =	vsel vm7, v45, v42;
	v56 =	vsel vm6, v46, v43  }
0x1e6: {  	v58 =	vsel vm10, v45, v42;
	v16 =	vadd.f32 v54, v16;
	vm7 =	vge.f32 v49, v4  }
0x1e7: {  	v17 =	vadd.f32 v63, v17;
	v59 =	vsel vm4, v45, v42;
	v61 =	vsel vm5, v45, v42  }
0x1e8: {  	v63 =	vsel vm3, v45, v42;
	v25 =	vadd.f32 v62, v25;
	v49 =	vsel vm1, v45, v42  }
0x1e9: {  	vm0 =	vge.f32 v51, v5;
	vm2 =	vge.f32 v51, v4;
	v18 =	vadd.f32 v56, v18  }
0x1ea: {  	v20 =	vadd.f32 v58, v20;
	v60 =	vsel vm7, v46, v43;
	v22 =	vadd.f32 v59, v22  }
0x1eb: {  	vm5 =	vge.f32 v41, v5;
	v23 =	vadd.f32 v55, v23;
	v39 =	vadd.f32 v63, v6  }
0x1ec: {  	v40 =	vadd.f32 v61, v7;
	vm6 =	vge.f32 v48, v5;
	vm4 =	vge.f32 v48, v4  }
0x1ed: {  	s24 =	simm.s32 $0x40;
	v48 =	vsel vm5, v45, v42;
	v24 =	vadd.f32 v60, v24;
	v6 =	vsel vm6, v45, v42  }
.LBB2_16:
0x1ee: {  	s23 =	smov.u32 s24  }
0x1ef: {  	s25 =	sshra.s32 s24, $0x2;
	v27 =	vadd.f32 v6, v27;
	v28 =	vadd.f32 v47, v28;
	vm1 =	vge.f32 v41, v4;
	s22 =	sadd.s32 $0x20, s22;
	s23 =	sadd.s32 $0x40, s24  }
0x1f0: {  	p0 =	sne.s32 s24, $0xFFC0;
	v29 =	vadd.f32 v44, v29;
	v41 =	vsel vm2, v46, v43;
	v7 =	vsel vm1, v46, v43;
	v6 =	vld [tilespmem:s25+$0x4000]  }
0x1f1: {  	v44 =	vsel vm4, v46, v43;
	v31 =	vadd.f32 v41, v31;
	v30 =	vadd.f32 v7, v30  }
0x1f2: {  	v32 =	vadd.f32 v49, v32;
	vm1 =	vge.f32 v11, v5;
	v41 =	vsel vm0, v45, v42;
	v7 =	vld [tilespmem:s22+$0x0]  }
0x1f3: {  	v33 =	vadd.f32 v48, v33;
	vm0 =	vge.f32 v11, v4;
	v34 =	vadd.f32 v41, v34;
	v47 =	vld [tilespmem:s22+$0xFFFFFFF0]  }
0x1f4: {  	v35 =	vadd.f32 v44, v35;
	v11 =	vsel vm1, v45, v42;
	v41 =	vsel vm0, v46, v43  }
0x1f5: {  	v36 =	vadd.f32 v41, v36;
	v44 =	vbroadcast v6, $0x0;
	v48 =	vbroadcast v6, $0x5  }
0x1f6: {  	v37 =	vadd.f32 v11, v37;
	v49 =	vbroadcast v6, $0x2;
	v41 =	vbroadcast v6, $0x9  }
0x1f7: {  	v11 =	vbroadcast v6, $0x4;
	v50 =	vbroadcast v6, $0xD;
	vm0 =	vge.f32 v48, v4;
	v43 =	vmovc v7  }
0x1f8: {  	v51 =	vbroadcast v6, $0x6;
	v7 =	vbroadcast v6, $0x3;
	v45 =	vsub.f32 $0.0e+00, v47;
	v42 =	vmovc v47  }
0x1f9: {  	v52 =	vbroadcast v6, $0xC;
	vm2 =	vge.f32 v44, v4;
	v47 =	vbroadcast v6, $0x8  }
0x1fa: {  	v53 =	vbroadcast v6, $0xA;
	vm6 =	vge.f32 v11, v4;
	vm1 =	vge.f32 v50, v5  }
0x1fb: {  	vm3 =	vge.f32 v41, v4;
	vm4 =	vge.f32 v52, v4;
	v46 =	vsub.f32 $0.0e+00, v43  }
0x1fc: {  	vm5 =	vge.f32 v41, v5;
	vm7 =	vge.f32 v53, v5;
	vm8 =	vge.f32 v52, v5  }
0x1fd: {  	v41 =	vsel vm5, v45, v42;
	v52 =	vsel vm3, v46, v43;
	v54 =	vsel vm8, v45, v42  }
0x1fe: {  	vm8 =	vge.f32 v53, v4;
	v8 =	vadd.f32 v52, v8;
	v9 =	vadd.f32 v54, v9  }
0x1ff: {  	vm9 =	vge.f32 v51, v4;
	vm5 =	vge.f32 v11, v5;
	v52 =	vsel vm7, v45, v42  }
0x200: {  	vm3 =	vge.f32 v44, v5;
	v11 =	vsel vm9, v46, v43;
	v44 =	vbroadcast v6, $0x7  }
0x201: {  	v53 =	vsel vm5, v45, v42;
	v10 =	vadd.f32 v11, v10;
	vm5 =	vge.f32 v47, v5  }
0x202: {  	vm7 =	vge.f32 v47, v4;
	v26 =	vadd.f32 v53, v26;
	v53 =	vbroadcast v6, $0xF  }
0x203: {  	v38 =	vadd.f32 v41, v38;
	v54 =	vsel vm8, v46, v43;
	v11 =	vsel vm7, v46, v43  }
0x204: {  	v41 =	vsel vm6, v46, v43;
	vm7 =	vge.f32 v44, v4;
	v12 =	vadd.f32 v11, v12  }
0x205: {  	vm8 =	vge.f32 v49, v5;
	v13 =	vadd.f32 v41, v13;
	v41 =	vbroadcast v6, $0xB  }
0x206: {  	vm10 =	vge.f32 v7, v5;
	vm9 =	vge.f32 v49, v4;
	vm11 =	vge.f32 v44, v5  }
0x207: {  	vm12 =	vge.f32 v7, v4;
	vm6 =	vge.f32 v48, v5;
	v44 =	vsel vm4, v46, v43  }
0x208: {  	v7 =	vsel vm10, v45, v42;
	v48 =	vsel vm12, v46, v43;
	v11 =	vbroadcast v6, $0xE  }
0x209: {  	v14 =	vadd.f32 v7, v14;
	v47 =	vsel vm0, v46, v43;
	vm0 =	vge.f32 v53, v5  }
0x20a: {  	v7 =	vsel vm2, v46, v43;
	v49 =	vsel vm9, v46, v43;
	v6 =	vbroadcast v6, $0x1  }
0x20b: {  	v55 =	vsel vm8, v45, v42;
	v56 =	vsel vm7, v46, v43;
	vm2 =	vge.f32 v53, v4  }
0x20c: {  	vm4 =	vge.f32 v51, v5;
	v51 =	vsel vm11, v45, v42;
	vm7 =	vge.f32 v6, v5  }
0x20d: {  	v15 =	vadd.f32 v7, v15;
	v16 =	vadd.f32 v54, v16;
	vm8 =	vge.f32 v50, v4  }
0x20e: {  	v17 =	vadd.f32 v49, v17;
	v7 =	vsel vm4, v45, v42;
	v18 =	vadd.f32 v56, v18  }
0x20f: {  	v19 =	vadd.f32 v48, v19;
	v49 =	vsel vm8, v46, v43;
	v20 =	vadd.f32 v51, v20  }
.Ltmp7:
0x210: {  	v50 =	vsel vm5, v45, v42;
	v21 =	vadd.f32 v52, v21;
	vm4 =	vge.f32 v6, v4;
	(pc) =	sbr.rel @p0 .LBB2_16-.Ltmp7, $4  }
0x211: {  	v22 =	vadd.f32 v7, v22;
	vm5 =	vge.f32 v41, v5;
	v6 =	vsel vm6, v45, v42  }
0x212: {  	v23 =	vadd.f32 v55, v23;
	v24 =	vadd.f32 v49, v24;
	v48 =	vsel vm5, v45, v42  }
0x213: {  	v7 =	vsel vm3, v45, v42;
	v49 =	vsel vm1, v45, v42;
	v25 =	vadd.f32 v6, v25  }
0x214: {  	s24 =	smov.u32 s23;
	v40 =	vadd.f32 v50, v40;
	v39 =	vadd.f32 v7, v39;
	v6 =	vsel vm7, v45, v42  }
0x215: {  	[tilespmem:s19], [sflag:$0x1] =	stream.strided.gather [hbm4b:s12+s16], $0x8000, s17, s16, $0x38;
	[tilespmem:$0x16200] =	vst v63  }
0x216: {  	_ =	swait.ge [sflag:s15], $0x8000  }
0x217: {  	[sflag:s15] =	ssyncset.done $0x0  }
0x218: {  	s22 =	simm.s32 $0x0;
	[sflag:s15] =	ssyncadd.s32 $0xFFFF8000  }
0x219: {  	v27 =	vadd.f32 v6, v27;
	v28 =	vadd.f32 v47, v28;
	v47 =	vld [tilespmem:s22+$0x8000]  }
0x21a: {  	vm1 =	vge.f32 v41, v4;
	v29 =	vadd.f32 v44, v29;
	v7 =	vsel vm2, v46, v43  }
0x21b: {  	v62 =	vsel vm4, v46, v43;
	v6 =	vsel vm1, v46, v43;
	v31 =	vadd.f32 v7, v31  }
0x21c: {  	vm1 =	vge.f32 v11, v5;
	v30 =	vadd.f32 v6, v30;
	v6 =	vsel vm0, v45, v42  }
0x21d: {  	v41 =	vadd.f32 v62, v35;
	vm0 =	vge.f32 v11, v4;
	v34 =	vadd.f32 v6, v34  }
0x21e: {  	v6 =	vsel vm1, v45, v42;
	v7 =	vsel vm0, v46, v43;
	v11 =	vbroadcast v47, $0x0  }
0x21f: {  	s22 =	simm.s32 $0xC010;
	v35 =	vadd.f32 v7, v36;
	v63 =	vbroadcast v47, $0x5;
	v57 =	vbroadcast v47, $0x2  }
0x220: {  	v36 =	vadd.f32 v6, v37;
	v44 =	vld [tilespmem:s22+$0xFFFFFFF0];
	v6 =	vbroadcast v47, $0x9;
	v58 =	vbroadcast v47, $0x4  }
0x221: {  	v42 =	vld [tilespmem:s22+$0x0];
	v52 =	vbroadcast v47, $0xD;
	v50 =	vbroadcast v47, $0x3  }
0x222: {  	v53 =	vbroadcast v47, $0x6;
	v59 =	vbroadcast v47, $0x8  }
0x223: {  	v32 =	vadd.f32 v49, v32;
	v7 =	vbroadcast v47, $0xC;
	v51 =	vbroadcast v47, $0xA  }
0x224: {  	v33 =	vadd.f32 v48, v33;
	v60 =	vbroadcast v47, $0x7;
	v49 =	vbroadcast v47, $0xB  }
0x225: {  	v48 =	vbroadcast v47, $0xE;
	v56 =	vbroadcast v47, $0x1;
	v43 =	vsub.f32 $0.0e+00, v44  }
0x226: {  	v45 =	vsub.f32 $0.0e+00, v42;
	vm0 =	vge.f32 v63, v4;
	vm2 =	vge.f32 v11, v4  }
0x227: {  	vm6 =	vge.f32 v58, v4;
	vm1 =	vge.f32 v52, v5;
	vm3 =	vge.f32 v6, v4  }
0x228: {  	vm4 =	vge.f32 v7, v4;
	vm5 =	vge.f32 v6, v5;
	vm7 =	vge.f32 v51, v5  }
0x229: {  	vm8 =	vge.f32 v7, v5;
	vm15 =	vge.f32 v51, v4;
	vm9 =	vge.f32 v53, v4  }
0x22a: {  	vm10 =	vge.f32 v60, v5;
	vm11 =	vge.f32 v50, v4;
	vm12 =	vge.f32 v63, v5  }
0x22b: {  	v54 =	vsel vm5, v43, v44;
	v6 =	vsel vm3, v45, v42;
	v55 =	vsel vm8, v43, v44  }
0x22c: {  	vm5 =	vge.f32 v58, v5;
	vm3 =	vge.f32 v11, v5;
	v61 =	vsel vm15, v45, v42  }
0x22d: {  	v62 =	vsel vm6, v45, v42;
	vm6 =	vge.f32 v60, v4;
	vm8 =	vge.f32 v57, v4  }
0x22e: {  	v51 =	vsel vm0, v45, v42;
	v7 =	vadd.f32 v6, v8;
	v6 =	vadd.f32 v55, v9  }
0x22f: {  	v55 =	vsel vm7, v43, v44;
	v8 =	vsel vm9, v45, v42;
	v9 =	vsel vm5, v43, v44  }
0x230: {  	vm5 =	vge.f32 v59, v5;
	vm7 =	vge.f32 v59, v4;
	v37 =	vadd.f32 v62, v13  }
0x231: {  	vm9 =	vge.f32 v50, v5;
	v50 =	vsel vm4, v45, v42;
	v13 =	vsel vm11, v45, v42  }
0x232: {  	v58 =	vsel vm6, v45, v42;
	vm6 =	vge.f32 v56, v5;
	vm4 =	vge.f32 v53, v5  }
0x233: {  	v11 =	vadd.f32 v8, v10;
	v26 =	vadd.f32 v9, v26;
	v10 =	vbroadcast v47, $0xF  }
0x234: {  	v9 =	vsel vm7, v45, v42;
	v8 =	vadd.f32 v54, v38;
	vm7 =	vge.f32 v57, v5  }
0x235: {  	v63 =	vsel vm5, v43, v44;
	vm5 =	vge.f32 v49, v5;
	v9 =	vadd.f32 v9, v12  }
0x236: {  	v12 =	vsel vm9, v43, v44;
	v57 =	vsel vm7, v43, v44;
	vm7 =	vge.f32 v52, v4  }
0x237: {  	v38 =	vadd.f32 v12, v14;
	vm0 =	vge.f32 v10, v5;
	v12 =	vsel vm2, v45, v42  }
0x238: {  	v14 =	vsel vm8, v45, v42;
	vm2 =	vge.f32 v10, v4;
	v47 =	vadd.f32 v12, v15  }
0x239: {  	v10 =	vsel vm10, v43, v44;
	v12 =	vadd.f32 v61, v16;
	v46 =	vadd.f32 v14, v17  }
0x23a: {  	v16 =	vsel vm4, v43, v44;
	v14 =	vadd.f32 v58, v18;
	v18 =	vadd.f32 v13, v19  }
0x23b: {  	v15 =	vadd.f32 v10, v20;
	v10 =	vsel vm7, v45, v42;
	vm4 =	vge.f32 v56, v4  }
0x23c: {  	v13 =	vadd.f32 v55, v21;
	v19 =	vsel vm12, v43, v44;
	v20 =	vadd.f32 v57, v23  }
0x23d: {  	v23 =	vsel vm5, v43, v44;
	v17 =	vadd.f32 v16, v22;
	v10 =	vadd.f32 v10, v24  }
0x23e: {  	v16 =	vsel vm3, v43, v44;
	v19 =	vadd.f32 v19, v25;
	v24 =	vsel vm1, v43, v44  }
0x23f: {  	s24 =	simm.s32 $0x40;
	v22 =	vsel vm6, v43, v44;
	v21 =	vadd.f32 v16, v39;
	v16 =	vadd.f32 v63, v40  }
.LBB2_18:
0x240: {  	s23 =	smov.u32 s24  }
0x241: {  	s25 =	sshra.s32 s24, $0x2;
	v27 =	vadd.f32 v22, v27;
	v28 =	vadd.f32 v51, v28;
	vm1 =	vge.f32 v49, v4;
	s22 =	sadd.s32 $0x20, s22;
	s23 =	sadd.s32 $0x40, s24  }
0x242: {  	p0 =	sne.s32 s24, $0xFFC0;
	v29 =	vadd.f32 v50, v29;
	v39 =	vsel vm2, v45, v42;
	v25 =	vsel vm1, v45, v42;
	v22 =	vld [tilespmem:s25+$0x8000]  }
0x243: {  	v40 =	vsel vm4, v45, v42;
	v31 =	vadd.f32 v39, v31;
	v30 =	vadd.f32 v25, v30  }
0x244: {  	v32 =	vadd.f32 v24, v32;
	v24 =	vsel vm0, v43, v44;
	vm1 =	vge.f32 v48, v5;
	v25 =	vld [tilespmem:s22+$0x0]  }
0x245: {  	v33 =	vadd.f32 v23, v33;
	vm0 =	vge.f32 v48, v4;
	v34 =	vadd.f32 v24, v34;
	v39 =	vld [tilespmem:s22+$0xFFFFFFF0]  }
0x246: {  	v41 =	vadd.f32 v40, v41;
	v24 =	vsel vm0, v45, v42;
	v23 =	vsel vm1, v43, v44  }
0x247: {  	v35 =	vadd.f32 v24, v35;
	v40 =	vbroadcast v22, $0x0;
	v48 =	vbroadcast v22, $0x5  }
0x248: {  	v36 =	vadd.f32 v23, v36;
	v24 =	vbroadcast v22, $0x2;
	v49 =	vbroadcast v22, $0x9  }
0x249: {  	v23 =	vbroadcast v22, $0x4;
	v52 =	vbroadcast v22, $0xD;
	vm0 =	vge.f32 v48, v4;
	v42 =	vmovc v25  }
0x24a: {  	v53 =	vbroadcast v22, $0x6;
	v25 =	vbroadcast v22, $0x3;
	v43 =	vsub.f32 $0.0e+00, v39;
	v44 =	vmovc v39  }
0x24b: {  	v50 =	vbroadcast v22, $0xC;
	vm2 =	vge.f32 v40, v4;
	v39 =	vbroadcast v22, $0x8  }
0x24c: {  	v51 =	vbroadcast v22, $0xA;
	vm6 =	vge.f32 v23, v4;
	vm1 =	vge.f32 v52, v5  }
0x24d: {  	vm3 =	vge.f32 v49, v4;
	vm4 =	vge.f32 v50, v4;
	v45 =	vsub.f32 $0.0e+00, v42  }
0x24e: {  	vm5 =	vge.f32 v49, v5;
	vm7 =	vge.f32 v51, v5;
	vm8 =	vge.f32 v50, v5  }
0x24f: {  	v49 =	vsel vm5, v43, v44;
	v50 =	vsel vm3, v45, v42;
	v54 =	vsel vm8, v43, v44  }
0x250: {  	vm8 =	vge.f32 v51, v4;
	v7 =	vadd.f32 v50, v7;
	v6 =	vadd.f32 v54, v6  }
0x251: {  	vm9 =	vge.f32 v53, v4;
	vm5 =	vge.f32 v23, v5;
	v23 =	vsel vm7, v43, v44  }
0x252: {  	vm3 =	vge.f32 v40, v5;
	v40 =	vsel vm9, v45, v42;
	v50 =	vbroadcast v22, $0x7  }
0x253: {  	v51 =	vsel vm5, v43, v44;
	v11 =	vadd.f32 v40, v11;
	vm5 =	vge.f32 v39, v5  }
0x254: {  	vm7 =	vge.f32 v39, v4;
	v39 =	vbroadcast v22, $0xF;
	v26 =	vadd.f32 v51, v26  }
0x255: {  	v40 =	vsel vm7, v45, v42;
	v8 =	vadd.f32 v49, v8;
	v54 =	vsel vm8, v45, v42  }
0x256: {  	v49 =	vsel vm6, v45, v42;
	v9 =	vadd.f32 v40, v9;
	vm7 =	vge.f32 v50, v4  }
0x257: {  	vm8 =	vge.f32 v24, v5;
	v37 =	vadd.f32 v49, v37;
	v49 =	vbroadcast v22, $0xB  }
0x258: {  	vm10 =	vge.f32 v25, v5;
	vm9 =	vge.f32 v24, v4;
	vm11 =	vge.f32 v50, v5  }
0x259: {  	vm12 =	vge.f32 v25, v4;
	vm6 =	vge.f32 v48, v5;
	v50 =	vsel vm4, v45, v42  }
0x25a: {  	v25 =	vsel vm12, v45, v42;
	v24 =	vsel vm10, v43, v44;
	v48 =	vbroadcast v22, $0xE  }
0x25b: {  	v38 =	vadd.f32 v24, v38;
	v51 =	vsel vm0, v45, v42;
	vm0 =	vge.f32 v39, v5  }
0x25c: {  	v24 =	vsel vm2, v45, v42;
	v22 =	vbroadcast v22, $0x1;
	v40 =	vsel vm9, v45, v42  }
0x25d: {  	v55 =	vsel vm8, v43, v44;
	vm2 =	vge.f32 v39, v4;
	v56 =	vsel vm7, v45, v42  }
0x25e: {  	vm4 =	vge.f32 v53, v5;
	vm7 =	vge.f32 v22, v5;
	v39 =	vsel vm11, v43, v44  }
0x25f: {  	v12 =	vadd.f32 v54, v12;
	vm8 =	vge.f32 v52, v4;
	v47 =	vadd.f32 v24, v47  }
0x260: {  	v46 =	vadd.f32 v40, v46;
	v24 =	vsel vm4, v43, v44;
	v14 =	vadd.f32 v56, v14  }
0x261: {  	v18 =	vadd.f32 v25, v18;
	v25 =	vsel vm8, v45, v42;
	v15 =	vadd.f32 v39, v15  }
.Ltmp8:
0x262: {  	v13 =	vadd.f32 v23, v13;
	vm4 =	vge.f32 v22, v4;
	v39 =	vsel vm5, v43, v44;
	(pc) =	sbr.rel @p0 .LBB2_18-.Ltmp8, $4  }
0x263: {  	v22 =	vsel vm6, v43, v44;
	v17 =	vadd.f32 v24, v17;
	vm5 =	vge.f32 v49, v5  }
0x264: {  	v20 =	vadd.f32 v55, v20;
	v10 =	vadd.f32 v25, v10;
	v23 =	vsel vm5, v43, v44  }
0x265: {  	v25 =	vsel vm3, v43, v44;
	v19 =	vadd.f32 v22, v19;
	v24 =	vsel vm1, v43, v44  }
0x266: {  	s24 =	smov.u32 s23;
	v21 =	vadd.f32 v25, v21;
	v22 =	vsel vm7, v43, v44;
	v16 =	vadd.f32 v39, v16  }
0x267: {  	v25 =	vadd.f32 v22, v27  }
0x268: {  	v27 =	vadd.f32 v51, v28;
	vm1 =	vge.f32 v49, v4;
	v28 =	vadd.f32 v50, v29  }
0x269: {  	v63 =	vsel vm2, v45, v42;
	v49 =	vmul.f32 v47, v2;
	v20 =	vmul.f32 v20, v3  }
0x26a: {  	v39 =	vsel vm4, v45, v42;
	v53 =	vmul.f32 v46, v2;
	v55 =	vmul.f32 v38, v3  }
0x26b: {  	vm6 =	vge.f32 v48, v5;
	v57 =	vmul.f32 v18, v2;
	v59 =	vmul.f32 v26, v3  }
0x26c: {  	v40 =	vsel vm0, v43, v44;
	v61 =	vmul.f32 v37, v2;
	v19 =	vmul.f32 v19, v3  }
0x26d: {  	v23 =	vadd.f32 v23, v33;
	v17 =	vmul.f32 v17, v3;
	v15 =	vmul.f32 v15, v3  }
0x26e: {  	vm7 =	vge.f32 v48, v4;
	v38 =	vmul.f32 v9, v2;
	v8 =	vmul.f32 v8, v3  }
0x26f: {  	v6 =	vmul.f32 v6, v3;
	v62 =	vsel vm1, v45, v42;
	vm9 =	vgt.f32 v49, $0.0e+00  }
0x270: {  	v22 =	vadd.f32 v63, v31;
	vm12 =	vgt.f32 v20, $0.0e+00;
	v52 =	vsel vm9, $0x3F800000, v1  }
0x271: {  	v4 =	vadd.f32 v40, v34;
	vm13 =	vgt.f32 v53, $0.0e+00;
	v56 =	vsel vm12, $0x3F800000, v1;
	[tilespmem:$0x16010] =	vst v52  }
0x272: {  	v41 =	vadd.f32 v39, v41;
	vm14 =	vgt.f32 v55, $0.0e+00;
	v58 =	vsel vm13, $0x3F800000, v1;
	[tilespmem:$0x16040] =	vst v56  }
0x273: {  	v21 =	vmul.f32 v21, v3;
	vm15 =	vgt.f32 v57, $0.0e+00;
	v60 =	vsel vm14, $0x3F800000, v1;
	[tilespmem:$0x16050] =	vst v58  }
0x274: {  	v30 =	vadd.f32 v62, v30;
	vm4 =	vgt.f32 v59, $0.0e+00;
	v62 =	vsel vm15, $0x3F800000, v1;
	[tilespmem:$0x16060] =	vst v60  }
0x275: {  	v48 =	vsel vm6, v43, v44;
	vm5 =	vgt.f32 v61, $0.0e+00;
	v63 =	vsel vm4, $0x3F800000, v1;
	[tilespmem:$0x16070] =	vst v62  }
0x276: {  	v50 =	vmul.f32 v25, v3;
	vm6 =	vgt.f32 v19, $0.0e+00;
	v25 =	vsel vm5, $0x3F800000, v1;
	[tilespmem:$0x16080] =	vst v63  }
0x277: {  	v45 =	vsel vm7, v45, v42;
	vm8 =	vgt.f32 v21, $0.0e+00;
	v26 =	vsel vm6, $0x3F800000, v1;
	[tilespmem:$0x16090] =	vst v25  }
0x278: {  	v43 =	vmul.f32 v13, v3;
	vm13 =	vgt.f32 v38, $0.0e+00;
	v51 =	vsel vm8, $0x3F800000, v1;
	[tilespmem:$0x160A0] =	vst v26  }
0x279: {  	v29 =	vadd.f32 v45, v35;
	vm14 =	vgt.f32 v8, $0.0e+00;
	v42 =	vsel vm13, $0x3F800000, v1;
	[tilespmem:$0x16000] =	vst v51  }
0x27a: {  	v31 =	vadd.f32 v48, v36;
	vm4 =	vgt.f32 v43, $0.0e+00;
	v44 =	vsel vm14, $0x3F800000, v1;
	[tilespmem:$0x16110] =	vst v42  }
0x27b: {  	v36 =	vmul.f32 v16, v3;
	vm10 =	vgt.f32 v50, $0.0e+00;
	v48 =	vsel vm4, $0x3F800000, v1;
	[tilespmem:$0x16120] =	vst v44  }
0x27c: {  	v45 =	vmul.f32 v12, v2;
	vm8 =	vgt.f32 v17, $0.0e+00;
	v21 =	vsel vm10, $0x3F800000, v1;
	[tilespmem:$0x16140] =	vst v48  }
0x27d: {  	v47 =	vmul.f32 v23, v3;
	vm12 =	vgt.f32 v36, $0.0e+00;
	v33 =	vsel vm8, $0x3F800000, v1;
	[tilespmem:$0x16020] =	vst v21  }
0x27e: {  	v5 =	vmul.f32 v41, v2;
	vm5 =	vgt.f32 v45, $0.0e+00;
	v40 =	vsel vm12, $0x3F800000, v1;
	[tilespmem:$0x160C0] =	vst v33  }
0x27f: {  	v34 =	vmul.f32 v14, v2;
	vm6 =	vgt.f32 v47, $0.0e+00;
	v50 =	vsel vm5, $0x3F800000, v1;
	[tilespmem:$0x16100] =	vst v40  }
0x280: {  	v41 =	vmul.f32 v7, v2;
	vm11 =	vgt.f32 v5, $0.0e+00;
	v51 =	vsel vm6, $0x3F800000, v1;
	[tilespmem:$0x16150] =	vst v50  }
0x281: {  	v49 =	vmul.f32 v30, v2;
	vm10 =	vgt.f32 v15, $0.0e+00;
	v54 =	vsel vm11, $0x3F800000, v1;
	[tilespmem:$0x16160] =	vst v51  }
0x282: {  	v52 =	vmul.f32 v28, v2;
	vm15 =	vgt.f32 v41, $0.0e+00;
	v37 =	vsel vm10, $0x3F800000, v1;
	[tilespmem:$0x16030] =	vst v54  }
0x283: {  	v58 =	vmul.f32 v31, v3;
	vm8 =	vgt.f32 v6, $0.0e+00;
	v46 =	vsel vm15, $0x3F800000, v1;
	[tilespmem:$0x160E0] =	vst v37  }
0x284: {  	v60 =	vmul.f32 v29, v2;
	vm11 =	vgt.f32 v34, $0.0e+00;
	v55 =	vsel vm8, $0x3F800000, v1;
	[tilespmem:$0x16130] =	vst v46  }
0x285: {  	v56 =	vmul.f32 v10, v2;
	vm12 =	vgt.f32 v58, $0.0e+00;
	v39 =	vsel vm11, $0x3F800000, v1;
	[tilespmem:$0x16180] =	vst v55  }
0x286: {  	v21 =	vmul.f32 v27, v2;
	vm13 =	vgt.f32 v60, $0.0e+00;
	v62 =	vsel vm12, $0x3F800000, v1;
	[tilespmem:$0x160F0] =	vst v39  }
0x287: {  	v27 =	vmul.f32 v11, v2;
	vm11 =	vgt.f32 v56, $0.0e+00;
	v63 =	vsel vm13, $0x3F800000, v1;
	[tilespmem:$0x161C0] =	vst v62  }
0x288: {  	v2 =	vmul.f32 v22, v2;
	vm7 =	vgt.f32 v21, $0.0e+00;
	v61 =	vsel vm11, $0x3F800000, v1;
	[tilespmem:$0x161D0] =	vst v63  }
0x289: {  	v24 =	vadd.f32 v24, v32;
	vm9 =	vgt.f32 v27, $0.0e+00;
	v32 =	vsel vm7, $0x3F800000, v1;
	[tilespmem:$0x161B0] =	vst v61  }
0x28a: {  	vm15 =	vgt.f32 v2, $0.0e+00;
	v35 =	vsel vm9, $0x3F800000, v1;
	[tilespmem:$0x160B0] =	vst v32  }
0x28b: {  	v54 =	vmul.f32 v24, v3;
	vm7 =	vgt.f32 v49, $0.0e+00;
	v2 =	vsel vm15, $0x3F800000, v1;
	[tilespmem:$0x160D0] =	vst v35  }
0x28c: {  	v3 =	vmul.f32 v4, v3;
	vm9 =	vgt.f32 v52, $0.0e+00;
	v53 =	vsel vm7, $0x3F800000, v1;
	[tilespmem:$0x161F0] =	vst v2  }
0x28d: {  	vm10 =	vgt.f32 v54, $0.0e+00;
	v57 =	vsel vm9, $0x3F800000, v1;
	[tilespmem:$0x16170] =	vst v53  }
0x28e: {  	s21 =	sadd.s32 $0x1, s21;
	vm14 =	vgt.f32 v3, $0.0e+00;
	v59 =	vsel vm10, $0x3F800000, v1;
	[tilespmem:$0x16190] =	vst v57  }
0x28f: {  	p0 =	sne.s32 s21, s14;
	v3 =	vsel vm14, $0x3F800000, v1;
	[tilespmem:$0x161A0] =	vst v59  }
.Ltmp9:
0x290: {  	[tilespmem:$0x161E0] =	vst v3;
	(pc) =	sbr.rel @p0 .LBB2_1-.Ltmp9, $4  }
0x291: {  	[hbm4b:s13+s16] =	stream.strided.scatter [tilespmem:s20], [sflag:$0x1], $0x200, s17, s16, $0x38;
	[tilespmem:$0x16200] =	vst v63  }
0x292: {  	_ =	swait.ge [sflag:s15], $0x200  }
0x293: {  	[sflag:s15] =	ssyncset.done $0x0  }
0x294: {  	[sflag:s15] =	ssyncadd.s32 $0xFFFFFE00  }
0x295: {  	_ =	sfence.sel $0x180000  }
0x296: {  	[bflag:$0x0] =	sbarrier.arrive $0xFFFF  }
0x297: {  	p0 =	sne.s32 s2, $0x0;
	_ =	strace $0x90000047  }
0x298: {  	s0 =	sadd.s32 @!p0 $0x100000, s0;
	[bflag:$0x2] =	sbarrier.arrive $0xFFFF  }
0x299: {  	[sflag:s0] =	ssyncadd.tile.s32 @!p0 $0x1;
	_ =	shalt  }
.Lfunc_end2:
_tile_overlayer_lowered:
.L_overlay_start_2:
0x29a: {  	(tag) =	ssettag $0x2  }
0x29b: {  	s0 =	rddreg [dreg:$0x0];
	s2 =	stileid.u32  }
0x29c: {  	s1 =	rddreg [dreg:$0x1];
	p0 =	sne.s32 s2, $0x0  }
0x29d: {  	s3 =	rddreg [dreg:$0x2];
	[bflag:$0x3] =	sbarrier.arrive $0xFFFF;
	s2 =	simm.s32 @!p0 $0x1C01  }
0x29e: {  	[timem:s3], [sflag:s2] =	dma.local @!p0 [hbm:s0], s1  }
0x29f: {  	s0 =	simm.s32 @!p0 $0x1  }
0x2a0: {  	_ =	swait.ge @!p0 [sflag:s0], s1  }
0x2a1: {  	s1 =	ssub.s32 @!p0 $0x0, s1;
	[sflag:s0] =	ssyncset.done @!p0 $0x0  }
0x2a2: {  	[sflag:s0] =	ssyncadd.s32 @!p0 s1  }
0x2a3: {  	[bflag:$0x3] =	sbarrier.arrive $0xFFFF  }
0x2a4: {  	_ =	shalt  }

</sc_bundles>
